<compile_context>
chip_gen: v7x
topology: tpu7x:2x2x1
jax: 0.10.2.dev20260603
libtpu: 0.0.44.dev20260713+nightly
codegen_flags: <defaults>
</compile_context>

<pallas_src>
import jax
import jax.numpy as jnp
from jax import lax
from jax.experimental import pallas as pl
from jax.experimental.pallas import tpu as pltpu
from jax.experimental.pallas import tpu_sc as plsc

_N_NODES = 10000
_N_EDGES = 320000
_D_FEAT = 128
_NQ = 16
_N_GRAPHS = 64
_OUT = 10

_NW = 32
_EPW = _N_EDGES // _NW
_GSZ = 1024
_NFULL = _EPW // _GSZ
_EPI = _EPW - _NFULL * _GSZ
_CH = 128
_CH_PER_G = _GSZ // _CH
_EPI_CH = _EPI // _CH
_TAIL = _EPI - _EPI_CH * _CH
_NROWS = 10240
_RPT = _NROWS // 16

_PACK = 8
_FROWS = _NROWS // _PACK
_FBLK = 128
_TBLK = 640
_NBLK = _FROWS // _TBLK


def _make_sc_agg(with_deg, table_rows):
    def body(y_hbm, ei_hbm, z2_hbm, z1_hbm, ones_hbm, *out_and_scratch):
        if with_deg:
            (agg_out, deg_out, src_v, dst_v, rows_v, ones_v, degc_v,
             deg16_v, acc_s, deg_s, y_s, gsem, ssem) = out_and_scratch
        else:
            (agg_out, src_v, dst_v, rows_v, acc_s, y_s, gsem, ssem) = \
                out_and_scratch
        cid = lax.axis_index("c")
        sid = lax.axis_index("s")
        wid = sid * 2 + cid
        base = wid * _EPW

        ypt = table_rows // 16
        pltpu.sync_copy(z2_hbm, acc_s.at[pl.ds(sid * _RPT, _RPT)])
        pltpu.sync_copy(y_hbm.at[pl.ds(sid * ypt, ypt)],
                        y_s.at[pl.ds(sid * ypt, ypt)])
        if with_deg:
            pltpu.sync_copy(z1_hbm, deg_s.at[pl.ds(sid * _RPT, _RPT)])
            pltpu.sync_copy(ones_hbm, ones_v)
        pltpu.sync_copy(ei_hbm.at[0, pl.ds(base, _EPW)], src_v)
        pltpu.sync_copy(ei_hbm.at[1, pl.ds(base, _EPW)], dst_v)
        plsc.subcore_barrier()

        def scat(eoff, rows, roff, n):
            idx = dst_v.at[pl.ds(eoff, n)]
            pltpu.async_copy(rows.at[pl.ds(roff, n)], acc_s.at[idx],
                             ssem, add=True)

        def scat_wait(eoff, rows, roff, n):
            idx = dst_v.at[pl.ds(eoff, n)]
            pltpu.make_async_copy(rows.at[pl.ds(roff, n)], acc_s.at[idx],
                                  ssem).wait()

        def deg_scat(eoff, n):
            if with_deg:
                pltpu.async_copy(ones_v.at[pl.ds(0, n)],
                                 deg_s.at[dst_v.at[pl.ds(eoff, n)]],
                                 ssem, add=True)

        def deg_scat_wait(eoff, n):
            if with_deg:
                pltpu.make_async_copy(ones_v.at[pl.ds(0, n)],
                                      deg_s.at[dst_v.at[pl.ds(eoff, n)]],
                                      ssem).wait()

        pltpu.async_copy(y_s.at[src_v.at[pl.ds(0, _GSZ)]], rows_v.at[0],
                         gsem)

        def group(g, carry):
            buf = lax.rem(g, 2)
            rows = rows_v.at[buf]
            pltpu.make_async_copy(y_s.at[src_v.at[pl.ds(0, _GSZ)]], rows,
                                  gsem).wait()

            @pl.when(g + 1 < _NFULL)
            def _():
                pltpu.async_copy(
                    y_s.at[src_v.at[pl.ds((g + 1) * _GSZ, _GSZ)]],
                    rows_v.at[1 - buf], gsem)

            @pl.when(g + 1 == _NFULL)
            def _():
                pltpu.async_copy(
                    y_s.at[src_v.at[pl.ds(_NFULL * _GSZ, _EPI)]],
                    rows_v.at[1 - buf].at[pl.ds(0, _EPI)], gsem)

            for j in range(_CH_PER_G):
                scat(g * _GSZ + j * _CH, rows, j * _CH, _CH)
            deg_scat(g * _GSZ, _GSZ)
            for j in range(_CH_PER_G):
                scat_wait(g * _GSZ + j * _CH, rows, j * _CH, _CH)
            deg_scat_wait(g * _GSZ, _GSZ)
            return carry

        lax.fori_loop(0, _NFULL, group, 0)
        erows = rows_v.at[_NFULL % 2]
        pltpu.make_async_copy(y_s.at[src_v.at[pl.ds(0, _EPI)]],
                              erows.at[pl.ds(0, _EPI)], gsem).wait()
        ebase = _NFULL * _GSZ
        for j in range(_EPI_CH):
            scat(ebase + j * _CH, erows, j * _CH, _CH)
        scat(ebase + _EPI_CH * _CH, erows, _EPI_CH * _CH, _TAIL)
        deg_scat(ebase, _EPI)
        for j in range(_EPI_CH):
            scat_wait(ebase + j * _CH, erows, j * _CH, _CH)
        scat_wait(ebase + _EPI_CH * _CH, erows, _EPI_CH * _CH, _TAIL)
        deg_scat_wait(ebase, _EPI)
        plsc.subcore_barrier()

        pltpu.sync_copy(acc_s.at[pl.ds(sid * _RPT, _RPT)],
                        agg_out.at[cid, pl.ds(sid * _RPT, _RPT)])
        if with_deg:
            pltpu.sync_copy(deg_s.at[pl.ds(sid * _RPT, _RPT)], degc_v)

            def expand(i, carry):
                for k in range(16):
                    splat = plsc.load_gather(
                        degc_v, [jnp.full((16,), i * 16 + k, jnp.int32)])
                    deg16_v[i * 16 + k] = splat
                return carry

            lax.fori_loop(0, _RPT // 16, expand, 0)
            pltpu.sync_copy(deg16_v,
                            deg_out.at[cid, pl.ds(sid * _RPT, _RPT)])

    out_type = [jax.ShapeDtypeStruct((2, _NROWS, _NQ), jnp.float32)]
    scratch = [
        pltpu.VMEM((_EPW,), jnp.int32),
        pltpu.VMEM((_EPW,), jnp.int32),
        pltpu.VMEM((2, _GSZ, _NQ), jnp.float32),
        pltpu.VMEM_SHARED((_NROWS, _NQ), jnp.float32),
        pltpu.VMEM_SHARED((table_rows, _NQ), jnp.float32),
        pltpu.SemaphoreType.DMA,
        pltpu.SemaphoreType.DMA,
    ]
    if with_deg:
        out_type.append(jax.ShapeDtypeStruct((2, _NROWS, _NQ), jnp.float32))
        scratch.insert(3, pltpu.VMEM((_GSZ,), jnp.float32))
        scratch.insert(4, pltpu.VMEM((_RPT,), jnp.float32))
        scratch.insert(5, pltpu.VMEM((_RPT, _NQ), jnp.float32))
        scratch.insert(7, pltpu.VMEM_SHARED((_NROWS,), jnp.float32))
    return pl.kernel(
        body,
        out_type=tuple(out_type),
        mesh=plsc.VectorSubcoreMesh(core_axis_name="c", subcore_axis_name="s"),
        scratch_types=scratch,
        compiler_params=pltpu.CompilerParams(use_tc_tiling_on_sc=False,
                                             needs_layout_passes=False),
    )


_sc_agg_deg = _make_sc_agg(True, _N_NODES)
_sc_agg_nodeg = _make_sc_agg(False, _NROWS)


def _mm0_body(x2_ref, w_ref, o_ref):
    o_ref[...] = jnp.dot(x2_ref[...], w_ref[...],
                         preferred_element_type=jnp.float32)


def _shift128():
    row = lax.broadcasted_iota(jnp.int32, (_FBLK, _FBLK), 0)
    col = lax.broadcasted_iota(jnp.int32, (_FBLK, _FBLK), 1)
    same_blk = (row // _NQ) == (col // _NQ)
    rolled = ((row % _NQ) + 1) % _NQ == (col % _NQ)
    return (same_blk & rolled).astype(jnp.float32)


def _post(aggp, degp, c, s):
    a = aggp[0] + aggp[1]
    d = degp[0] + degp[1]
    h = jnp.tanh(a / jnp.maximum(d, 1.0))
    S = _shift128()
    for dd in range(2):
        h = (c[dd][None, :] * h
             + s[dd][None, :] * jnp.dot(h, S,
                                        preferred_element_type=jnp.float32))
    return jnp.where(h >= 0, h, 0.2 * h)


def _mid_body(aggp_ref, degp_ref, c_ref, s_ref, w_ref, o_ref):
    h = _post(aggp_ref[...], degp_ref[...], c_ref[...], s_ref[...])
    o_ref[...] = jnp.dot(h, w_ref[...], preferred_element_type=jnp.float32)


def _fin_body(aggp_ref, degp_ref, c_ref, s_ref, bt_ref, wc_ref, bc_ref,
              o_ref, sums, cnts):
    i = pl.program_id(0)
    h = _post(aggp_ref[...], degp_ref[...], c_ref[...], s_ref[...])
    bt = bt_ref[...]
    giota = lax.broadcasted_iota(jnp.int32, (_N_GRAPHS, _TBLK), 0)
    psum = jnp.zeros((_N_GRAPHS, _NQ), jnp.float32)
    osum = jnp.zeros((_N_GRAPHS, _TBLK), jnp.float32)
    for k in range(_PACK):
        onehot = (giota == bt[k][None, :]).astype(jnp.float32)
        hk = h[:, k * _NQ:(k + 1) * _NQ]
        psum += jnp.dot(onehot, hk, preferred_element_type=jnp.float32)
        osum += onehot
    pcnt = jnp.dot(osum, jnp.ones((_TBLK, _NQ), jnp.float32),
                   preferred_element_type=jnp.float32)

    @pl.when(i == 0)
    def _():
        sums[...] = jnp.zeros_like(sums)
        cnts[...] = jnp.zeros_like(cnts)

    sums[...] += psum
    cnts[...] += pcnt

    @pl.when(i == _NBLK - 1)
    def _():
        pooled = sums[...] / jnp.maximum(cnts[...], 1.0)
        o_ref[...] = (jnp.dot(pooled, wc_ref[...],
                              preferred_element_type=jnp.float32)
                      + bc_ref[...])


def _blockdiag(w):
    return jnp.kron(jnp.eye(_PACK, dtype=jnp.float32), w)


def kernel(x, edge_index, batch, W0, theta0, W1, theta1, Wc, bc):
    f32 = jnp.float32

    z2 = jnp.zeros((_RPT, _NQ), f32)
    z1 = jnp.zeros((_RPT,), f32)
    ones1 = jnp.ones((_GSZ,), f32)
    c0t = jnp.tile(jnp.cos(theta0), (1, _PACK))
    s0t = jnp.tile(jnp.sin(theta0), (1, _PACK))
    c1t = jnp.tile(jnp.cos(theta1), (1, _PACK))
    s1t = jnp.tile(jnp.sin(theta1), (1, _PACK))
    W0big = jnp.kron(jnp.eye(_PACK, dtype=f32), W0)
    W1big = _blockdiag(W1)
    batch_pad = jnp.concatenate(
        [batch, jnp.full((_NROWS - _N_NODES,), _N_GRAPHS, jnp.int32)])
    batchT = batch_pad.reshape(_FROWS, _PACK).T
    bc2 = bc.reshape(1, _OUT)
    x2 = x.reshape(_N_NODES // _PACK, _PACK * _D_FEAT)

    y0f = pl.pallas_call(
        _mm0_body,
        in_specs=[pl.BlockSpec(x2.shape, lambda: (0, 0)),
                  pl.BlockSpec(W0big.shape, lambda: (0, 0))],
        out_specs=pl.BlockSpec((_N_NODES // _PACK, _FBLK), lambda: (0, 0)),
        out_shape=jax.ShapeDtypeStruct((_N_NODES // _PACK, _FBLK), f32),
    )(x2, W0big)

    agg0, deg0 = _sc_agg_deg(y0f.reshape(_N_NODES, _NQ), edge_index,
                             z2, z1, ones1)
    agg0f = agg0.reshape(2, _FROWS, _FBLK)
    deg0f = deg0.reshape(2, _FROWS, _FBLK)

    y1f = pl.pallas_call(
        _mid_body,
        grid=(_NBLK,),
        in_specs=[pl.BlockSpec((2, _TBLK, _FBLK), lambda i: (0, i, 0)),
                  pl.BlockSpec((2, _TBLK, _FBLK), lambda i: (0, i, 0)),
                  pl.BlockSpec((2, _FBLK), lambda i: (0, 0)),
                  pl.BlockSpec((2, _FBLK), lambda i: (0, 0)),
                  pl.BlockSpec((_FBLK, _FBLK), lambda i: (0, 0))],
        out_specs=pl.BlockSpec((_TBLK, _FBLK), lambda i: (i, 0)),
        out_shape=jax.ShapeDtypeStruct((_FROWS, _FBLK), f32),
    )(agg0f, deg0f, c0t, s0t, W1big)

    (agg1,) = _sc_agg_nodeg(y1f.reshape(_NROWS, _NQ), edge_index,
                            z2, z1, ones1)
    agg1f = agg1.reshape(2, _FROWS, _FBLK)

    out = pl.pallas_call(
        _fin_body,
        grid=(_NBLK,),
        in_specs=[pl.BlockSpec((2, _TBLK, _FBLK), lambda i: (0, i, 0)),
                  pl.BlockSpec((2, _TBLK, _FBLK), lambda i: (0, i, 0)),
                  pl.BlockSpec((2, _FBLK), lambda i: (0, 0)),
                  pl.BlockSpec((2, _FBLK), lambda i: (0, 0)),
                  pl.BlockSpec((_PACK, _TBLK), lambda i: (0, i)),
                  pl.BlockSpec((_NQ, _OUT), lambda i: (0, 0)),
                  pl.BlockSpec((1, _OUT), lambda i: (0, 0))],
        out_specs=pl.BlockSpec((_N_GRAPHS, _OUT), lambda i: (0, 0)),
        out_shape=jax.ShapeDtypeStruct((_N_GRAPHS, _OUT), f32),
        scratch_shapes=[pltpu.VMEM((_N_GRAPHS, _NQ), f32),
                        pltpu.VMEM((_N_GRAPHS, _NQ), f32)],
    )(agg1f, deg0f, c1t, s1t, batchT, Wc, bc2)

    return out

# --- scband reference (transcript-rebuilt; emitter-appended) ---
"""Pipeline reference for scband-qgcn-15874199126536 (READ-ONLY COPY).

The authoritative reference and input builder live on the scoring server;
editing this copy changes nothing except your own understanding.
"""

import jax, jax.numpy as jnp
import numpy as np

N_NODES = 10000
N_EDGES = 320000
D_FEAT = 128
N_QUBITS = 16
N_GRAPHS = 64
OUT_DIMS = 10


def _leaky_relu(x, slope=0.2):
    return jnp.where(x >= 0, x, slope * x)


def _qgcn_conv(x, edge_index, W, theta, n_nodes):
    # GCN-style mean aggregation over incoming edges, then projection into the
    # n_qubits-dim 'quantum register', followed by q_depth variational layers
    # (per-qubit rotation + ring entanglement simulated as a roll-mix).
    src = edge_index[0]
    dst = edge_index[1]
    msgs = jnp.take(x, src, axis=0)
    agg = jax.ops.segment_sum(msgs, dst, num_segments=n_nodes)
    deg = jax.ops.segment_sum(jnp.ones_like(dst, dtype=jnp.float32), dst, num_segments=n_nodes)
    agg = agg / jnp.maximum(deg, 1.0)[:, None]
    h = jnp.tanh(agg @ W)
    q_depth = theta.shape[0]
    for d in range(q_depth):
        h = jnp.cos(theta[d])[None, :] * h + jnp.sin(theta[d])[None, :] * jnp.roll(h, 1, axis=1)
    return h


def setup_inputs(seed: int = 0) -> dict:
    key = jax.random.key(seed)
    ks = jax.random.split(key, 9)
    x = jax.random.normal(ks[0], (N_NODES, D_FEAT), dtype=jnp.float32)
    edge_index = jax.random.randint(ks[1], (2, N_EDGES), 0, N_NODES, dtype=jnp.int32)
    batch = jnp.sort(jax.random.randint(ks[2], (N_NODES,), 0, N_GRAPHS, dtype=jnp.int32))
    W0 = jax.random.normal(ks[3], (D_FEAT, N_QUBITS), dtype=jnp.float32) * 0.1
    theta0 = jax.random.normal(ks[4], (2, N_QUBITS), dtype=jnp.float32) * 0.1
    W1 = jax.random.normal(ks[5], (N_QUBITS, N_QUBITS), dtype=jnp.float32) * 0.1
    theta1 = jax.random.normal(ks[6], (2, N_QUBITS), dtype=jnp.float32) * 0.1
    Wc = jax.random.normal(ks[7], (N_QUBITS, OUT_DIMS), dtype=jnp.float32) * 0.1
    bc = jnp.zeros((OUT_DIMS,), dtype=jnp.float32)
    return {"x": x, "edge_index": edge_index, "batch": batch, "W0": W0, "theta0": theta0, "W1": W1, "theta1": theta1, "Wc": Wc, "bc": bc}


def reference(x, edge_index, batch, W0, theta0, W1, theta1, Wc, bc):
    n_nodes = x.shape[0]
    h = _qgcn_conv(x, edge_index, W0, theta0, n_nodes)
    h = _leaky_relu(h)
    h = _qgcn_conv(h, edge_index, W1, theta1, n_nodes)
    h = _leaky_relu(h)
    # global_mean_pool over graph ids
    sums = jax.ops.segment_sum(h, batch, num_segments=N_GRAPHS)
    cnt = jax.ops.segment_sum(jnp.ones_like(batch, dtype=jnp.float32), batch, num_segments=N_GRAPHS)
    pooled = sums / jnp.maximum(cnt, 1.0)[:, None]
    out = pooled @ Wc + bc[None, :]
    return out

if __name__ == "__main__":
    import jax
    _d = setup_inputs()
    print(jax.jit(kernel)(*tuple(_d.values())))

</pallas_src>

<mosaic_0001>
#map = affine_map<(d0, d1) -> (0, 0)>
#map1 = affine_map<(d0, d1) -> (0)>
#map2 = affine_map<(d0, d1) -> (0, 0, 0)>
module attributes {stable_mosaic.version = 14 : i64} {
  func.func @body(%arg0: i32, %arg1: i32, %arg2: memref<10000x16xf32, #tpu.memory_space<hbm>>, %arg3: memref<2x320000xi32, #tpu.memory_space<hbm>>, %arg4: memref<640x16xf32, #tpu.memory_space<hbm>>, %arg5: memref<640xf32, #tpu.memory_space<hbm>>, %arg6: memref<1024xf32, #tpu.memory_space<hbm>>, %arg7: memref<2x10240x16xf32, #tpu.memory_space<hbm>>, %arg8: memref<2x10240x16xf32, #tpu.memory_space<hbm>>, %arg9: memref<10000xi32, #tpu.memory_space<vmem>>, %arg10: memref<10000xi32, #tpu.memory_space<vmem>>, %arg11: memref<2x1024x16xf32, #tpu.memory_space<vmem>>, %arg12: memref<1024xf32, #tpu.memory_space<vmem>>, %arg13: memref<640xf32, #tpu.memory_space<vmem>>, %arg14: memref<640x16xf32, #tpu.memory_space<vmem>>, %arg15: memref<10240x16xf32, #tpu.memory_space<vmem_shared>>, %arg16: memref<10240xf32, #tpu.memory_space<vmem_shared>>, %arg17: memref<10000x16xf32, #tpu.memory_space<vmem_shared>>, %arg18: memref<!tpu.dma_semaphore, #tpu.memory_space<semaphore_mem>>, %arg19: memref<!tpu.dma_semaphore, #tpu.memory_space<semaphore_mem>>) attributes {dimension_semantics = [#tpu.dimension_semantics<core_parallel>, #tpu.dimension_semantics<subcore_parallel>], iteration_bounds = array<i64: 2, 16>, scalar_prefetch = 0 : i64, scratch_operands = 11 : i64, tpu.core_type = #tpu.core_type<sc_vector_subcore>, window_params = [{transform_indices = #map}, {transform_indices = #map}, {transform_indices = #map}, {transform_indices = #map1}, {transform_indices = #map1}, {transform_indices = #map2}, {transform_indices = #map2}]} {
    %mul3A = arith.constant 2 : i32
    %mul3A_0 = arith.muli %arg1, %mul3A : i32
    %add3A = arith.addi %mul3A_0, %arg0 : i32
    %mul3A_1 = arith.constant 10000 : i32
    %mul3A_2 = arith.muli %add3A, %mul3A_1 : i32
    %mul3A_3 = arith.constant 640 : i32
    %mul3A_4 = arith.muli %arg1, %mul3A_3 : i32
    "tpu.region"() ({
      %run_scoped3A_247 = tpu.sem_alloc : memref<!tpu.dma_semaphore, #tpu.memory_space<semaphore_mem>>
      %dma_start3A_248 = arith.constant 0 : i32
      %dma_start3A_249 = tpu.memref_slice %arg15[%mul3A_4, %dma_start3A_248] : memref<10240x16xf32, #tpu.memory_space<vmem_shared>> -> memref<640x16xf32, #tpu.memory_space<vmem_shared>>
      tpu.enqueue_dma source(%arg4 : memref<640x16xf32, #tpu.memory_space<hbm>>) target(%dma_start3A_249 : memref<640x16xf32, #tpu.memory_space<vmem_shared>>) target_semaphore(%run_scoped3A_247 : memref<!tpu.dma_semaphore, #tpu.memory_space<semaphore_mem>>)
      %dma_wait3A_250 = arith.constant 0 : i32
      %dma_wait3A_251 = tpu.memref_slice %arg15[%mul3A_4, %dma_wait3A_250] : memref<10240x16xf32, #tpu.memory_space<vmem_shared>> -> memref<640x16xf32, #tpu.memory_space<vmem_shared>>
      tpu.wait_dma2 semaphore(%run_scoped3A_247 : memref<!tpu.dma_semaphore, #tpu.memory_space<semaphore_mem>>) src(%arg4 : memref<640x16xf32, #tpu.memory_space<hbm>>) dst(%dma_wait3A_251 : memref<640x16xf32, #tpu.memory_space<vmem_shared>>)
      tpu.yield
    }) : () -> ()
    %mul3A_5 = arith.constant 625 : i32
    %mul3A_6 = arith.muli %arg1, %mul3A_5 : i32
    %mul3A_7 = arith.constant 625 : i32
    %mul3A_8 = arith.muli %arg1, %mul3A_7 : i32
    "tpu.region"() ({
      %run_scoped3A_247 = tpu.sem_alloc : memref<!tpu.dma_semaphore, #tpu.memory_space<semaphore_mem>>
      %dma_start3A_248 = arith.constant 0 : i32
      %dma_start3A_249 = tpu.memref_slice %arg17[%mul3A_8, %dma_start3A_248] : memref<10000x16xf32, #tpu.memory_space<vmem_shared>> -> memref<625x16xf32, #tpu.memory_space<vmem_shared>>
      %dma_start3A_250 = arith.constant 0 : i32
      %dma_start3A_251 = tpu.memref_slice %arg2[%mul3A_6, %dma_start3A_250] : memref<10000x16xf32, #tpu.memory_space<hbm>> -> memref<625x16xf32, #tpu.memory_space<hbm>>
      tpu.enqueue_dma source(%dma_start3A_251 : memref<625x16xf32, #tpu.memory_space<hbm>>) target(%dma_start3A_249 : memref<625x16xf32, #tpu.memory_space<vmem_shared>>) target_semaphore(%run_scoped3A_247 : memref<!tpu.dma_semaphore, #tpu.memory_space<semaphore_mem>>)
      %dma_wait3A_252 = arith.constant 0 : i32
      %dma_wait3A_253 = tpu.memref_slice %arg17[%mul3A_8, %dma_wait3A_252] : memref<10000x16xf32, #tpu.memory_space<vmem_shared>> -> memref<625x16xf32, #tpu.memory_space<vmem_shared>>
      %dma_wait3A_254 = arith.constant 0 : i32
      %dma_wait3A_255 = tpu.memref_slice %arg2[%mul3A_6, %dma_wait3A_254] : memref<10000x16xf32, #tpu.memory_space<hbm>> -> memref<625x16xf32, #tpu.memory_space<hbm>>
      tpu.wait_dma2 semaphore(%run_scoped3A_247 : memref<!tpu.dma_semaphore, #tpu.memory_space<semaphore_mem>>) src(%dma_wait3A_255 : memref<625x16xf32, #tpu.memory_space<hbm>>) dst(%dma_wait3A_253 : memref<625x16xf32, #tpu.memory_space<vmem_shared>>)
      tpu.yield
    }) : () -> ()
    %mul3A_9 = arith.constant 640 : i32
    %mul3A_10 = arith.muli %arg1, %mul3A_9 : i32
    "tpu.region"() ({
      %run_scoped3A_247 = tpu.sem_alloc : memref<!tpu.dma_semaphore, #tpu.memory_space<semaphore_mem>>
      %dma_start3A_248 = tpu.memref_slice %arg16[%mul3A_10] : memref<10240xf32, #tpu.memory_space<vmem_shared>> -> memref<640xf32, #tpu.memory_space<vmem_shared>>
      tpu.enqueue_dma source(%arg5 : memref<640xf32, #tpu.memory_space<hbm>>) target(%dma_start3A_248 : memref<640xf32, #tpu.memory_space<vmem_shared>>) target_semaphore(%run_scoped3A_247 : memref<!tpu.dma_semaphore, #tpu.memory_space<semaphore_mem>>)
      %dma_wait3A_249 = tpu.memref_slice %arg16[%mul3A_10] : memref<10240xf32, #tpu.memory_space<vmem_shared>> -> memref<640xf32, #tpu.memory_space<vmem_shared>>
      tpu.wait_dma2 semaphore(%run_scoped3A_247 : memref<!tpu.dma_semaphore, #tpu.memory_space<semaphore_mem>>) src(%arg5 : memref<640xf32, #tpu.memory_space<hbm>>) dst(%dma_wait3A_249 : memref<640xf32, #tpu.memory_space<vmem_shared>>)
      tpu.yield
    }) : () -> ()
    "tpu.region"() ({
      %run_scoped3A_247 = tpu.sem_alloc : memref<!tpu.dma_semaphore, #tpu.memory_space<semaphore_mem>>
      tpu.enqueue_dma source(%arg6 : memref<1024xf32, #tpu.memory_space<hbm>>) target(%arg12 : memref<1024xf32, #tpu.memory_space<vmem>>) target_semaphore(%run_scoped3A_247 : memref<!tpu.dma_semaphore, #tpu.memory_space<semaphore_mem>>)
      tpu.wait_dma2 semaphore(%run_scoped3A_247 : memref<!tpu.dma_semaphore, #tpu.memory_space<semaphore_mem>>) src(%arg6 : memref<1024xf32, #tpu.memory_space<hbm>>) dst(%arg12 : memref<1024xf32, #tpu.memory_space<vmem>>)
      tpu.yield
    }) : () -> ()
    %run_scoped3A = arith.constant 0 : i32
    "tpu.region"() ({
      %run_scoped3A_247 = tpu.sem_alloc : memref<!tpu.dma_semaphore, #tpu.memory_space<semaphore_mem>>
      %dma_start3A_248 = tpu.memref_slice %arg3[%run_scoped3A, %mul3A_2] : memref<2x320000xi32, #tpu.memory_space<hbm>> -> memref<1x10000xi32, #tpu.memory_space<hbm>>
      %dma_start3A_249 = tpu.memref_squeeze %dma_start3A_248 : memref<1x10000xi32, #tpu.memory_space<hbm>> -> memref<10000xi32, #tpu.memory_space<hbm>>
      %dma_start3A_250 = tpu.memref_slice %arg3[%run_scoped3A, %mul3A_2] : memref<2x320000xi32, #tpu.memory_space<hbm>> -> memref<1x10000xi32, #tpu.memory_space<hbm>>
      %dma_start3A_251 = tpu.memref_squeeze %dma_start3A_250 : memref<1x10000xi32, #tpu.memory_space<hbm>> -> memref<10000xi32, #tpu.memory_space<hbm>>
      tpu.enqueue_dma source(%dma_start3A_251 : memref<10000xi32, #tpu.memory_space<hbm>>) target(%arg9 : memref<10000xi32, #tpu.memory_space<vmem>>) target_semaphore(%run_scoped3A_247 : memref<!tpu.dma_semaphore, #tpu.memory_space<semaphore_mem>>)
      %dma_wait3A_252 = tpu.memref_slice %arg3[%run_scoped3A, %mul3A_2] : memref<2x320000xi32, #tpu.memory_space<hbm>> -> memref<1x10000xi32, #tpu.memory_space<hbm>>
      %dma_wait3A_253 = tpu.memref_squeeze %dma_wait3A_252 : memref<1x10000xi32, #tpu.memory_space<hbm>> -> memref<10000xi32, #tpu.memory_space<hbm>>
      %dma_wait3A_254 = tpu.memref_slice %arg3[%run_scoped3A, %mul3A_2] : memref<2x320000xi32, #tpu.memory_space<hbm>> -> memref<1x10000xi32, #tpu.memory_space<hbm>>
      %dma_wait3A_255 = tpu.memref_squeeze %dma_wait3A_254 : memref<1x10000xi32, #tpu.memory_space<hbm>> -> memref<10000xi32, #tpu.memory_space<hbm>>
      tpu.wait_dma2 semaphore(%run_scoped3A_247 : memref<!tpu.dma_semaphore, #tpu.memory_space<semaphore_mem>>) src(%dma_wait3A_255 : memref<10000xi32, #tpu.memory_space<hbm>>) dst(%arg9 : memref<10000xi32, #tpu.memory_space<vmem>>)
      tpu.yield
    }) : () -> ()
    %run_scoped3A_11 = arith.constant 1 : i32
    "tpu.region"() ({
      %run_scoped3A_247 = tpu.sem_alloc : memref<!tpu.dma_semaphore, #tpu.memory_space<semaphore_mem>>
      %dma_start3A_248 = tpu.memref_slice %arg3[%run_scoped3A_11, %mul3A_2] : memref<2x320000xi32, #tpu.memory_space<hbm>> -> memref<1x10000xi32, #tpu.memory_space<hbm>>
      %dma_start3A_249 = tpu.memref_squeeze %dma_start3A_248 : memref<1x10000xi32, #tpu.memory_space<hbm>> -> memref<10000xi32, #tpu.memory_space<hbm>>
      %dma_start3A_250 = tpu.memref_slice %arg3[%run_scoped3A_11, %mul3A_2] : memref<2x320000xi32, #tpu.memory_space<hbm>> -> memref<1x10000xi32, #tpu.memory_space<hbm>>
      %dma_start3A_251 = tpu.memref_squeeze %dma_start3A_250 : memref<1x10000xi32, #tpu.memory_space<hbm>> -> memref<10000xi32, #tpu.memory_space<hbm>>
      tpu.enqueue_dma source(%dma_start3A_251 : memref<10000xi32, #tpu.memory_space<hbm>>) target(%arg10 : memref<10000xi32, #tpu.memory_space<vmem>>) target_semaphore(%run_scoped3A_247 : memref<!tpu.dma_semaphore, #tpu.memory_space<semaphore_mem>>)
      %dma_wait3A_252 = tpu.memref_slice %arg3[%run_scoped3A_11, %mul3A_2] : memref<2x320000xi32, #tpu.memory_space<hbm>> -> memref<1x10000xi32, #tpu.memory_space<hbm>>
      %dma_wait3A_253 = tpu.memref_squeeze %dma_wait3A_252 : memref<1x10000xi32, #tpu.memory_space<hbm>> -> memref<10000xi32, #tpu.memory_space<hbm>>
      %dma_wait3A_254 = tpu.memref_slice %arg3[%run_scoped3A_11, %mul3A_2] : memref<2x320000xi32, #tpu.memory_space<hbm>> -> memref<1x10000xi32, #tpu.memory_space<hbm>>
      %dma_wait3A_255 = tpu.memref_squeeze %dma_wait3A_254 : memref<1x10000xi32, #tpu.memory_space<hbm>> -> memref<10000xi32, #tpu.memory_space<hbm>>
      tpu.wait_dma2 semaphore(%run_scoped3A_247 : memref<!tpu.dma_semaphore, #tpu.memory_space<semaphore_mem>>) src(%dma_wait3A_255 : memref<10000xi32, #tpu.memory_space<hbm>>) dst(%arg10 : memref<10000xi32, #tpu.memory_space<vmem>>)
      tpu.yield
    }) : () -> ()
    %barrier3A = arith.constant 0 : index
    tpu.barrier barrier_id(%barrier3A)
    %dma_start3A = arith.constant 0 : i32
    %dma_start3A_12 = arith.constant 0 : i32
    %dma_start3A_13 = arith.constant 0 : i32
    %dma_start3A_14 = tpu.memref_slice %arg11[%dma_start3A, %dma_start3A_12, %dma_start3A_13] : memref<2x1024x16xf32, #tpu.memory_space<vmem>> -> memref<1x1024x16xf32, #tpu.memory_space<vmem>>
    %dma_start3A_15 = tpu.memref_squeeze %dma_start3A_14 : memref<1x1024x16xf32, #tpu.memory_space<vmem>> -> memref<1024x16xf32, #tpu.memory_space<vmem>>
    %dma_start3A_16 = arith.constant 0 : i32
    %dma_start3A_17 = tpu.memref_slice %arg9[%dma_start3A_16] : memref<10000xi32, #tpu.memory_space<vmem>> -> memref<1024xi32, #tpu.memory_space<vmem>>
    %dma_start3A_18 = arith.constant 0 : i32
    %dma_start3A_19 = arith.constant 0 : i32
    %dma_start3A_20 = tpu.memref_slice %arg17[%dma_start3A_18, %dma_start3A_19] : memref<10000x16xf32, #tpu.memory_space<vmem_shared>> -> memref<10000x16xf32, #tpu.memory_space<vmem_shared>>
    tpu.enqueue_indirect_dma source(%dma_start3A_20 : memref<10000x16xf32, #tpu.memory_space<vmem_shared>>) target(%dma_start3A_15 : memref<1024x16xf32, #tpu.memory_space<vmem>>) offsets(%dma_start3A_17 : memref<1024xi32, #tpu.memory_space<vmem>>) semaphore(%arg18 : memref<!tpu.dma_semaphore, #tpu.memory_space<semaphore_mem>>)
    %scan3A = arith.constant 0 : i32
    %scan3A_21 = arith.constant 0 : i32
    %scan3A_22 = arith.constant 9 : i32
    %scan3A_23 = arith.addi %scan3A_21, %scan3A_22 : i32
    %scan3A_24 = arith.constant 1 : i32
    scf.for %scan3A_247 = %scan3A_21 to %scan3A_23 step %scan3A_24  : i32 {
      %rem3A = arith.constant 2 : i32
      %rem3A_248 = arith.remsi %scan3A_247, %rem3A : i32
      %dma_wait3A_249 = arith.constant 0 : i32
      %dma_wait3A_250 = arith.constant 0 : i32
      %dma_wait3A_251 = tpu.memref_slice %arg11[%rem3A_248, %dma_wait3A_249, %dma_wait3A_250] : memref<2x1024x16xf32, #tpu.memory_space<vmem>> -> memref<1x1024x16xf32, #tpu.memory_space<vmem>>
      %dma_wait3A_252 = tpu.memref_squeeze %dma_wait3A_251 : memref<1x1024x16xf32, #tpu.memory_space<vmem>> -> memref<1024x16xf32, #tpu.memory_space<vmem>>
      %dma_wait3A_253 = arith.constant 0 : i32
      %dma_wait3A_254 = tpu.memref_slice %arg9[%dma_wait3A_253] : memref<10000xi32, #tpu.memory_space<vmem>> -> memref<1024xi32, #tpu.memory_space<vmem>>
      %dma_wait3A_255 = arith.constant 0 : i32
      %dma_wait3A_256 = arith.constant 0 : i32
      %dma_wait3A_257 = tpu.memref_slice %arg17[%dma_wait3A_255, %dma_wait3A_256] : memref<10000x16xf32, #tpu.memory_space<vmem_shared>> -> memref<10000x16xf32, #tpu.memory_space<vmem_shared>>
      tpu.wait_indirect_dma semaphore(%arg18 : memref<!tpu.dma_semaphore, #tpu.memory_space<semaphore_mem>>) src(%dma_wait3A_257 : memref<10000x16xf32, #tpu.memory_space<vmem_shared>>) dst(%dma_wait3A_252 : memref<1024x16xf32, #tpu.memory_space<vmem>>)
      %add3A_258 = arith.constant 1 : i32
      %add3A_259 = arith.addi %scan3A_247, %add3A_258 : i32
      %lt3A = arith.constant 9 : i32
      %lt3A_260 = arith.cmpi slt, %add3A_259, %lt3A : i32
      %convert_element_type3A = arith.extui %lt3A_260 : i1 to i32
      %cond3A = arith.constant 0 : i32
      %cond3A_261 = arith.cmpi ne, %convert_element_type3A, %cond3A : i32
      scf.if %cond3A_261 {
        %add3A_522 = arith.constant 1 : i32
        %add3A_523 = arith.addi %scan3A_247, %add3A_522 : i32
        %mul3A_524 = arith.constant 1024 : i32
        %mul3A_525 = arith.muli %add3A_523, %mul3A_524 : i32
        %sub3A = arith.constant 1 : i32
        %sub3A_526 = arith.subi %sub3A, %rem3A_248 : i32
        %dma_start3A_527 = arith.constant 0 : i32
        %dma_start3A_528 = arith.constant 0 : i32
        %dma_start3A_529 = tpu.memref_slice %arg11[%sub3A_526, %dma_start3A_527, %dma_start3A_528] : memref<2x1024x16xf32, #tpu.memory_space<vmem>> -> memref<1x1024x16xf32, #tpu.memory_space<vmem>>
        %dma_start3A_530 = tpu.memref_squeeze %dma_start3A_529 : memref<1x1024x16xf32, #tpu.memory_space<vmem>> -> memref<1024x16xf32, #tpu.memory_space<vmem>>
        %dma_start3A_531 = tpu.memref_slice %arg9[%mul3A_525] : memref<10000xi32, #tpu.memory_space<vmem>> -> memref<1024xi32, #tpu.memory_space<vmem>>
        %dma_start3A_532 = arith.constant 0 : i32
        %dma_start3A_533 = arith.constant 0 : i32
        %dma_start3A_534 = tpu.memref_slice %arg17[%dma_start3A_532, %dma_start3A_533] : memref<10000x16xf32, #tpu.memory_space<vmem_shared>> -> memref<10000x16xf32, #tpu.memory_space<vmem_shared>>
        tpu.enqueue_indirect_dma source(%dma_start3A_534 : memref<10000x16xf32, #tpu.memory_space<vmem_shared>>) target(%dma_start3A_530 : memref<1024x16xf32, #tpu.memory_space<vmem>>) offsets(%dma_start3A_531 : memref<1024xi32, #tpu.memory_space<vmem>>) semaphore(%arg18 : memref<!tpu.dma_semaphore, #tpu.memory_space<semaphore_mem>>)
      } else {
      }
      %add3A_262 = arith.constant 1 : i32
      %add3A_263 = arith.addi %scan3A_247, %add3A_262 : i32
      %eq3A = arith.constant 9 : i32
      %eq3A_264 = arith.cmpi eq, %add3A_263, %eq3A : i32
      %convert_element_type3A_265 = arith.extui %eq3A_264 : i1 to i32
      %cond3A_266 = arith.constant 0 : i32
      %cond3A_267 = arith.cmpi ne, %convert_element_type3A_265, %cond3A_266 : i32
      scf.if %cond3A_267 {
        %sub3A = arith.constant 1 : i32
        %sub3A_522 = arith.subi %sub3A, %rem3A_248 : i32
        %dma_start3A_523 = arith.constant 0 : i32
        %dma_start3A_524 = arith.constant 0 : i32
        %dma_start3A_525 = tpu.memref_slice %arg11[%sub3A_522, %dma_start3A_523, %dma_start3A_524] : memref<2x1024x16xf32, #tpu.memory_space<vmem>> -> memref<1x1024x16xf32, #tpu.memory_space<vmem>>
        %dma_start3A_526 = tpu.memref_squeeze %dma_start3A_525 : memref<1x1024x16xf32, #tpu.memory_space<vmem>> -> memref<1024x16xf32, #tpu.memory_space<vmem>>
        %dma_start3A_527 = arith.constant 0 : i32
        %dma_start3A_528 = arith.constant 0 : i32
        %dma_start3A_529 = tpu.memref_slice %dma_start3A_526[%dma_start3A_527, %dma_start3A_528] : memref<1024x16xf32, #tpu.memory_space<vmem>> -> memref<784x16xf32, #tpu.memory_space<vmem>>
        %dma_start3A_530 = arith.constant 9216 : i32
        %dma_start3A_531 = tpu.memref_slice %arg9[%dma_start3A_530] : memref<10000xi32, #tpu.memory_space<vmem>> -> memref<784xi32, #tpu.memory_space<vmem>>
        %dma_start3A_532 = arith.constant 0 : i32
        %dma_start3A_533 = arith.constant 0 : i32
        %dma_start3A_534 = tpu.memref_slice %arg17[%dma_start3A_532, %dma_start3A_533] : memref<10000x16xf32, #tpu.memory_space<vmem_shared>> -> memref<10000x16xf32, #tpu.memory_space<vmem_shared>>
        tpu.enqueue_indirect_dma source(%dma_start3A_534 : memref<10000x16xf32, #tpu.memory_space<vmem_shared>>) target(%dma_start3A_529 : memref<784x16xf32, #tpu.memory_space<vmem>>) offsets(%dma_start3A_531 : memref<784xi32, #tpu.memory_space<vmem>>) semaphore(%arg18 : memref<!tpu.dma_semaphore, #tpu.memory_space<semaphore_mem>>)
      } else {
      }
      %mul3A_268 = arith.constant 1024 : i32
      %mul3A_269 = arith.muli %scan3A_247, %mul3A_268 : i32
      %add3A_270 = arith.constant 0 : i32
      %add3A_271 = arith.addi %mul3A_269, %add3A_270 : i32
      %dma_start3A_272 = arith.constant 0 : i32
      %dma_start3A_273 = arith.constant 0 : i32
      %dma_start3A_274 = tpu.memref_slice %arg11[%rem3A_248, %dma_start3A_272, %dma_start3A_273] : memref<2x1024x16xf32, #tpu.memory_space<vmem>> -> memref<1x1024x16xf32, #tpu.memory_space<vmem>>
      %dma_start3A_275 = tpu.memref_squeeze %dma_start3A_274 : memref<1x1024x16xf32, #tpu.memory_space<vmem>> -> memref<1024x16xf32, #tpu.memory_space<vmem>>
      %dma_start3A_276 = arith.constant 0 : i32
      %dma_start3A_277 = arith.constant 0 : i32
      %dma_start3A_278 = tpu.memref_slice %dma_start3A_275[%dma_start3A_276, %dma_start3A_277] : memref<1024x16xf32, #tpu.memory_space<vmem>> -> memref<128x16xf32, #tpu.memory_space<vmem>>
      %dma_start3A_279 = tpu.memref_slice %arg10[%add3A_271] : memref<10000xi32, #tpu.memory_space<vmem>> -> memref<128xi32, #tpu.memory_space<vmem>>
      %dma_start3A_280 = arith.constant 0 : i32
      %dma_start3A_281 = arith.constant 0 : i32
      %dma_start3A_282 = tpu.memref_slice %arg15[%dma_start3A_280, %dma_start3A_281] : memref<10240x16xf32, #tpu.memory_space<vmem_shared>> -> memref<10240x16xf32, #tpu.memory_space<vmem_shared>>
      tpu.enqueue_indirect_dma source(%dma_start3A_278 : memref<128x16xf32, #tpu.memory_space<vmem>>) target(%dma_start3A_282 : memref<10240x16xf32, #tpu.memory_space<vmem_shared>>) offsets(%dma_start3A_279 : memref<128xi32, #tpu.memory_space<vmem>>) semaphore(%arg19 : memref<!tpu.dma_semaphore, #tpu.memory_space<semaphore_mem>>) {add = true}
      %mul3A_283 = arith.constant 1024 : i32
      %mul3A_284 = arith.muli %scan3A_247, %mul3A_283 : i32
      %add3A_285 = arith.constant 128 : i32
      %add3A_286 = arith.addi %mul3A_284, %add3A_285 : i32
      %dma_start3A_287 = arith.constant 0 : i32
      %dma_start3A_288 = arith.constant 0 : i32
      %dma_start3A_289 = tpu.memref_slice %arg11[%rem3A_248, %dma_start3A_287, %dma_start3A_288] : memref<2x1024x16xf32, #tpu.memory_space<vmem>> -> memref<1x1024x16xf32, #tpu.memory_space<vmem>>
      %dma_start3A_290 = tpu.memref_squeeze %dma_start3A_289 : memref<1x1024x16xf32, #tpu.memory_space<vmem>> -> memref<1024x16xf32, #tpu.memory_space<vmem>>
      %dma_start3A_291 = arith.constant 128 : i32
      %dma_start3A_292 = arith.constant 0 : i32
      %dma_start3A_293 = tpu.memref_slice %dma_start3A_290[%dma_start3A_291, %dma_start3A_292] : memref<1024x16xf32, #tpu.memory_space<vmem>> -> memref<128x16xf32, #tpu.memory_space<vmem>>
      %dma_start3A_294 = tpu.memref_slice %arg10[%add3A_286] : memref<10000xi32, #tpu.memory_space<vmem>> -> memref<128xi32, #tpu.memory_space<vmem>>
      %dma_start3A_295 = arith.constant 0 : i32
      %dma_start3A_296 = arith.constant 0 : i32
      %dma_start3A_297 = tpu.memref_slice %arg15[%dma_start3A_295, %dma_start3A_296] : memref<10240x16xf32, #tpu.memory_space<vmem_shared>> -> memref<10240x16xf32, #tpu.memory_space<vmem_shared>>
      tpu.enqueue_indirect_dma source(%dma_start3A_293 : memref<128x16xf32, #tpu.memory_space<vmem>>) target(%dma_start3A_297 : memref<10240x16xf32, #tpu.memory_space<vmem_shared>>) offsets(%dma_start3A_294 : memref<128xi32, #tpu.memory_space<vmem>>) semaphore(%arg19 : memref<!tpu.dma_semaphore, #tpu.memory_space<semaphore_mem>>) {add = true}
      %mul3A_298 = arith.constant 1024 : i32
      %mul3A_299 = arith.muli %scan3A_247, %mul3A_298 : i32
      %add3A_300 = arith.constant 256 : i32
      %add3A_301 = arith.addi %mul3A_299, %add3A_300 : i32
      %dma_start3A_302 = arith.constant 0 : i32
      %dma_start3A_303 = arith.constant 0 : i32
      %dma_start3A_304 = tpu.memref_slice %arg11[%rem3A_248, %dma_start3A_302, %dma_start3A_303] : memref<2x1024x16xf32, #tpu.memory_space<vmem>> -> memref<1x1024x16xf32, #tpu.memory_space<vmem>>
      %dma_start3A_305 = tpu.memref_squeeze %dma_start3A_304 : memref<1x1024x16xf32, #tpu.memory_space<vmem>> -> memref<1024x16xf32, #tpu.memory_space<vmem>>
      %dma_start3A_306 = arith.constant 256 : i32
      %dma_start3A_307 = arith.constant 0 : i32
      %dma_start3A_308 = tpu.memref_slice %dma_start3A_305[%dma_start3A_306, %dma_start3A_307] : memref<1024x16xf32, #tpu.memory_space<vmem>> -> memref<128x16xf32, #tpu.memory_space<vmem>>
      %dma_start3A_309 = tpu.memref_slice %arg10[%add3A_301] : memref<10000xi32, #tpu.memory_space<vmem>> -> memref<128xi32, #tpu.memory_space<vmem>>
      %dma_start3A_310 = arith.constant 0 : i32
      %dma_start3A_311 = arith.constant 0 : i32
      %dma_start3A_312 = tpu.memref_slice %arg15[%dma_start3A_310, %dma_start3A_311] : memref<10240x16xf32, #tpu.memory_space<vmem_shared>> -> memref<10240x16xf32, #tpu.memory_space<vmem_shared>>
      tpu.enqueue_indirect_dma source(%dma_start3A_308 : memref<128x16xf32, #tpu.memory_space<vmem>>) target(%dma_start3A_312 : memref<10240x16xf32, #tpu.memory_space<vmem_shared>>) offsets(%dma_start3A_309 : memref<128xi32, #tpu.memory_space<vmem>>) semaphore(%arg19 : memref<!tpu.dma_semaphore, #tpu.memory_space<semaphore_mem>>) {add = true}
      %mul3A_313 = arith.constant 1024 : i32
      %mul3A_314 = arith.muli %scan3A_247, %mul3A_313 : i32
      %add3A_315 = arith.constant 384 : i32
      %add3A_316 = arith.addi %mul3A_314, %add3A_315 : i32
      %dma_start3A_317 = arith.constant 0 : i32
      %dma_start3A_318 = arith.constant 0 : i32
      %dma_start3A_319 = tpu.memref_slice %arg11[%rem3A_248, %dma_start3A_317, %dma_start3A_318] : memref<2x1024x16xf32, #tpu.memory_space<vmem>> -> memref<1x1024x16xf32, #tpu.memory_space<vmem>>
      %dma_start3A_320 = tpu.memref_squeeze %dma_start3A_319 : memref<1x1024x16xf32, #tpu.memory_space<vmem>> -> memref<1024x16xf32, #tpu.memory_space<vmem>>
      %dma_start3A_321 = arith.constant 384 : i32
      %dma_start3A_322 = arith.constant 0 : i32
      %dma_start3A_323 = tpu.memref_slice %dma_start3A_320[%dma_start3A_321, %dma_start3A_322] : memref<1024x16xf32, #tpu.memory_space<vmem>> -> memref<128x16xf32, #tpu.memory_space<vmem>>
      %dma_start3A_324 = tpu.memref_slice %arg10[%add3A_316] : memref<10000xi32, #tpu.memory_space<vmem>> -> memref<128xi32, #tpu.memory_space<vmem>>
      %dma_start3A_325 = arith.constant 0 : i32
      %dma_start3A_326 = arith.constant 0 : i32
      %dma_start3A_327 = tpu.memref_slice %arg15[%dma_start3A_325, %dma_start3A_326] : memref<10240x16xf32, #tpu.memory_space<vmem_shared>> -> memref<10240x16xf32, #tpu.memory_space<vmem_shared>>
      tpu.enqueue_indirect_dma source(%dma_start3A_323 : memref<128x16xf32, #tpu.memory_space<vmem>>) target(%dma_start3A_327 : memref<10240x16xf32, #tpu.memory_space<vmem_shared>>) offsets(%dma_start3A_324 : memref<128xi32, #tpu.memory_space<vmem>>) semaphore(%arg19 : memref<!tpu.dma_semaphore, #tpu.memory_space<semaphore_mem>>) {add = true}
      %mul3A_328 = arith.constant 1024 : i32
      %mul3A_329 = arith.muli %scan3A_247, %mul3A_328 : i32
      %add3A_330 = arith.constant 512 : i32
      %add3A_331 = arith.addi %mul3A_329, %add3A_330 : i32
      %dma_start3A_332 = arith.constant 0 : i32
      %dma_start3A_333 = arith.constant 0 : i32
      %dma_start3A_334 = tpu.memref_slice %arg11[%rem3A_248, %dma_start3A_332, %dma_start3A_333] : memref<2x1024x16xf32, #tpu.memory_space<vmem>> -> memref<1x1024x16xf32, #tpu.memory_space<vmem>>
      %dma_start3A_335 = tpu.memref_squeeze %dma_start3A_334 : memref<1x1024x16xf32, #tpu.memory_space<vmem>> -> memref<1024x16xf32, #tpu.memory_space<vmem>>
      %dma_start3A_336 = arith.constant 512 : i32
      %dma_start3A_337 = arith.constant 0 : i32
      %dma_start3A_338 = tpu.memref_slice %dma_start3A_335[%dma_start3A_336, %dma_start3A_337] : memref<1024x16xf32, #tpu.memory_space<vmem>> -> memref<128x16xf32, #tpu.memory_space<vmem>>
      %dma_start3A_339 = tpu.memref_slice %arg10[%add3A_331] : memref<10000xi32, #tpu.memory_space<vmem>> -> memref<128xi32, #tpu.memory_space<vmem>>
      %dma_start3A_340 = arith.constant 0 : i32
      %dma_start3A_341 = arith.constant 0 : i32
      %dma_start3A_342 = tpu.memref_slice %arg15[%dma_start3A_340, %dma_start3A_341] : memref<10240x16xf32, #tpu.memory_space<vmem_shared>> -> memref<10240x16xf32, #tpu.memory_space<vmem_shared>>
      tpu.enqueue_indirect_dma source(%dma_start3A_338 : memref<128x16xf32, #tpu.memory_space<vmem>>) target(%dma_start3A_342 : memref<10240x16xf32, #tpu.memory_space<vmem_shared>>) offsets(%dma_start3A_339 : memref<128xi32, #tpu.memory_space<vmem>>) semaphore(%arg19 : memref<!tpu.dma_semaphore, #tpu.memory_space<semaphore_mem>>) {add = true}
      %mul3A_343 = arith.constant 1024 : i32
      %mul3A_344 = arith.muli %scan3A_247, %mul3A_343 : i32
      %add3A_345 = arith.constant 640 : i32
      %add3A_346 = arith.addi %mul3A_344, %add3A_345 : i32
      %dma_start3A_347 = arith.constant 0 : i32
      %dma_start3A_348 = arith.constant 0 : i32
      %dma_start3A_349 = tpu.memref_slice %arg11[%rem3A_248, %dma_start3A_347, %dma_start3A_348] : memref<2x1024x16xf32, #tpu.memory_space<vmem>> -> memref<1x1024x16xf32, #tpu.memory_space<vmem>>
      %dma_start3A_350 = tpu.memref_squeeze %dma_start3A_349 : memref<1x1024x16xf32, #tpu.memory_space<vmem>> -> memref<1024x16xf32, #tpu.memory_space<vmem>>
      %dma_start3A_351 = arith.constant 640 : i32
      %dma_start3A_352 = arith.constant 0 : i32
      %dma_start3A_353 = tpu.memref_slice %dma_start3A_350[%dma_start3A_351, %dma_start3A_352] : memref<1024x16xf32, #tpu.memory_space<vmem>> -> memref<128x16xf32, #tpu.memory_space<vmem>>
      %dma_start3A_354 = tpu.memref_slice %arg10[%add3A_346] : memref<10000xi32, #tpu.memory_space<vmem>> -> memref<128xi32, #tpu.memory_space<vmem>>
      %dma_start3A_355 = arith.constant 0 : i32
      %dma_start3A_356 = arith.constant 0 : i32
      %dma_start3A_357 = tpu.memref_slice %arg15[%dma_start3A_355, %dma_start3A_356] : memref<10240x16xf32, #tpu.memory_space<vmem_shared>> -> memref<10240x16xf32, #tpu.memory_space<vmem_shared>>
      tpu.enqueue_indirect_dma source(%dma_start3A_353 : memref<128x16xf32, #tpu.memory_space<vmem>>) target(%dma_start3A_357 : memref<10240x16xf32, #tpu.memory_space<vmem_shared>>) offsets(%dma_start3A_354 : memref<128xi32, #tpu.memory_space<vmem>>) semaphore(%arg19 : memref<!tpu.dma_semaphore, #tpu.memory_space<semaphore_mem>>) {add = true}
      %mul3A_358 = arith.constant 1024 : i32
      %mul3A_359 = arith.muli %scan3A_247, %mul3A_358 : i32
      %add3A_360 = arith.constant 768 : i32
      %add3A_361 = arith.addi %mul3A_359, %add3A_360 : i32
      %dma_start3A_362 = arith.constant 0 : i32
      %dma_start3A_363 = arith.constant 0 : i32
      %dma_start3A_364 = tpu.memref_slice %arg11[%rem3A_248, %dma_start3A_362, %dma_start3A_363] : memref<2x1024x16xf32, #tpu.memory_space<vmem>> -> memref<1x1024x16xf32, #tpu.memory_space<vmem>>
      %dma_start3A_365 = tpu.memref_squeeze %dma_start3A_364 : memref<1x1024x16xf32, #tpu.memory_space<vmem>> -> memref<1024x16xf32, #tpu.memory_space<vmem>>
      %dma_start3A_366 = arith.constant 768 : i32
      %dma_start3A_367 = arith.constant 0 : i32
      %dma_start3A_368 = tpu.memref_slice %dma_start3A_365[%dma_start3A_366, %dma_start3A_367] : memref<1024x16xf32, #tpu.memory_space<vmem>> -> memref<128x16xf32, #tpu.memory_space<vmem>>
      %dma_start3A_369 = tpu.memref_slice %arg10[%add3A_361] : memref<10000xi32, #tpu.memory_space<vmem>> -> memref<128xi32, #tpu.memory_space<vmem>>
      %dma_start3A_370 = arith.constant 0 : i32
      %dma_start3A_371 = arith.constant 0 : i32
      %dma_start3A_372 = tpu.memref_slice %arg15[%dma_start3A_370, %dma_start3A_371] : memref<10240x16xf32, #tpu.memory_space<vmem_shared>> -> memref<10240x16xf32, #tpu.memory_space<vmem_shared>>
      tpu.enqueue_indirect_dma source(%dma_start3A_368 : memref<128x16xf32, #tpu.memory_space<vmem>>) target(%dma_start3A_372 : memref<10240x16xf32, #tpu.memory_space<vmem_shared>>) offsets(%dma_start3A_369 : memref<128xi32, #tpu.memory_space<vmem>>) semaphore(%arg19 : memref<!tpu.dma_semaphore, #tpu.memory_space<semaphore_mem>>) {add = true}
      %mul3A_373 = arith.constant 1024 : i32
      %mul3A_374 = arith.muli %scan3A_247, %mul3A_373 : i32
      %add3A_375 = arith.constant 896 : i32
      %add3A_376 = arith.addi %mul3A_374, %add3A_375 : i32
      %dma_start3A_377 = arith.constant 0 : i32
      %dma_start3A_378 = arith.constant 0 : i32
      %dma_start3A_379 = tpu.memref_slice %arg11[%rem3A_248, %dma_start3A_377, %dma_start3A_378] : memref<2x1024x16xf32, #tpu.memory_space<vmem>> -> memref<1x1024x16xf32, #tpu.memory_space<vmem>>
      %dma_start3A_380 = tpu.memref_squeeze %dma_start3A_379 : memref<1x1024x16xf32, #tpu.memory_space<vmem>> -> memref<1024x16xf32, #tpu.memory_space<vmem>>
      %dma_start3A_381 = arith.constant 896 : i32
      %dma_start3A_382 = arith.constant 0 : i32
      %dma_start3A_383 = tpu.memref_slice %dma_start3A_380[%dma_start3A_381, %dma_start3A_382] : memref<1024x16xf32, #tpu.memory_space<vmem>> -> memref<128x16xf32, #tpu.memory_space<vmem>>
      %dma_start3A_384 = tpu.memref_slice %arg10[%add3A_376] : memref<10000xi32, #tpu.memory_space<vmem>> -> memref<128xi32, #tpu.memory_space<vmem>>
      %dma_start3A_385 = arith.constant 0 : i32
      %dma_start3A_386 = arith.constant 0 : i32
      %dma_start3A_387 = tpu.memref_slice %arg15[%dma_start3A_385, %dma_start3A_386] : memref<10240x16xf32, #tpu.memory_space<vmem_shared>> -> memref<10240x16xf32, #tpu.memory_space<vmem_shared>>
      tpu.enqueue_indirect_dma source(%dma_start3A_383 : memref<128x16xf32, #tpu.memory_space<vmem>>) target(%dma_start3A_387 : memref<10240x16xf32, #tpu.memory_space<vmem_shared>>) offsets(%dma_start3A_384 : memref<128xi32, #tpu.memory_space<vmem>>) semaphore(%arg19 : memref<!tpu.dma_semaphore, #tpu.memory_space<semaphore_mem>>) {add = true}
      %mul3A_388 = arith.constant 1024 : i32
      %mul3A_389 = arith.muli %scan3A_247, %mul3A_388 : i32
      %dma_start3A_390 = arith.constant 0 : i32
      %dma_start3A_391 = tpu.memref_slice %arg12[%dma_start3A_390] : memref<1024xf32, #tpu.memory_space<vmem>> -> memref<1024xf32, #tpu.memory_space<vmem>>
      %dma_start3A_392 = tpu.memref_slice %arg10[%mul3A_389] : memref<10000xi32, #tpu.memory_space<vmem>> -> memref<1024xi32, #tpu.memory_space<vmem>>
      %dma_start3A_393 = arith.constant 0 : i32
      %dma_start3A_394 = tpu.memref_slice %arg16[%dma_start3A_393] : memref<10240xf32, #tpu.memory_space<vmem_shared>> -> memref<10240xf32, #tpu.memory_space<vmem_shared>>
      tpu.enqueue_indirect_dma source(%dma_start3A_391 : memref<1024xf32, #tpu.memory_space<vmem>>) target(%dma_start3A_394 : memref<10240xf32, #tpu.memory_space<vmem_shared>>) offsets(%dma_start3A_392 : memref<1024xi32, #tpu.memory_space<vmem>>) semaphore(%arg19 : memref<!tpu.dma_semaphore, #tpu.memory_space<semaphore_mem>>) {add = true}
      %mul3A_395 = arith.constant 1024 : i32
      %mul3A_396 = arith.muli %scan3A_247, %mul3A_395 : i32
      %add3A_397 = arith.constant 0 : i32
      %add3A_398 = arith.addi %mul3A_396, %add3A_397 : i32
      %dma_wait3A_399 = arith.constant 0 : i32
      %dma_wait3A_400 = arith.constant 0 : i32
      %dma_wait3A_401 = tpu.memref_slice %arg11[%rem3A_248, %dma_wait3A_399, %dma_wait3A_400] : memref<2x1024x16xf32, #tpu.memory_space<vmem>> -> memref<1x1024x16xf32, #tpu.memory_space<vmem>>
      %dma_wait3A_402 = tpu.memref_squeeze %dma_wait3A_401 : memref<1x1024x16xf32, #tpu.memory_space<vmem>> -> memref<1024x16xf32, #tpu.memory_space<vmem>>
      %dma_wait3A_403 = arith.constant 0 : i32
      %dma_wait3A_404 = arith.constant 0 : i32
      %dma_wait3A_405 = tpu.memref_slice %dma_wait3A_402[%dma_wait3A_403, %dma_wait3A_404] : memref<1024x16xf32, #tpu.memory_space<vmem>> -> memref<128x16xf32, #tpu.memory_space<vmem>>
      %dma_wait3A_406 = tpu.memref_slice %arg10[%add3A_398] : memref<10000xi32, #tpu.memory_space<vmem>> -> memref<128xi32, #tpu.memory_space<vmem>>
      %dma_wait3A_407 = arith.constant 0 : i32
      %dma_wait3A_408 = arith.constant 0 : i32
      %dma_wait3A_409 = tpu.memref_slice %arg15[%dma_wait3A_407, %dma_wait3A_408] : memref<10240x16xf32, #tpu.memory_space<vmem_shared>> -> memref<10240x16xf32, #tpu.memory_space<vmem_shared>>
      tpu.wait_indirect_dma semaphore(%arg19 : memref<!tpu.dma_semaphore, #tpu.memory_space<semaphore_mem>>) src(%dma_wait3A_405 : memref<128x16xf32, #tpu.memory_space<vmem>>) dst(%dma_wait3A_409 : memref<10240x16xf32, #tpu.memory_space<vmem_shared>>)
      %mul3A_410 = arith.constant 1024 : i32
      %mul3A_411 = arith.muli %scan3A_247, %mul3A_410 : i32
      %add3A_412 = arith.constant 128 : i32
      %add3A_413 = arith.addi %mul3A_411, %add3A_412 : i32
      %dma_wait3A_414 = arith.constant 0 : i32
      %dma_wait3A_415 = arith.constant 0 : i32
      %dma_wait3A_416 = tpu.memref_slice %arg11[%rem3A_248, %dma_wait3A_414, %dma_wait3A_415] : memref<2x1024x16xf32, #tpu.memory_space<vmem>> -> memref<1x1024x16xf32, #tpu.memory_space<vmem>>
      %dma_wait3A_417 = tpu.memref_squeeze %dma_wait3A_416 : memref<1x1024x16xf32, #tpu.memory_space<vmem>> -> memref<1024x16xf32, #tpu.memory_space<vmem>>
      %dma_wait3A_418 = arith.constant 128 : i32
      %dma_wait3A_419 = arith.constant 0 : i32
      %dma_wait3A_420 = tpu.memref_slice %dma_wait3A_417[%dma_wait3A_418, %dma_wait3A_419] : memref<1024x16xf32, #tpu.memory_space<vmem>> -> memref<128x16xf32, #tpu.memory_space<vmem>>
      %dma_wait3A_421 = tpu.memref_slice %arg10[%add3A_413] : memref<10000xi32, #tpu.memory_space<vmem>> -> memref<128xi32, #tpu.memory_space<vmem>>
      %dma_wait3A_422 = arith.constant 0 : i32
      %dma_wait3A_423 = arith.constant 0 : i32
      %dma_wait3A_424 = tpu.memref_slice %arg15[%dma_wait3A_422, %dma_wait3A_423] : memref<10240x16xf32, #tpu.memory_space<vmem_shared>> -> memref<10240x16xf32, #tpu.memory_space<vmem_shared>>
      tpu.wait_indirect_dma semaphore(%arg19 : memref<!tpu.dma_semaphore, #tpu.memory_space<semaphore_mem>>) src(%dma_wait3A_420 : memref<128x16xf32, #tpu.memory_space<vmem>>) dst(%dma_wait3A_424 : memref<10240x16xf32, #tpu.memory_space<vmem_shared>>)
      %mul3A_425 = arith.constant 1024 : i32
      %mul3A_426 = arith.muli %scan3A_247, %mul3A_425 : i32
      %add3A_427 = arith.constant 256 : i32
      %add3A_428 = arith.addi %mul3A_426, %add3A_427 : i32
      %dma_wait3A_429 = arith.constant 0 : i32
      %dma_wait3A_430 = arith.constant 0 : i32
      %dma_wait3A_431 = tpu.memref_slice %arg11[%rem3A_248, %dma_wait3A_429, %dma_wait3A_430] : memref<2x1024x16xf32, #tpu.memory_space<vmem>> -> memref<1x1024x16xf32, #tpu.memory_space<vmem>>
      %dma_wait3A_432 = tpu.memref_squeeze %dma_wait3A_431 : memref<1x1024x16xf32, #tpu.memory_space<vmem>> -> memref<1024x16xf32, #tpu.memory_space<vmem>>
      %dma_wait3A_433 = arith.constant 256 : i32
      %dma_wait3A_434 = arith.constant 0 : i32
      %dma_wait3A_435 = tpu.memref_slice %dma_wait3A_432[%dma_wait3A_433, %dma_wait3A_434] : memref<1024x16xf32, #tpu.memory_space<vmem>> -> memref<128x16xf32, #tpu.memory_space<vmem>>
      %dma_wait3A_436 = tpu.memref_slice %arg10[%add3A_428] : memref<10000xi32, #tpu.memory_space<vmem>> -> memref<128xi32, #tpu.memory_space<vmem>>
      %dma_wait3A_437 = arith.constant 0 : i32
      %dma_wait3A_438 = arith.constant 0 : i32
      %dma_wait3A_439 = tpu.memref_slice %arg15[%dma_wait3A_437, %dma_wait3A_438] : memref<10240x16xf32, #tpu.memory_space<vmem_shared>> -> memref<10240x16xf32, #tpu.memory_space<vmem_shared>>
      tpu.wait_indirect_dma semaphore(%arg19 : memref<!tpu.dma_semaphore, #tpu.memory_space<semaphore_mem>>) src(%dma_wait3A_435 : memref<128x16xf32, #tpu.memory_space<vmem>>) dst(%dma_wait3A_439 : memref<10240x16xf32, #tpu.memory_space<vmem_shared>>)
      %mul3A_440 = arith.constant 1024 : i32
      %mul3A_441 = arith.muli %scan3A_247, %mul3A_440 : i32
      %add3A_442 = arith.constant 384 : i32
      %add3A_443 = arith.addi %mul3A_441, %add3A_442 : i32
      %dma_wait3A_444 = arith.constant 0 : i32
      %dma_wait3A_445 = arith.constant 0 : i32
      %dma_wait3A_446 = tpu.memref_slice %arg11[%rem3A_248, %dma_wait3A_444, %dma_wait3A_445] : memref<2x1024x16xf32, #tpu.memory_space<vmem>> -> memref<1x1024x16xf32, #tpu.memory_space<vmem>>
      %dma_wait3A_447 = tpu.memref_squeeze %dma_wait3A_446 : memref<1x1024x16xf32, #tpu.memory_space<vmem>> -> memref<1024x16xf32, #tpu.memory_space<vmem>>
      %dma_wait3A_448 = arith.constant 384 : i32
      %dma_wait3A_449 = arith.constant 0 : i32
      %dma_wait3A_450 = tpu.memref_slice %dma_wait3A_447[%dma_wait3A_448, %dma_wait3A_449] : memref<1024x16xf32, #tpu.memory_space<vmem>> -> memref<128x16xf32, #tpu.memory_space<vmem>>
      %dma_wait3A_451 = tpu.memref_slice %arg10[%add3A_443] : memref<10000xi32, #tpu.memory_space<vmem>> -> memref<128xi32, #tpu.memory_space<vmem>>
      %dma_wait3A_452 = arith.constant 0 : i32
      %dma_wait3A_453 = arith.constant 0 : i32
      %dma_wait3A_454 = tpu.memref_slice %arg15[%dma_wait3A_452, %dma_wait3A_453] : memref<10240x16xf32, #tpu.memory_space<vmem_shared>> -> memref<10240x16xf32, #tpu.memory_space<vmem_shared>>
      tpu.wait_indirect_dma semaphore(%arg19 : memref<!tpu.dma_semaphore, #tpu.memory_space<semaphore_mem>>) src(%dma_wait3A_450 : memref<128x16xf32, #tpu.memory_space<vmem>>) dst(%dma_wait3A_454 : memref<10240x16xf32, #tpu.memory_space<vmem_shared>>)
      %mul3A_455 = arith.constant 1024 : i32
      %mul3A_456 = arith.muli %scan3A_247, %mul3A_455 : i32
      %add3A_457 = arith.constant 512 : i32
      %add3A_458 = arith.addi %mul3A_456, %add3A_457 : i32
      %dma_wait3A_459 = arith.constant 0 : i32
      %dma_wait3A_460 = arith.constant 0 : i32
      %dma_wait3A_461 = tpu.memref_slice %arg11[%rem3A_248, %dma_wait3A_459, %dma_wait3A_460] : memref<2x1024x16xf32, #tpu.memory_space<vmem>> -> memref<1x1024x16xf32, #tpu.memory_space<vmem>>
      %dma_wait3A_462 = tpu.memref_squeeze %dma_wait3A_461 : memref<1x1024x16xf32, #tpu.memory_space<vmem>> -> memref<1024x16xf32, #tpu.memory_space<vmem>>
      %dma_wait3A_463 = arith.constant 512 : i32
      %dma_wait3A_464 = arith.constant 0 : i32
      %dma_wait3A_465 = tpu.memref_slice %dma_wait3A_462[%dma_wait3A_463, %dma_wait3A_464] : memref<1024x16xf32, #tpu.memory_space<vmem>> -> memref<128x16xf32, #tpu.memory_space<vmem>>
      %dma_wait3A_466 = tpu.memref_slice %arg10[%add3A_458] : memref<10000xi32, #tpu.memory_space<vmem>> -> memref<128xi32, #tpu.memory_space<vmem>>
      %dma_wait3A_467 = arith.constant 0 : i32
      %dma_wait3A_468 = arith.constant 0 : i32
      %dma_wait3A_469 = tpu.memref_slice %arg15[%dma_wait3A_467, %dma_wait3A_468] : memref<10240x16xf32, #tpu.memory_space<vmem_shared>> -> memref<10240x16xf32, #tpu.memory_space<vmem_shared>>
      tpu.wait_indirect_dma semaphore(%arg19 : memref<!tpu.dma_semaphore, #tpu.memory_space<semaphore_mem>>) src(%dma_wait3A_465 : memref<128x16xf32, #tpu.memory_space<vmem>>) dst(%dma_wait3A_469 : memref<10240x16xf32, #tpu.memory_space<vmem_shared>>)
      %mul3A_470 = arith.constant 1024 : i32
      %mul3A_471 = arith.muli %scan3A_247, %mul3A_470 : i32
      %add3A_472 = arith.constant 640 : i32
      %add3A_473 = arith.addi %mul3A_471, %add3A_472 : i32
      %dma_wait3A_474 = arith.constant 0 : i32
      %dma_wait3A_475 = arith.constant 0 : i32
      %dma_wait3A_476 = tpu.memref_slice %arg11[%rem3A_248, %dma_wait3A_474, %dma_wait3A_475] : memref<2x1024x16xf32, #tpu.memory_space<vmem>> -> memref<1x1024x16xf32, #tpu.memory_space<vmem>>
      %dma_wait3A_477 = tpu.memref_squeeze %dma_wait3A_476 : memref<1x1024x16xf32, #tpu.memory_space<vmem>> -> memref<1024x16xf32, #tpu.memory_space<vmem>>
      %dma_wait3A_478 = arith.constant 640 : i32
      %dma_wait3A_479 = arith.constant 0 : i32
      %dma_wait3A_480 = tpu.memref_slice %dma_wait3A_477[%dma_wait3A_478, %dma_wait3A_479] : memref<1024x16xf32, #tpu.memory_space<vmem>> -> memref<128x16xf32, #tpu.memory_space<vmem>>
      %dma_wait3A_481 = tpu.memref_slice %arg10[%add3A_473] : memref<10000xi32, #tpu.memory_space<vmem>> -> memref<128xi32, #tpu.memory_space<vmem>>
      %dma_wait3A_482 = arith.constant 0 : i32
      %dma_wait3A_483 = arith.constant 0 : i32
      %dma_wait3A_484 = tpu.memref_slice %arg15[%dma_wait3A_482, %dma_wait3A_483] : memref<10240x16xf32, #tpu.memory_space<vmem_shared>> -> memref<10240x16xf32, #tpu.memory_space<vmem_shared>>
      tpu.wait_indirect_dma semaphore(%arg19 : memref<!tpu.dma_semaphore, #tpu.memory_space<semaphore_mem>>) src(%dma_wait3A_480 : memref<128x16xf32, #tpu.memory_space<vmem>>) dst(%dma_wait3A_484 : memref<10240x16xf32, #tpu.memory_space<vmem_shared>>)
      %mul3A_485 = arith.constant 1024 : i32
      %mul3A_486 = arith.muli %scan3A_247, %mul3A_485 : i32
      %add3A_487 = arith.constant 768 : i32
      %add3A_488 = arith.addi %mul3A_486, %add3A_487 : i32
      %dma_wait3A_489 = arith.constant 0 : i32
      %dma_wait3A_490 = arith.constant 0 : i32
      %dma_wait3A_491 = tpu.memref_slice %arg11[%rem3A_248, %dma_wait3A_489, %dma_wait3A_490] : memref<2x1024x16xf32, #tpu.memory_space<vmem>> -> memref<1x1024x16xf32, #tpu.memory_space<vmem>>
      %dma_wait3A_492 = tpu.memref_squeeze %dma_wait3A_491 : memref<1x1024x16xf32, #tpu.memory_space<vmem>> -> memref<1024x16xf32, #tpu.memory_space<vmem>>
      %dma_wait3A_493 = arith.constant 768 : i32
      %dma_wait3A_494 = arith.constant 0 : i32
      %dma_wait3A_495 = tpu.memref_slice %dma_wait3A_492[%dma_wait3A_493, %dma_wait3A_494] : memref<1024x16xf32, #tpu.memory_space<vmem>> -> memref<128x16xf32, #tpu.memory_space<vmem>>
      %dma_wait3A_496 = tpu.memref_slice %arg10[%add3A_488] : memref<10000xi32, #tpu.memory_space<vmem>> -> memref<128xi32, #tpu.memory_space<vmem>>
      %dma_wait3A_497 = arith.constant 0 : i32
      %dma_wait3A_498 = arith.constant 0 : i32
      %dma_wait3A_499 = tpu.memref_slice %arg15[%dma_wait3A_497, %dma_wait3A_498] : memref<10240x16xf32, #tpu.memory_space<vmem_shared>> -> memref<10240x16xf32, #tpu.memory_space<vmem_shared>>
      tpu.wait_indirect_dma semaphore(%arg19 : memref<!tpu.dma_semaphore, #tpu.memory_space<semaphore_mem>>) src(%dma_wait3A_495 : memref<128x16xf32, #tpu.memory_space<vmem>>) dst(%dma_wait3A_499 : memref<10240x16xf32, #tpu.memory_space<vmem_shared>>)
      %mul3A_500 = arith.constant 1024 : i32
      %mul3A_501 = arith.muli %scan3A_247, %mul3A_500 : i32
      %add3A_502 = arith.constant 896 : i32
      %add3A_503 = arith.addi %mul3A_501, %add3A_502 : i32
      %dma_wait3A_504 = arith.constant 0 : i32
      %dma_wait3A_505 = arith.constant 0 : i32
      %dma_wait3A_506 = tpu.memref_slice %arg11[%rem3A_248, %dma_wait3A_504, %dma_wait3A_505] : memref<2x1024x16xf32, #tpu.memory_space<vmem>> -> memref<1x1024x16xf32, #tpu.memory_space<vmem>>
      %dma_wait3A_507 = tpu.memref_squeeze %dma_wait3A_506 : memref<1x1024x16xf32, #tpu.memory_space<vmem>> -> memref<1024x16xf32, #tpu.memory_space<vmem>>
      %dma_wait3A_508 = arith.constant 896 : i32
      %dma_wait3A_509 = arith.constant 0 : i32
      %dma_wait3A_510 = tpu.memref_slice %dma_wait3A_507[%dma_wait3A_508, %dma_wait3A_509] : memref<1024x16xf32, #tpu.memory_space<vmem>> -> memref<128x16xf32, #tpu.memory_space<vmem>>
      %dma_wait3A_511 = tpu.memref_slice %arg10[%add3A_503] : memref<10000xi32, #tpu.memory_space<vmem>> -> memref<128xi32, #tpu.memory_space<vmem>>
      %dma_wait3A_512 = arith.constant 0 : i32
      %dma_wait3A_513 = arith.constant 0 : i32
      %dma_wait3A_514 = tpu.memref_slice %arg15[%dma_wait3A_512, %dma_wait3A_513] : memref<10240x16xf32, #tpu.memory_space<vmem_shared>> -> memref<10240x16xf32, #tpu.memory_space<vmem_shared>>
      tpu.wait_indirect_dma semaphore(%arg19 : memref<!tpu.dma_semaphore, #tpu.memory_space<semaphore_mem>>) src(%dma_wait3A_510 : memref<128x16xf32, #tpu.memory_space<vmem>>) dst(%dma_wait3A_514 : memref<10240x16xf32, #tpu.memory_space<vmem_shared>>)
      %mul3A_515 = arith.constant 1024 : i32
      %mul3A_516 = arith.muli %scan3A_247, %mul3A_515 : i32
      %dma_wait3A_517 = arith.constant 0 : i32
      %dma_wait3A_518 = tpu.memref_slice %arg12[%dma_wait3A_517] : memref<1024xf32, #tpu.memory_space<vmem>> -> memref<1024xf32, #tpu.memory_space<vmem>>
      %dma_wait3A_519 = tpu.memref_slice %arg10[%mul3A_516] : memref<10000xi32, #tpu.memory_space<vmem>> -> memref<1024xi32, #tpu.memory_space<vmem>>
      %dma_wait3A_520 = arith.constant 0 : i32
      %dma_wait3A_521 = tpu.memref_slice %arg16[%dma_wait3A_520] : memref<10240xf32, #tpu.memory_space<vmem_shared>> -> memref<10240xf32, #tpu.memory_space<vmem_shared>>
      tpu.wait_indirect_dma semaphore(%arg19 : memref<!tpu.dma_semaphore, #tpu.memory_space<semaphore_mem>>) src(%dma_wait3A_518 : memref<1024xf32, #tpu.memory_space<vmem>>) dst(%dma_wait3A_521 : memref<10240xf32, #tpu.memory_space<vmem_shared>>)
    }
    %scan3A_25 = arith.constant 9 : i32
    %dma_wait3A = arith.constant 1 : i32
    %dma_wait3A_26 = arith.constant 0 : i32
    %dma_wait3A_27 = arith.constant 0 : i32
    %dma_wait3A_28 = tpu.memref_slice %arg11[%dma_wait3A, %dma_wait3A_26, %dma_wait3A_27] : memref<2x1024x16xf32, #tpu.memory_space<vmem>> -> memref<1x1024x16xf32, #tpu.memory_space<vmem>>
    %dma_wait3A_29 = tpu.memref_squeeze %dma_wait3A_28 : memref<1x1024x16xf32, #tpu.memory_space<vmem>> -> memref<1024x16xf32, #tpu.memory_space<vmem>>
    %dma_wait3A_30 = arith.constant 0 : i32
    %dma_wait3A_31 = arith.constant 0 : i32
    %dma_wait3A_32 = tpu.memref_slice %dma_wait3A_29[%dma_wait3A_30, %dma_wait3A_31] : memref<1024x16xf32, #tpu.memory_space<vmem>> -> memref<784x16xf32, #tpu.memory_space<vmem>>
    %dma_wait3A_33 = arith.constant 0 : i32
    %dma_wait3A_34 = tpu.memref_slice %arg9[%dma_wait3A_33] : memref<10000xi32, #tpu.memory_space<vmem>> -> memref<784xi32, #tpu.memory_space<vmem>>
    %dma_wait3A_35 = arith.constant 0 : i32
    %dma_wait3A_36 = arith.constant 0 : i32
    %dma_wait3A_37 = tpu.memref_slice %arg17[%dma_wait3A_35, %dma_wait3A_36] : memref<10000x16xf32, #tpu.memory_space<vmem_shared>> -> memref<10000x16xf32, #tpu.memory_space<vmem_shared>>
    tpu.wait_indirect_dma semaphore(%arg18 : memref<!tpu.dma_semaphore, #tpu.memory_space<semaphore_mem>>) src(%dma_wait3A_37 : memref<10000x16xf32, #tpu.memory_space<vmem_shared>>) dst(%dma_wait3A_32 : memref<784x16xf32, #tpu.memory_space<vmem>>)
    %dma_start3A_38 = arith.constant 1 : i32
    %dma_start3A_39 = arith.constant 0 : i32
    %dma_start3A_40 = arith.constant 0 : i32
    %dma_start3A_41 = tpu.memref_slice %arg11[%dma_start3A_38, %dma_start3A_39, %dma_start3A_40] : memref<2x1024x16xf32, #tpu.memory_space<vmem>> -> memref<1x1024x16xf32, #tpu.memory_space<vmem>>
    %dma_start3A_42 = tpu.memref_squeeze %dma_start3A_41 : memref<1x1024x16xf32, #tpu.memory_space<vmem>> -> memref<1024x16xf32, #tpu.memory_space<vmem>>
    %dma_start3A_43 = arith.constant 0 : i32
    %dma_start3A_44 = arith.constant 0 : i32
    %dma_start3A_45 = tpu.memref_slice %dma_start3A_42[%dma_start3A_43, %dma_start3A_44] : memref<1024x16xf32, #tpu.memory_space<vmem>> -> memref<128x16xf32, #tpu.memory_space<vmem>>
    %dma_start3A_46 = arith.constant 9216 : i32
    %dma_start3A_47 = tpu.memref_slice %arg10[%dma_start3A_46] : memref<10000xi32, #tpu.memory_space<vmem>> -> memref<128xi32, #tpu.memory_space<vmem>>
    %dma_start3A_48 = arith.constant 0 : i32
    %dma_start3A_49 = arith.constant 0 : i32
    %dma_start3A_50 = tpu.memref_slice %arg15[%dma_start3A_48, %dma_start3A_49] : memref<10240x16xf32, #tpu.memory_space<vmem_shared>> -> memref<10240x16xf32, #tpu.memory_space<vmem_shared>>
    tpu.enqueue_indirect_dma source(%dma_start3A_45 : memref<128x16xf32, #tpu.memory_space<vmem>>) target(%dma_start3A_50 : memref<10240x16xf32, #tpu.memory_space<vmem_shared>>) offsets(%dma_start3A_47 : memref<128xi32, #tpu.memory_space<vmem>>) semaphore(%arg19 : memref<!tpu.dma_semaphore, #tpu.memory_space<semaphore_mem>>) {add = true}
    %dma_start3A_51 = arith.constant 1 : i32
    %dma_start3A_52 = arith.constant 0 : i32
    %dma_start3A_53 = arith.constant 0 : i32
    %dma_start3A_54 = tpu.memref_slice %arg11[%dma_start3A_51, %dma_start3A_52, %dma_start3A_53] : memref<2x1024x16xf32, #tpu.memory_space<vmem>> -> memref<1x1024x16xf32, #tpu.memory_space<vmem>>
    %dma_start3A_55 = tpu.memref_squeeze %dma_start3A_54 : memref<1x1024x16xf32, #tpu.memory_space<vmem>> -> memref<1024x16xf32, #tpu.memory_space<vmem>>
    %dma_start3A_56 = arith.constant 128 : i32
    %dma_start3A_57 = arith.constant 0 : i32
    %dma_start3A_58 = tpu.memref_slice %dma_start3A_55[%dma_start3A_56, %dma_start3A_57] : memref<1024x16xf32, #tpu.memory_space<vmem>> -> memref<128x16xf32, #tpu.memory_space<vmem>>
    %dma_start3A_59 = arith.constant 9344 : i32
    %dma_start3A_60 = tpu.memref_slice %arg10[%dma_start3A_59] : memref<10000xi32, #tpu.memory_space<vmem>> -> memref<128xi32, #tpu.memory_space<vmem>>
    %dma_start3A_61 = arith.constant 0 : i32
    %dma_start3A_62 = arith.constant 0 : i32
    %dma_start3A_63 = tpu.memref_slice %arg15[%dma_start3A_61, %dma_start3A_62] : memref<10240x16xf32, #tpu.memory_space<vmem_shared>> -> memref<10240x16xf32, #tpu.memory_space<vmem_shared>>
    tpu.enqueue_indirect_dma source(%dma_start3A_58 : memref<128x16xf32, #tpu.memory_space<vmem>>) target(%dma_start3A_63 : memref<10240x16xf32, #tpu.memory_space<vmem_shared>>) offsets(%dma_start3A_60 : memref<128xi32, #tpu.memory_space<vmem>>) semaphore(%arg19 : memref<!tpu.dma_semaphore, #tpu.memory_space<semaphore_mem>>) {add = true}
    %dma_start3A_64 = arith.constant 1 : i32
    %dma_start3A_65 = arith.constant 0 : i32
    %dma_start3A_66 = arith.constant 0 : i32
    %dma_start3A_67 = tpu.memref_slice %arg11[%dma_start3A_64, %dma_start3A_65, %dma_start3A_66] : memref<2x1024x16xf32, #tpu.memory_space<vmem>> -> memref<1x1024x16xf32, #tpu.memory_space<vmem>>
    %dma_start3A_68 = tpu.memref_squeeze %dma_start3A_67 : memref<1x1024x16xf32, #tpu.memory_space<vmem>> -> memref<1024x16xf32, #tpu.memory_space<vmem>>
    %dma_start3A_69 = arith.constant 256 : i32
    %dma_start3A_70 = arith.constant 0 : i32
    %dma_start3A_71 = tpu.memref_slice %dma_start3A_68[%dma_start3A_69, %dma_start3A_70] : memref<1024x16xf32, #tpu.memory_space<vmem>> -> memref<128x16xf32, #tpu.memory_space<vmem>>
    %dma_start3A_72 = arith.constant 9472 : i32
    %dma_start3A_73 = tpu.memref_slice %arg10[%dma_start3A_72] : memref<10000xi32, #tpu.memory_space<vmem>> -> memref<128xi32, #tpu.memory_space<vmem>>
    %dma_start3A_74 = arith.constant 0 : i32
    %dma_start3A_75 = arith.constant 0 : i32
    %dma_start3A_76 = tpu.memref_slice %arg15[%dma_start3A_74, %dma_start3A_75] : memref<10240x16xf32, #tpu.memory_space<vmem_shared>> -> memref<10240x16xf32, #tpu.memory_space<vmem_shared>>
    tpu.enqueue_indirect_dma source(%dma_start3A_71 : memref<128x16xf32, #tpu.memory_space<vmem>>) target(%dma_start3A_76 : memref<10240x16xf32, #tpu.memory_space<vmem_shared>>) offsets(%dma_start3A_73 : memref<128xi32, #tpu.memory_space<vmem>>) semaphore(%arg19 : memref<!tpu.dma_semaphore, #tpu.memory_space<semaphore_mem>>) {add = true}
    %dma_start3A_77 = arith.constant 1 : i32
    %dma_start3A_78 = arith.constant 0 : i32
    %dma_start3A_79 = arith.constant 0 : i32
    %dma_start3A_80 = tpu.memref_slice %arg11[%dma_start3A_77, %dma_start3A_78, %dma_start3A_79] : memref<2x1024x16xf32, #tpu.memory_space<vmem>> -> memref<1x1024x16xf32, #tpu.memory_space<vmem>>
    %dma_start3A_81 = tpu.memref_squeeze %dma_start3A_80 : memref<1x1024x16xf32, #tpu.memory_space<vmem>> -> memref<1024x16xf32, #tpu.memory_space<vmem>>
    %dma_start3A_82 = arith.constant 384 : i32
    %dma_start3A_83 = arith.constant 0 : i32
    %dma_start3A_84 = tpu.memref_slice %dma_start3A_81[%dma_start3A_82, %dma_start3A_83] : memref<1024x16xf32, #tpu.memory_space<vmem>> -> memref<128x16xf32, #tpu.memory_space<vmem>>
    %dma_start3A_85 = arith.constant 9600 : i32
    %dma_start3A_86 = tpu.memref_slice %arg10[%dma_start3A_85] : memref<10000xi32, #tpu.memory_space<vmem>> -> memref<128xi32, #tpu.memory_space<vmem>>
    %dma_start3A_87 = arith.constant 0 : i32
    %dma_start3A_88 = arith.constant 0 : i32
    %dma_start3A_89 = tpu.memref_slice %arg15[%dma_start3A_87, %dma_start3A_88] : memref<10240x16xf32, #tpu.memory_space<vmem_shared>> -> memref<10240x16xf32, #tpu.memory_space<vmem_shared>>
    tpu.enqueue_indirect_dma source(%dma_start3A_84 : memref<128x16xf32, #tpu.memory_space<vmem>>) target(%dma_start3A_89 : memref<10240x16xf32, #tpu.memory_space<vmem_shared>>) offsets(%dma_start3A_86 : memref<128xi32, #tpu.memory_space<vmem>>) semaphore(%arg19 : memref<!tpu.dma_semaphore, #tpu.memory_space<semaphore_mem>>) {add = true}
    %dma_start3A_90 = arith.constant 1 : i32
    %dma_start3A_91 = arith.constant 0 : i32
    %dma_start3A_92 = arith.constant 0 : i32
    %dma_start3A_93 = tpu.memref_slice %arg11[%dma_start3A_90, %dma_start3A_91, %dma_start3A_92] : memref<2x1024x16xf32, #tpu.memory_space<vmem>> -> memref<1x1024x16xf32, #tpu.memory_space<vmem>>
    %dma_start3A_94 = tpu.memref_squeeze %dma_start3A_93 : memref<1x1024x16xf32, #tpu.memory_space<vmem>> -> memref<1024x16xf32, #tpu.memory_space<vmem>>
    %dma_start3A_95 = arith.constant 512 : i32
    %dma_start3A_96 = arith.constant 0 : i32
    %dma_start3A_97 = tpu.memref_slice %dma_start3A_94[%dma_start3A_95, %dma_start3A_96] : memref<1024x16xf32, #tpu.memory_space<vmem>> -> memref<128x16xf32, #tpu.memory_space<vmem>>
    %dma_start3A_98 = arith.constant 9728 : i32
    %dma_start3A_99 = tpu.memref_slice %arg10[%dma_start3A_98] : memref<10000xi32, #tpu.memory_space<vmem>> -> memref<128xi32, #tpu.memory_space<vmem>>
    %dma_start3A_100 = arith.constant 0 : i32
    %dma_start3A_101 = arith.constant 0 : i32
    %dma_start3A_102 = tpu.memref_slice %arg15[%dma_start3A_100, %dma_start3A_101] : memref<10240x16xf32, #tpu.memory_space<vmem_shared>> -> memref<10240x16xf32, #tpu.memory_space<vmem_shared>>
    tpu.enqueue_indirect_dma source(%dma_start3A_97 : memref<128x16xf32, #tpu.memory_space<vmem>>) target(%dma_start3A_102 : memref<10240x16xf32, #tpu.memory_space<vmem_shared>>) offsets(%dma_start3A_99 : memref<128xi32, #tpu.memory_space<vmem>>) semaphore(%arg19 : memref<!tpu.dma_semaphore, #tpu.memory_space<semaphore_mem>>) {add = true}
    %dma_start3A_103 = arith.constant 1 : i32
    %dma_start3A_104 = arith.constant 0 : i32
    %dma_start3A_105 = arith.constant 0 : i32
    %dma_start3A_106 = tpu.memref_slice %arg11[%dma_start3A_103, %dma_start3A_104, %dma_start3A_105] : memref<2x1024x16xf32, #tpu.memory_space<vmem>> -> memref<1x1024x16xf32, #tpu.memory_space<vmem>>
    %dma_start3A_107 = tpu.memref_squeeze %dma_start3A_106 : memref<1x1024x16xf32, #tpu.memory_space<vmem>> -> memref<1024x16xf32, #tpu.memory_space<vmem>>
    %dma_start3A_108 = arith.constant 640 : i32
    %dma_start3A_109 = arith.constant 0 : i32
    %dma_start3A_110 = tpu.memref_slice %dma_start3A_107[%dma_start3A_108, %dma_start3A_109] : memref<1024x16xf32, #tpu.memory_space<vmem>> -> memref<128x16xf32, #tpu.memory_space<vmem>>
    %dma_start3A_111 = arith.constant 9856 : i32
    %dma_start3A_112 = tpu.memref_slice %arg10[%dma_start3A_111] : memref<10000xi32, #tpu.memory_space<vmem>> -> memref<128xi32, #tpu.memory_space<vmem>>
    %dma_start3A_113 = arith.constant 0 : i32
    %dma_start3A_114 = arith.constant 0 : i32
    %dma_start3A_115 = tpu.memref_slice %arg15[%dma_start3A_113, %dma_start3A_114] : memref<10240x16xf32, #tpu.memory_space<vmem_shared>> -> memref<10240x16xf32, #tpu.memory_space<vmem_shared>>
    tpu.enqueue_indirect_dma source(%dma_start3A_110 : memref<128x16xf32, #tpu.memory_space<vmem>>) target(%dma_start3A_115 : memref<10240x16xf32, #tpu.memory_space<vmem_shared>>) offsets(%dma_start3A_112 : memref<128xi32, #tpu.memory_space<vmem>>) semaphore(%arg19 : memref<!tpu.dma_semaphore, #tpu.memory_space<semaphore_mem>>) {add = true}
    %dma_start3A_116 = arith.constant 1 : i32
    %dma_start3A_117 = arith.constant 0 : i32
    %dma_start3A_118 = arith.constant 0 : i32
    %dma_start3A_119 = tpu.memref_slice %arg11[%dma_start3A_116, %dma_start3A_117, %dma_start3A_118] : memref<2x1024x16xf32, #tpu.memory_space<vmem>> -> memref<1x1024x16xf32, #tpu.memory_space<vmem>>
    %dma_start3A_120 = tpu.memref_squeeze %dma_start3A_119 : memref<1x1024x16xf32, #tpu.memory_space<vmem>> -> memref<1024x16xf32, #tpu.memory_space<vmem>>
    %dma_start3A_121 = arith.constant 768 : i32
    %dma_start3A_122 = arith.constant 0 : i32
    %dma_start3A_123 = tpu.memref_slice %dma_start3A_120[%dma_start3A_121, %dma_start3A_122] : memref<1024x16xf32, #tpu.memory_space<vmem>> -> memref<16x16xf32, #tpu.memory_space<vmem>>
    %dma_start3A_124 = arith.constant 9984 : i32
    %dma_start3A_125 = tpu.memref_slice %arg10[%dma_start3A_124] : memref<10000xi32, #tpu.memory_space<vmem>> -> memref<16xi32, #tpu.memory_space<vmem>>
    %dma_start3A_126 = arith.constant 0 : i32
    %dma_start3A_127 = arith.constant 0 : i32
    %dma_start3A_128 = tpu.memref_slice %arg15[%dma_start3A_126, %dma_start3A_127] : memref<10240x16xf32, #tpu.memory_space<vmem_shared>> -> memref<10240x16xf32, #tpu.memory_space<vmem_shared>>
    tpu.enqueue_indirect_dma source(%dma_start3A_123 : memref<16x16xf32, #tpu.memory_space<vmem>>) target(%dma_start3A_128 : memref<10240x16xf32, #tpu.memory_space<vmem_shared>>) offsets(%dma_start3A_125 : memref<16xi32, #tpu.memory_space<vmem>>) semaphore(%arg19 : memref<!tpu.dma_semaphore, #tpu.memory_space<semaphore_mem>>) {add = true}
    %dma_start3A_129 = arith.constant 0 : i32
    %dma_start3A_130 = tpu.memref_slice %arg12[%dma_start3A_129] : memref<1024xf32, #tpu.memory_space<vmem>> -> memref<784xf32, #tpu.memory_space<vmem>>
    %dma_start3A_131 = arith.constant 9216 : i32
    %dma_start3A_132 = tpu.memref_slice %arg10[%dma_start3A_131] : memref<10000xi32, #tpu.memory_space<vmem>> -> memref<784xi32, #tpu.memory_space<vmem>>
    %dma_start3A_133 = arith.constant 0 : i32
    %dma_start3A_134 = tpu.memref_slice %arg16[%dma_start3A_133] : memref<10240xf32, #tpu.memory_space<vmem_shared>> -> memref<10240xf32, #tpu.memory_space<vmem_shared>>
    tpu.enqueue_indirect_dma source(%dma_start3A_130 : memref<784xf32, #tpu.memory_space<vmem>>) target(%dma_start3A_134 : memref<10240xf32, #tpu.memory_space<vmem_shared>>) offsets(%dma_start3A_132 : memref<784xi32, #tpu.memory_space<vmem>>) semaphore(%arg19 : memref<!tpu.dma_semaphore, #tpu.memory_space<semaphore_mem>>) {add = true}
    %dma_wait3A_135 = arith.constant 1 : i32
    %dma_wait3A_136 = arith.constant 0 : i32
    %dma_wait3A_137 = arith.constant 0 : i32
    %dma_wait3A_138 = tpu.memref_slice %arg11[%dma_wait3A_135, %dma_wait3A_136, %dma_wait3A_137] : memref<2x1024x16xf32, #tpu.memory_space<vmem>> -> memref<1x1024x16xf32, #tpu.memory_space<vmem>>
    %dma_wait3A_139 = tpu.memref_squeeze %dma_wait3A_138 : memref<1x1024x16xf32, #tpu.memory_space<vmem>> -> memref<1024x16xf32, #tpu.memory_space<vmem>>
    %dma_wait3A_140 = arith.constant 0 : i32
    %dma_wait3A_141 = arith.constant 0 : i32
    %dma_wait3A_142 = tpu.memref_slice %dma_wait3A_139[%dma_wait3A_140, %dma_wait3A_141] : memref<1024x16xf32, #tpu.memory_space<vmem>> -> memref<128x16xf32, #tpu.memory_space<vmem>>
    %dma_wait3A_143 = arith.constant 9216 : i32
    %dma_wait3A_144 = tpu.memref_slice %arg10[%dma_wait3A_143] : memref<10000xi32, #tpu.memory_space<vmem>> -> memref<128xi32, #tpu.memory_space<vmem>>
    %dma_wait3A_145 = arith.constant 0 : i32
    %dma_wait3A_146 = arith.constant 0 : i32
    %dma_wait3A_147 = tpu.memref_slice %arg15[%dma_wait3A_145, %dma_wait3A_146] : memref<10240x16xf32, #tpu.memory_space<vmem_shared>> -> memref<10240x16xf32, #tpu.memory_space<vmem_shared>>
    tpu.wait_indirect_dma semaphore(%arg19 : memref<!tpu.dma_semaphore, #tpu.memory_space<semaphore_mem>>) src(%dma_wait3A_142 : memref<128x16xf32, #tpu.memory_space<vmem>>) dst(%dma_wait3A_147 : memref<10240x16xf32, #tpu.memory_space<vmem_shared>>)
    %dma_wait3A_148 = arith.constant 1 : i32
    %dma_wait3A_149 = arith.constant 0 : i32
    %dma_wait3A_150 = arith.constant 0 : i32
    %dma_wait3A_151 = tpu.memref_slice %arg11[%dma_wait3A_148, %dma_wait3A_149, %dma_wait3A_150] : memref<2x1024x16xf32, #tpu.memory_space<vmem>> -> memref<1x1024x16xf32, #tpu.memory_space<vmem>>
    %dma_wait3A_152 = tpu.memref_squeeze %dma_wait3A_151 : memref<1x1024x16xf32, #tpu.memory_space<vmem>> -> memref<1024x16xf32, #tpu.memory_space<vmem>>
    %dma_wait3A_153 = arith.constant 128 : i32
    %dma_wait3A_154 = arith.constant 0 : i32
    %dma_wait3A_155 = tpu.memref_slice %dma_wait3A_152[%dma_wait3A_153, %dma_wait3A_154] : memref<1024x16xf32, #tpu.memory_space<vmem>> -> memref<128x16xf32, #tpu.memory_space<vmem>>
    %dma_wait3A_156 = arith.constant 9344 : i32
    %dma_wait3A_157 = tpu.memref_slice %arg10[%dma_wait3A_156] : memref<10000xi32, #tpu.memory_space<vmem>> -> memref<128xi32, #tpu.memory_space<vmem>>
    %dma_wait3A_158 = arith.constant 0 : i32
    %dma_wait3A_159 = arith.constant 0 : i32
    %dma_wait3A_160 = tpu.memref_slice %arg15[%dma_wait3A_158, %dma_wait3A_159] : memref<10240x16xf32, #tpu.memory_space<vmem_shared>> -> memref<10240x16xf32, #tpu.memory_space<vmem_shared>>
    tpu.wait_indirect_dma semaphore(%arg19 : memref<!tpu.dma_semaphore, #tpu.memory_space<semaphore_mem>>) src(%dma_wait3A_155 : memref<128x16xf32, #tpu.memory_space<vmem>>) dst(%dma_wait3A_160 : memref<10240x16xf32, #tpu.memory_space<vmem_shared>>)
    %dma_wait3A_161 = arith.constant 1 : i32
    %dma_wait3A_162 = arith.constant 0 : i32
    %dma_wait3A_163 = arith.constant 0 : i32
    %dma_wait3A_164 = tpu.memref_slice %arg11[%dma_wait3A_161, %dma_wait3A_162, %dma_wait3A_163] : memref<2x1024x16xf32, #tpu.memory_space<vmem>> -> memref<1x1024x16xf32, #tpu.memory_space<vmem>>
    %dma_wait3A_165 = tpu.memref_squeeze %dma_wait3A_164 : memref<1x1024x16xf32, #tpu.memory_space<vmem>> -> memref<1024x16xf32, #tpu.memory_space<vmem>>
    %dma_wait3A_166 = arith.constant 256 : i32
    %dma_wait3A_167 = arith.constant 0 : i32
    %dma_wait3A_168 = tpu.memref_slice %dma_wait3A_165[%dma_wait3A_166, %dma_wait3A_167] : memref<1024x16xf32, #tpu.memory_space<vmem>> -> memref<128x16xf32, #tpu.memory_space<vmem>>
    %dma_wait3A_169 = arith.constant 9472 : i32
    %dma_wait3A_170 = tpu.memref_slice %arg10[%dma_wait3A_169] : memref<10000xi32, #tpu.memory_space<vmem>> -> memref<128xi32, #tpu.memory_space<vmem>>
    %dma_wait3A_171 = arith.constant 0 : i32
    %dma_wait3A_172 = arith.constant 0 : i32
    %dma_wait3A_173 = tpu.memref_slice %arg15[%dma_wait3A_171, %dma_wait3A_172] : memref<10240x16xf32, #tpu.memory_space<vmem_shared>> -> memref<10240x16xf32, #tpu.memory_space<vmem_shared>>
    tpu.wait_indirect_dma semaphore(%arg19 : memref<!tpu.dma_semaphore, #tpu.memory_space<semaphore_mem>>) src(%dma_wait3A_168 : memref<128x16xf32, #tpu.memory_space<vmem>>) dst(%dma_wait3A_173 : memref<10240x16xf32, #tpu.memory_space<vmem_shared>>)
    %dma_wait3A_174 = arith.constant 1 : i32
    %dma_wait3A_175 = arith.constant 0 : i32
    %dma_wait3A_176 = arith.constant 0 : i32
    %dma_wait3A_177 = tpu.memref_slice %arg11[%dma_wait3A_174, %dma_wait3A_175, %dma_wait3A_176] : memref<2x1024x16xf32, #tpu.memory_space<vmem>> -> memref<1x1024x16xf32, #tpu.memory_space<vmem>>
    %dma_wait3A_178 = tpu.memref_squeeze %dma_wait3A_177 : memref<1x1024x16xf32, #tpu.memory_space<vmem>> -> memref<1024x16xf32, #tpu.memory_space<vmem>>
    %dma_wait3A_179 = arith.constant 384 : i32
    %dma_wait3A_180 = arith.constant 0 : i32
    %dma_wait3A_181 = tpu.memref_slice %dma_wait3A_178[%dma_wait3A_179, %dma_wait3A_180] : memref<1024x16xf32, #tpu.memory_space<vmem>> -> memref<128x16xf32, #tpu.memory_space<vmem>>
    %dma_wait3A_182 = arith.constant 9600 : i32
    %dma_wait3A_183 = tpu.memref_slice %arg10[%dma_wait3A_182] : memref<10000xi32, #tpu.memory_space<vmem>> -> memref<128xi32, #tpu.memory_space<vmem>>
    %dma_wait3A_184 = arith.constant 0 : i32
    %dma_wait3A_185 = arith.constant 0 : i32
    %dma_wait3A_186 = tpu.memref_slice %arg15[%dma_wait3A_184, %dma_wait3A_185] : memref<10240x16xf32, #tpu.memory_space<vmem_shared>> -> memref<10240x16xf32, #tpu.memory_space<vmem_shared>>
    tpu.wait_indirect_dma semaphore(%arg19 : memref<!tpu.dma_semaphore, #tpu.memory_space<semaphore_mem>>) src(%dma_wait3A_181 : memref<128x16xf32, #tpu.memory_space<vmem>>) dst(%dma_wait3A_186 : memref<10240x16xf32, #tpu.memory_space<vmem_shared>>)
    %dma_wait3A_187 = arith.constant 1 : i32
    %dma_wait3A_188 = arith.constant 0 : i32
    %dma_wait3A_189 = arith.constant 0 : i32
    %dma_wait3A_190 = tpu.memref_slice %arg11[%dma_wait3A_187, %dma_wait3A_188, %dma_wait3A_189] : memref<2x1024x16xf32, #tpu.memory_space<vmem>> -> memref<1x1024x16xf32, #tpu.memory_space<vmem>>
    %dma_wait3A_191 = tpu.memref_squeeze %dma_wait3A_190 : memref<1x1024x16xf32, #tpu.memory_space<vmem>> -> memref<1024x16xf32, #tpu.memory_space<vmem>>
    %dma_wait3A_192 = arith.constant 512 : i32
    %dma_wait3A_193 = arith.constant 0 : i32
    %dma_wait3A_194 = tpu.memref_slice %dma_wait3A_191[%dma_wait3A_192, %dma_wait3A_193] : memref<1024x16xf32, #tpu.memory_space<vmem>> -> memref<128x16xf32, #tpu.memory_space<vmem>>
    %dma_wait3A_195 = arith.constant 9728 : i32
    %dma_wait3A_196 = tpu.memref_slice %arg10[%dma_wait3A_195] : memref<10000xi32, #tpu.memory_space<vmem>> -> memref<128xi32, #tpu.memory_space<vmem>>
    %dma_wait3A_197 = arith.constant 0 : i32
    %dma_wait3A_198 = arith.constant 0 : i32
    %dma_wait3A_199 = tpu.memref_slice %arg15[%dma_wait3A_197, %dma_wait3A_198] : memref<10240x16xf32, #tpu.memory_space<vmem_shared>> -> memref<10240x16xf32, #tpu.memory_space<vmem_shared>>
    tpu.wait_indirect_dma semaphore(%arg19 : memref<!tpu.dma_semaphore, #tpu.memory_space<semaphore_mem>>) src(%dma_wait3A_194 : memref<128x16xf32, #tpu.memory_space<vmem>>) dst(%dma_wait3A_199 : memref<10240x16xf32, #tpu.memory_space<vmem_shared>>)
    %dma_wait3A_200 = arith.constant 1 : i32
    %dma_wait3A_201 = arith.constant 0 : i32
    %dma_wait3A_202 = arith.constant 0 : i32
    %dma_wait3A_203 = tpu.memref_slice %arg11[%dma_wait3A_200, %dma_wait3A_201, %dma_wait3A_202] : memref<2x1024x16xf32, #tpu.memory_space<vmem>> -> memref<1x1024x16xf32, #tpu.memory_space<vmem>>
    %dma_wait3A_204 = tpu.memref_squeeze %dma_wait3A_203 : memref<1x1024x16xf32, #tpu.memory_space<vmem>> -> memref<1024x16xf32, #tpu.memory_space<vmem>>
    %dma_wait3A_205 = arith.constant 640 : i32
    %dma_wait3A_206 = arith.constant 0 : i32
    %dma_wait3A_207 = tpu.memref_slice %dma_wait3A_204[%dma_wait3A_205, %dma_wait3A_206] : memref<1024x16xf32, #tpu.memory_space<vmem>> -> memref<128x16xf32, #tpu.memory_space<vmem>>
    %dma_wait3A_208 = arith.constant 9856 : i32
    %dma_wait3A_209 = tpu.memref_slice %arg10[%dma_wait3A_208] : memref<10000xi32, #tpu.memory_space<vmem>> -> memref<128xi32, #tpu.memory_space<vmem>>
    %dma_wait3A_210 = arith.constant 0 : i32
    %dma_wait3A_211 = arith.constant 0 : i32
    %dma_wait3A_212 = tpu.memref_slice %arg15[%dma_wait3A_210, %dma_wait3A_211] : memref<10240x16xf32, #tpu.memory_space<vmem_shared>> -> memref<10240x16xf32, #tpu.memory_space<vmem_shared>>
    tpu.wait_indirect_dma semaphore(%arg19 : memref<!tpu.dma_semaphore, #tpu.memory_space<semaphore_mem>>) src(%dma_wait3A_207 : memref<128x16xf32, #tpu.memory_space<vmem>>) dst(%dma_wait3A_212 : memref<10240x16xf32, #tpu.memory_space<vmem_shared>>)
    %dma_wait3A_213 = arith.constant 1 : i32
    %dma_wait3A_214 = arith.constant 0 : i32
    %dma_wait3A_215 = arith.constant 0 : i32
    %dma_wait3A_216 = tpu.memref_slice %arg11[%dma_wait3A_213, %dma_wait3A_214, %dma_wait3A_215] : memref<2x1024x16xf32, #tpu.memory_space<vmem>> -> memref<1x1024x16xf32, #tpu.memory_space<vmem>>
    %dma_wait3A_217 = tpu.memref_squeeze %dma_wait3A_216 : memref<1x1024x16xf32, #tpu.memory_space<vmem>> -> memref<1024x16xf32, #tpu.memory_space<vmem>>
    %dma_wait3A_218 = arith.constant 768 : i32
    %dma_wait3A_219 = arith.constant 0 : i32
    %dma_wait3A_220 = tpu.memref_slice %dma_wait3A_217[%dma_wait3A_218, %dma_wait3A_219] : memref<1024x16xf32, #tpu.memory_space<vmem>> -> memref<16x16xf32, #tpu.memory_space<vmem>>
    %dma_wait3A_221 = arith.constant 9984 : i32
    %dma_wait3A_222 = tpu.memref_slice %arg10[%dma_wait3A_221] : memref<10000xi32, #tpu.memory_space<vmem>> -> memref<16xi32, #tpu.memory_space<vmem>>
    %dma_wait3A_223 = arith.constant 0 : i32
    %dma_wait3A_224 = arith.constant 0 : i32
    %dma_wait3A_225 = tpu.memref_slice %arg15[%dma_wait3A_223, %dma_wait3A_224] : memref<10240x16xf32, #tpu.memory_space<vmem_shared>> -> memref<10240x16xf32, #tpu.memory_space<vmem_shared>>
    tpu.wait_indirect_dma semaphore(%arg19 : memref<!tpu.dma_semaphore, #tpu.memory_space<semaphore_mem>>) src(%dma_wait3A_220 : memref<16x16xf32, #tpu.memory_space<vmem>>) dst(%dma_wait3A_225 : memref<10240x16xf32, #tpu.memory_space<vmem_shared>>)
    %dma_wait3A_226 = arith.constant 0 : i32
    %dma_wait3A_227 = tpu.memref_slice %arg12[%dma_wait3A_226] : memref<1024xf32, #tpu.memory_space<vmem>> -> memref<784xf32, #tpu.memory_space<vmem>>
    %dma_wait3A_228 = arith.constant 9216 : i32
    %dma_wait3A_229 = tpu.memref_slice %arg10[%dma_wait3A_228] : memref<10000xi32, #tpu.memory_space<vmem>> -> memref<784xi32, #tpu.memory_space<vmem>>
    %dma_wait3A_230 = arith.constant 0 : i32
    %dma_wait3A_231 = tpu.memref_slice %arg16[%dma_wait3A_230] : memref<10240xf32, #tpu.memory_space<vmem_shared>> -> memref<10240xf32, #tpu.memory_space<vmem_shared>>
    tpu.wait_indirect_dma semaphore(%arg19 : memref<!tpu.dma_semaphore, #tpu.memory_space<semaphore_mem>>) src(%dma_wait3A_227 : memref<784xf32, #tpu.memory_space<vmem>>) dst(%dma_wait3A_231 : memref<10240xf32, #tpu.memory_space<vmem_shared>>)
    %barrier3A_232 = arith.constant 0 : index
    tpu.barrier barrier_id(%barrier3A_232)
    %mul3A_233 = arith.constant 640 : i32
    %mul3A_234 = arith.muli %arg1, %mul3A_233 : i32
    %mul3A_235 = arith.constant 640 : i32
    %mul3A_236 = arith.muli %arg1, %mul3A_235 : i32
    "tpu.region"() ({
      %run_scoped3A_247 = tpu.sem_alloc : memref<!tpu.dma_semaphore, #tpu.memory_space<semaphore_mem>>
      %dma_start3A_248 = arith.constant 0 : i32
      %dma_start3A_249 = tpu.memref_slice %arg7[%arg0, %mul3A_236, %dma_start3A_248] : memref<2x10240x16xf32, #tpu.memory_space<hbm>> -> memref<1x640x16xf32, #tpu.memory_space<hbm>>
      %dma_start3A_250 = tpu.memref_squeeze %dma_start3A_249 : memref<1x640x16xf32, #tpu.memory_space<hbm>> -> memref<640x16xf32, #tpu.memory_space<hbm>>
      %dma_start3A_251 = arith.constant 0 : i32
      %dma_start3A_252 = tpu.memref_slice %arg15[%mul3A_234, %dma_start3A_251] : memref<10240x16xf32, #tpu.memory_space<vmem_shared>> -> memref<640x16xf32, #tpu.memory_space<vmem_shared>>
      tpu.enqueue_dma source(%dma_start3A_252 : memref<640x16xf32, #tpu.memory_space<vmem_shared>>) target(%dma_start3A_250 : memref<640x16xf32, #tpu.memory_space<hbm>>) target_semaphore(%run_scoped3A_247 : memref<!tpu.dma_semaphore, #tpu.memory_space<semaphore_mem>>)
      %dma_wait3A_253 = arith.constant 0 : i32
      %dma_wait3A_254 = tpu.memref_slice %arg7[%arg0, %mul3A_236, %dma_wait3A_253] : memref<2x10240x16xf32, #tpu.memory_space<hbm>> -> memref<1x640x16xf32, #tpu.memory_space<hbm>>
      %dma_wait3A_255 = tpu.memref_squeeze %dma_wait3A_254 : memref<1x640x16xf32, #tpu.memory_space<hbm>> -> memref<640x16xf32, #tpu.memory_space<hbm>>
      %dma_wait3A_256 = arith.constant 0 : i32
      %dma_wait3A_257 = tpu.memref_slice %arg15[%mul3A_234, %dma_wait3A_256] : memref<10240x16xf32, #tpu.memory_space<vmem_shared>> -> memref<640x16xf32, #tpu.memory_space<vmem_shared>>
      tpu.wait_dma2 semaphore(%run_scoped3A_247 : memref<!tpu.dma_semaphore, #tpu.memory_space<semaphore_mem>>) src(%dma_wait3A_257 : memref<640x16xf32, #tpu.memory_space<vmem_shared>>) dst(%dma_wait3A_255 : memref<640x16xf32, #tpu.memory_space<hbm>>)
      tpu.yield
    }) : () -> ()
    %mul3A_237 = arith.constant 640 : i32
    %mul3A_238 = arith.muli %arg1, %mul3A_237 : i32
    "tpu.region"() ({
      %run_scoped3A_247 = tpu.sem_alloc : memref<!tpu.dma_semaphore, #tpu.memory_space<semaphore_mem>>
      %dma_start3A_248 = tpu.memref_slice %arg16[%mul3A_238] : memref<10240xf32, #tpu.memory_space<vmem_shared>> -> memref<640xf32, #tpu.memory_space<vmem_shared>>
      %dma_start3A_249 = tpu.memref_slice %arg16[%mul3A_238] : memref<10240xf32, #tpu.memory_space<vmem_shared>> -> memref<640xf32, #tpu.memory_space<vmem_shared>>
      tpu.enqueue_dma source(%dma_start3A_249 : memref<640xf32, #tpu.memory_space<vmem_shared>>) target(%arg13 : memref<640xf32, #tpu.memory_space<vmem>>) target_semaphore(%run_scoped3A_247 : memref<!tpu.dma_semaphore, #tpu.memory_space<semaphore_mem>>)
      %dma_wait3A_250 = tpu.memref_slice %arg16[%mul3A_238] : memref<10240xf32, #tpu.memory_space<vmem_shared>> -> memref<640xf32, #tpu.memory_space<vmem_shared>>
      %dma_wait3A_251 = tpu.memref_slice %arg16[%mul3A_238] : memref<10240xf32, #tpu.memory_space<vmem_shared>> -> memref<640xf32, #tpu.memory_space<vmem_shared>>
      tpu.wait_dma2 semaphore(%run_scoped3A_247 : memref<!tpu.dma_semaphore, #tpu.memory_space<semaphore_mem>>) src(%dma_wait3A_251 : memref<640xf32, #tpu.memory_space<vmem_shared>>) dst(%arg13 : memref<640xf32, #tpu.memory_space<vmem>>)
      tpu.yield
    }) : () -> ()
    %scan3A_239 = arith.constant 0 : i32
    %scan3A_240 = arith.constant 0 : i32
    %scan3A_241 = arith.constant 40 : i32
    %scan3A_242 = arith.addi %scan3A_240, %scan3A_241 : i32
    %scan3A_243 = arith.constant 1 : i32
    scf.for %scan3A_247 = %scan3A_240 to %scan3A_242 step %scan3A_243  : i32 {
      %mul3A_248 = arith.constant 16 : i32
      %mul3A_249 = arith.muli %scan3A_247, %mul3A_248 : i32
      %add3A_250 = arith.constant 0 : i32
      %add3A_251 = arith.addi %mul3A_249, %add3A_250 : i32
      %broadcast_in_dim3A = vector.broadcast %add3A_251 : i32 to vector<16xi32>
      %gather3A = tpu.vector_load_idx %arg13[%broadcast_in_dim3A] : memref<640xf32, #tpu.memory_space<vmem>>[vector<16xi32>], vector<16xf32>,
      %mul3A_252 = arith.constant 16 : i32
      %mul3A_253 = arith.muli %scan3A_247, %mul3A_252 : i32
      %add3A_254 = arith.constant 0 : i32
      %add3A_255 = arith.addi %mul3A_253, %add3A_254 : i32
      %swap3A = arith.index_cast %add3A_255 : i32 to index
      %swap3A_256 = arith.constant 0 : index
      %swap3A_257 = tpu.vector_load %arg14[%swap3A, %swap3A_256] {strides = array<i32>} : memref<640x16xf32, #tpu.memory_space<vmem>>, vector<16xf32>,
      tpu.vector_store %arg14[%swap3A, %swap3A_256], %gather3A {strides = array<i32>} : memref<640x16xf32, #tpu.memory_space<vmem>>, vector<16xf32>,
      %mul3A_258 = arith.constant 16 : i32
      %mul3A_259 = arith.muli %scan3A_247, %mul3A_258 : i32
      %add3A_260 = arith.constant 1 : i32
      %add3A_261 = arith.addi %mul3A_259, %add3A_260 : i32
      %broadcast_in_dim3A_262 = vector.broadcast %add3A_261 : i32 to vector<16xi32>
      %gather3A_263 = tpu.vector_load_idx %arg13[%broadcast_in_dim3A_262] : memref<640xf32, #tpu.memory_space<vmem>>[vector<16xi32>], vector<16xf32>,
      %mul3A_264 = arith.constant 16 : i32
      %mul3A_265 = arith.muli %scan3A_247, %mul3A_264 : i32
      %add3A_266 = arith.constant 1 : i32
      %add3A_267 = arith.addi %mul3A_265, %add3A_266 : i32
      %swap3A_268 = arith.index_cast %add3A_267 : i32 to index
      %swap3A_269 = arith.constant 0 : index
      %swap3A_270 = tpu.vector_load %arg14[%swap3A_268, %swap3A_269] {strides = array<i32>} : memref<640x16xf32, #tpu.memory_space<vmem>>, vector<16xf32>,
      tpu.vector_store %arg14[%swap3A_268, %swap3A_269], %gather3A_263 {strides = array<i32>} : memref<640x16xf32, #tpu.memory_space<vmem>>, vector<16xf32>,
      %mul3A_271 = arith.constant 16 : i32
      %mul3A_272 = arith.muli %scan3A_247, %mul3A_271 : i32
      %add3A_273 = arith.constant 2 : i32
      %add3A_274 = arith.addi %mul3A_272, %add3A_273 : i32
      %broadcast_in_dim3A_275 = vector.broadcast %add3A_274 : i32 to vector<16xi32>
      %gather3A_276 = tpu.vector_load_idx %arg13[%broadcast_in_dim3A_275] : memref<640xf32, #tpu.memory_space<vmem>>[vector<16xi32>], vector<16xf32>,
      %mul3A_277 = arith.constant 16 : i32
      %mul3A_278 = arith.muli %scan3A_247, %mul3A_277 : i32
      %add3A_279 = arith.constant 2 : i32
      %add3A_280 = arith.addi %mul3A_278, %add3A_279 : i32
      %swap3A_281 = arith.index_cast %add3A_280 : i32 to index
      %swap3A_282 = arith.constant 0 : index
      %swap3A_283 = tpu.vector_load %arg14[%swap3A_281, %swap3A_282] {strides = array<i32>} : memref<640x16xf32, #tpu.memory_space<vmem>>, vector<16xf32>,
      tpu.vector_store %arg14[%swap3A_281, %swap3A_282], %gather3A_276 {strides = array<i32>} : memref<640x16xf32, #tpu.memory_space<vmem>>, vector<16xf32>,
      %mul3A_284 = arith.constant 16 : i32
      %mul3A_285 = arith.muli %scan3A_247, %mul3A_284 : i32
      %add3A_286 = arith.constant 3 : i32
      %add3A_287 = arith.addi %mul3A_285, %add3A_286 : i32
      %broadcast_in_dim3A_288 = vector.broadcast %add3A_287 : i32 to vector<16xi32>
      %gather3A_289 = tpu.vector_load_idx %arg13[%broadcast_in_dim3A_288] : memref<640xf32, #tpu.memory_space<vmem>>[vector<16xi32>], vector<16xf32>,
      %mul3A_290 = arith.constant 16 : i32
      %mul3A_291 = arith.muli %scan3A_247, %mul3A_290 : i32
      %add3A_292 = arith.constant 3 : i32
      %add3A_293 = arith.addi %mul3A_291, %add3A_292 : i32
      %swap3A_294 = arith.index_cast %add3A_293 : i32 to index
      %swap3A_295 = arith.constant 0 : index
      %swap3A_296 = tpu.vector_load %arg14[%swap3A_294, %swap3A_295] {strides = array<i32>} : memref<640x16xf32, #tpu.memory_space<vmem>>, vector<16xf32>,
      tpu.vector_store %arg14[%swap3A_294, %swap3A_295], %gather3A_289 {strides = array<i32>} : memref<640x16xf32, #tpu.memory_space<vmem>>, vector<16xf32>,
      %mul3A_297 = arith.constant 16 : i32
      %mul3A_298 = arith.muli %scan3A_247, %mul3A_297 : i32
      %add3A_299 = arith.constant 4 : i32
      %add3A_300 = arith.addi %mul3A_298, %add3A_299 : i32
      %broadcast_in_dim3A_301 = vector.broadcast %add3A_300 : i32 to vector<16xi32>
      %gather3A_302 = tpu.vector_load_idx %arg13[%broadcast_in_dim3A_301] : memref<640xf32, #tpu.memory_space<vmem>>[vector<16xi32>], vector<16xf32>,
      %mul3A_303 = arith.constant 16 : i32
      %mul3A_304 = arith.muli %scan3A_247, %mul3A_303 : i32
      %add3A_305 = arith.constant 4 : i32
      %add3A_306 = arith.addi %mul3A_304, %add3A_305 : i32
      %swap3A_307 = arith.index_cast %add3A_306 : i32 to index
      %swap3A_308 = arith.constant 0 : index
      %swap3A_309 = tpu.vector_load %arg14[%swap3A_307, %swap3A_308] {strides = array<i32>} : memref<640x16xf32, #tpu.memory_space<vmem>>, vector<16xf32>,
      tpu.vector_store %arg14[%swap3A_307, %swap3A_308], %gather3A_302 {strides = array<i32>} : memref<640x16xf32, #tpu.memory_space<vmem>>, vector<16xf32>,
      %mul3A_310 = arith.constant 16 : i32
      %mul3A_311 = arith.muli %scan3A_247, %mul3A_310 : i32
      %add3A_312 = arith.constant 5 : i32
      %add3A_313 = arith.addi %mul3A_311, %add3A_312 : i32
      %broadcast_in_dim3A_314 = vector.broadcast %add3A_313 : i32 to vector<16xi32>
      %gather3A_315 = tpu.vector_load_idx %arg13[%broadcast_in_dim3A_314] : memref<640xf32, #tpu.memory_space<vmem>>[vector<16xi32>], vector<16xf32>,
      %mul3A_316 = arith.constant 16 : i32
      %mul3A_317 = arith.muli %scan3A_247, %mul3A_316 : i32
      %add3A_318 = arith.constant 5 : i32
      %add3A_319 = arith.addi %mul3A_317, %add3A_318 : i32
      %swap3A_320 = arith.index_cast %add3A_319 : i32 to index
      %swap3A_321 = arith.constant 0 : index
      %swap3A_322 = tpu.vector_load %arg14[%swap3A_320, %swap3A_321] {strides = array<i32>} : memref<640x16xf32, #tpu.memory_space<vmem>>, vector<16xf32>,
      tpu.vector_store %arg14[%swap3A_320, %swap3A_321], %gather3A_315 {strides = array<i32>} : memref<640x16xf32, #tpu.memory_space<vmem>>, vector<16xf32>,
      %mul3A_323 = arith.constant 16 : i32
      %mul3A_324 = arith.muli %scan3A_247, %mul3A_323 : i32
      %add3A_325 = arith.constant 6 : i32
      %add3A_326 = arith.addi %mul3A_324, %add3A_325 : i32
      %broadcast_in_dim3A_327 = vector.broadcast %add3A_326 : i32 to vector<16xi32>
      %gather3A_328 = tpu.vector_load_idx %arg13[%broadcast_in_dim3A_327] : memref<640xf32, #tpu.memory_space<vmem>>[vector<16xi32>], vector<16xf32>,
      %mul3A_329 = arith.constant 16 : i32
      %mul3A_330 = arith.muli %scan3A_247, %mul3A_329 : i32
      %add3A_331 = arith.constant 6 : i32
      %add3A_332 = arith.addi %mul3A_330, %add3A_331 : i32
      %swap3A_333 = arith.index_cast %add3A_332 : i32 to index
      %swap3A_334 = arith.constant 0 : index
      %swap3A_335 = tpu.vector_load %arg14[%swap3A_333, %swap3A_334] {strides = array<i32>} : memref<640x16xf32, #tpu.memory_space<vmem>>, vector<16xf32>,
      tpu.vector_store %arg14[%swap3A_333, %swap3A_334], %gather3A_328 {strides = array<i32>} : memref<640x16xf32, #tpu.memory_space<vmem>>, vector<16xf32>,
      %mul3A_336 = arith.constant 16 : i32
      %mul3A_337 = arith.muli %scan3A_247, %mul3A_336 : i32
      %add3A_338 = arith.constant 7 : i32
      %add3A_339 = arith.addi %mul3A_337, %add3A_338 : i32
      %broadcast_in_dim3A_340 = vector.broadcast %add3A_339 : i32 to vector<16xi32>
      %gather3A_341 = tpu.vector_load_idx %arg13[%broadcast_in_dim3A_340] : memref<640xf32, #tpu.memory_space<vmem>>[vector<16xi32>], vector<16xf32>,
      %mul3A_342 = arith.constant 16 : i32
      %mul3A_343 = arith.muli %scan3A_247, %mul3A_342 : i32
      %add3A_344 = arith.constant 7 : i32
      %add3A_345 = arith.addi %mul3A_343, %add3A_344 : i32
      %swap3A_346 = arith.index_cast %add3A_345 : i32 to index
      %swap3A_347 = arith.constant 0 : index
      %swap3A_348 = tpu.vector_load %arg14[%swap3A_346, %swap3A_347] {strides = array<i32>} : memref<640x16xf32, #tpu.memory_space<vmem>>, vector<16xf32>,
      tpu.vector_store %arg14[%swap3A_346, %swap3A_347], %gather3A_341 {strides = array<i32>} : memref<640x16xf32, #tpu.memory_space<vmem>>, vector<16xf32>,
      %mul3A_349 = arith.constant 16 : i32
      %mul3A_350 = arith.muli %scan3A_247, %mul3A_349 : i32
      %add3A_351 = arith.constant 8 : i32
      %add3A_352 = arith.addi %mul3A_350, %add3A_351 : i32
      %broadcast_in_dim3A_353 = vector.broadcast %add3A_352 : i32 to vector<16xi32>
      %gather3A_354 = tpu.vector_load_idx %arg13[%broadcast_in_dim3A_353] : memref<640xf32, #tpu.memory_space<vmem>>[vector<16xi32>], vector<16xf32>,
      %mul3A_355 = arith.constant 16 : i32
      %mul3A_356 = arith.muli %scan3A_247, %mul3A_355 : i32
      %add3A_357 = arith.constant 8 : i32
      %add3A_358 = arith.addi %mul3A_356, %add3A_357 : i32
      %swap3A_359 = arith.index_cast %add3A_358 : i32 to index
      %swap3A_360 = arith.constant 0 : index
      %swap3A_361 = tpu.vector_load %arg14[%swap3A_359, %swap3A_360] {strides = array<i32>} : memref<640x16xf32, #tpu.memory_space<vmem>>, vector<16xf32>,
      tpu.vector_store %arg14[%swap3A_359, %swap3A_360], %gather3A_354 {strides = array<i32>} : memref<640x16xf32, #tpu.memory_space<vmem>>, vector<16xf32>,
      %mul3A_362 = arith.constant 16 : i32
      %mul3A_363 = arith.muli %scan3A_247, %mul3A_362 : i32
      %add3A_364 = arith.constant 9 : i32
      %add3A_365 = arith.addi %mul3A_363, %add3A_364 : i32
      %broadcast_in_dim3A_366 = vector.broadcast %add3A_365 : i32 to vector<16xi32>
      %gather3A_367 = tpu.vector_load_idx %arg13[%broadcast_in_dim3A_366] : memref<640xf32, #tpu.memory_space<vmem>>[vector<16xi32>], vector<16xf32>,
      %mul3A_368 = arith.constant 16 : i32
      %mul3A_369 = arith.muli %scan3A_247, %mul3A_368 : i32
      %add3A_370 = arith.constant 9 : i32
      %add3A_371 = arith.addi %mul3A_369, %add3A_370 : i32
      %swap3A_372 = arith.index_cast %add3A_371 : i32 to index
      %swap3A_373 = arith.constant 0 : index
      %swap3A_374 = tpu.vector_load %arg14[%swap3A_372, %swap3A_373] {strides = array<i32>} : memref<640x16xf32, #tpu.memory_space<vmem>>, vector<16xf32>,
      tpu.vector_store %arg14[%swap3A_372, %swap3A_373], %gather3A_367 {strides = array<i32>} : memref<640x16xf32, #tpu.memory_space<vmem>>, vector<16xf32>,
      %mul3A_375 = arith.constant 16 : i32
      %mul3A_376 = arith.muli %scan3A_247, %mul3A_375 : i32
      %add3A_377 = arith.constant 10 : i32
      %add3A_378 = arith.addi %mul3A_376, %add3A_377 : i32
      %broadcast_in_dim3A_379 = vector.broadcast %add3A_378 : i32 to vector<16xi32>
      %gather3A_380 = tpu.vector_load_idx %arg13[%broadcast_in_dim3A_379] : memref<640xf32, #tpu.memory_space<vmem>>[vector<16xi32>], vector<16xf32>,
      %mul3A_381 = arith.constant 16 : i32
      %mul3A_382 = arith.muli %scan3A_247, %mul3A_381 : i32
      %add3A_383 = arith.constant 10 : i32
      %add3A_384 = arith.addi %mul3A_382, %add3A_383 : i32
      %swap3A_385 = arith.index_cast %add3A_384 : i32 to index
      %swap3A_386 = arith.constant 0 : index
      %swap3A_387 = tpu.vector_load %arg14[%swap3A_385, %swap3A_386] {strides = array<i32>} : memref<640x16xf32, #tpu.memory_space<vmem>>, vector<16xf32>,
      tpu.vector_store %arg14[%swap3A_385, %swap3A_386], %gather3A_380 {strides = array<i32>} : memref<640x16xf32, #tpu.memory_space<vmem>>, vector<16xf32>,
      %mul3A_388 = arith.constant 16 : i32
      %mul3A_389 = arith.muli %scan3A_247, %mul3A_388 : i32
      %add3A_390 = arith.constant 11 : i32
      %add3A_391 = arith.addi %mul3A_389, %add3A_390 : i32
      %broadcast_in_dim3A_392 = vector.broadcast %add3A_391 : i32 to vector<16xi32>
      %gather3A_393 = tpu.vector_load_idx %arg13[%broadcast_in_dim3A_392] : memref<640xf32, #tpu.memory_space<vmem>>[vector<16xi32>], vector<16xf32>,
      %mul3A_394 = arith.constant 16 : i32
      %mul3A_395 = arith.muli %scan3A_247, %mul3A_394 : i32
      %add3A_396 = arith.constant 11 : i32
      %add3A_397 = arith.addi %mul3A_395, %add3A_396 : i32
      %swap3A_398 = arith.index_cast %add3A_397 : i32 to index
      %swap3A_399 = arith.constant 0 : index
      %swap3A_400 = tpu.vector_load %arg14[%swap3A_398, %swap3A_399] {strides = array<i32>} : memref<640x16xf32, #tpu.memory_space<vmem>>, vector<16xf32>,
      tpu.vector_store %arg14[%swap3A_398, %swap3A_399], %gather3A_393 {strides = array<i32>} : memref<640x16xf32, #tpu.memory_space<vmem>>, vector<16xf32>,
      %mul3A_401 = arith.constant 16 : i32
      %mul3A_402 = arith.muli %scan3A_247, %mul3A_401 : i32
      %add3A_403 = arith.constant 12 : i32
      %add3A_404 = arith.addi %mul3A_402, %add3A_403 : i32
      %broadcast_in_dim3A_405 = vector.broadcast %add3A_404 : i32 to vector<16xi32>
      %gather3A_406 = tpu.vector_load_idx %arg13[%broadcast_in_dim3A_405] : memref<640xf32, #tpu.memory_space<vmem>>[vector<16xi32>], vector<16xf32>,
      %mul3A_407 = arith.constant 16 : i32
      %mul3A_408 = arith.muli %scan3A_247, %mul3A_407 : i32
      %add3A_409 = arith.constant 12 : i32
      %add3A_410 = arith.addi %mul3A_408, %add3A_409 : i32
      %swap3A_411 = arith.index_cast %add3A_410 : i32 to index
      %swap3A_412 = arith.constant 0 : index
      %swap3A_413 = tpu.vector_load %arg14[%swap3A_411, %swap3A_412] {strides = array<i32>} : memref<640x16xf32, #tpu.memory_space<vmem>>, vector<16xf32>,
      tpu.vector_store %arg14[%swap3A_411, %swap3A_412], %gather3A_406 {strides = array<i32>} : memref<640x16xf32, #tpu.memory_space<vmem>>, vector<16xf32>,
      %mul3A_414 = arith.constant 16 : i32
      %mul3A_415 = arith.muli %scan3A_247, %mul3A_414 : i32
      %add3A_416 = arith.constant 13 : i32
      %add3A_417 = arith.addi %mul3A_415, %add3A_416 : i32
      %broadcast_in_dim3A_418 = vector.broadcast %add3A_417 : i32 to vector<16xi32>
      %gather3A_419 = tpu.vector_load_idx %arg13[%broadcast_in_dim3A_418] : memref<640xf32, #tpu.memory_space<vmem>>[vector<16xi32>], vector<16xf32>,
      %mul3A_420 = arith.constant 16 : i32
      %mul3A_421 = arith.muli %scan3A_247, %mul3A_420 : i32
      %add3A_422 = arith.constant 13 : i32
      %add3A_423 = arith.addi %mul3A_421, %add3A_422 : i32
      %swap3A_424 = arith.index_cast %add3A_423 : i32 to index
      %swap3A_425 = arith.constant 0 : index
      %swap3A_426 = tpu.vector_load %arg14[%swap3A_424, %swap3A_425] {strides = array<i32>} : memref<640x16xf32, #tpu.memory_space<vmem>>, vector<16xf32>,
      tpu.vector_store %arg14[%swap3A_424, %swap3A_425], %gather3A_419 {strides = array<i32>} : memref<640x16xf32, #tpu.memory_space<vmem>>, vector<16xf32>,
      %mul3A_427 = arith.constant 16 : i32
      %mul3A_428 = arith.muli %scan3A_247, %mul3A_427 : i32
      %add3A_429 = arith.constant 14 : i32
      %add3A_430 = arith.addi %mul3A_428, %add3A_429 : i32
      %broadcast_in_dim3A_431 = vector.broadcast %add3A_430 : i32 to vector<16xi32>
      %gather3A_432 = tpu.vector_load_idx %arg13[%broadcast_in_dim3A_431] : memref<640xf32, #tpu.memory_space<vmem>>[vector<16xi32>], vector<16xf32>,
      %mul3A_433 = arith.constant 16 : i32
      %mul3A_434 = arith.muli %scan3A_247, %mul3A_433 : i32
      %add3A_435 = arith.constant 14 : i32
      %add3A_436 = arith.addi %mul3A_434, %add3A_435 : i32
      %swap3A_437 = arith.index_cast %add3A_436 : i32 to index
      %swap3A_438 = arith.constant 0 : index
      %swap3A_439 = tpu.vector_load %arg14[%swap3A_437, %swap3A_438] {strides = array<i32>} : memref<640x16xf32, #tpu.memory_space<vmem>>, vector<16xf32>,
      tpu.vector_store %arg14[%swap3A_437, %swap3A_438], %gather3A_432 {strides = array<i32>} : memref<640x16xf32, #tpu.memory_space<vmem>>, vector<16xf32>,
      %mul3A_440 = arith.constant 16 : i32
      %mul3A_441 = arith.muli %scan3A_247, %mul3A_440 : i32
      %add3A_442 = arith.constant 15 : i32
      %add3A_443 = arith.addi %mul3A_441, %add3A_442 : i32
      %broadcast_in_dim3A_444 = vector.broadcast %add3A_443 : i32 to vector<16xi32>
      %gather3A_445 = tpu.vector_load_idx %arg13[%broadcast_in_dim3A_444] : memref<640xf32, #tpu.memory_space<vmem>>[vector<16xi32>], vector<16xf32>,
      %mul3A_446 = arith.constant 16 : i32
      %mul3A_447 = arith.muli %scan3A_247, %mul3A_446 : i32
      %add3A_448 = arith.constant 15 : i32
      %add3A_449 = arith.addi %mul3A_447, %add3A_448 : i32
      %swap3A_450 = arith.index_cast %add3A_449 : i32 to index
      %swap3A_451 = arith.constant 0 : index
      %swap3A_452 = tpu.vector_load %arg14[%swap3A_450, %swap3A_451] {strides = array<i32>} : memref<640x16xf32, #tpu.memory_space<vmem>>, vector<16xf32>,
      tpu.vector_store %arg14[%swap3A_450, %swap3A_451], %gather3A_445 {strides = array<i32>} : memref<640x16xf32, #tpu.memory_space<vmem>>, vector<16xf32>,
    }
    %scan3A_244 = arith.constant 40 : i32
    %mul3A_245 = arith.constant 640 : i32
    %mul3A_246 = arith.muli %arg1, %mul3A_245 : i32
    "tpu.region"() ({
      %run_scoped3A_247 = tpu.sem_alloc : memref<!tpu.dma_semaphore, #tpu.memory_space<semaphore_mem>>
      %dma_start3A_248 = arith.constant 0 : i32
      %dma_start3A_249 = tpu.memref_slice %arg8[%arg0, %mul3A_246, %dma_start3A_248] : memref<2x10240x16xf32, #tpu.memory_space<hbm>> -> memref<1x640x16xf32, #tpu.memory_space<hbm>>
      %dma_start3A_250 = tpu.memref_squeeze %dma_start3A_249 : memref<1x640x16xf32, #tpu.memory_space<hbm>> -> memref<640x16xf32, #tpu.memory_space<hbm>>
      %dma_start3A_251 = arith.constant 0 : i32
      %dma_start3A_252 = tpu.memref_slice %arg8[%arg0, %mul3A_246, %dma_start3A_251] : memref<2x10240x16xf32, #tpu.memory_space<hbm>> -> memref<1x640x16xf32, #tpu.memory_space<hbm>>
      %dma_start3A_253 = tpu.memref_squeeze %dma_start3A_252 : memref<1x640x16xf32, #tpu.memory_space<hbm>> -> memref<640x16xf32, #tpu.memory_space<hbm>>
      tpu.enqueue_dma source(%arg14 : memref<640x16xf32, #tpu.memory_space<vmem>>) target(%dma_start3A_253 : memref<640x16xf32, #tpu.memory_space<hbm>>) target_semaphore(%run_scoped3A_247 : memref<!tpu.dma_semaphore, #tpu.memory_space<semaphore_mem>>)
      %dma_wait3A_254 = arith.constant 0 : i32
      %dma_wait3A_255 = tpu.memref_slice %arg8[%arg0, %mul3A_246, %dma_wait3A_254] : memref<2x10240x16xf32, #tpu.memory_space<hbm>> -> memref<1x640x16xf32, #tpu.memory_space<hbm>>
      %dma_wait3A_256 = tpu.memref_squeeze %dma_wait3A_255 : memref<1x640x16xf32, #tpu.memory_space<hbm>> -> memref<640x16xf32, #tpu.memory_space<hbm>>
      %dma_wait3A_257 = arith.constant 0 : i32
      %dma_wait3A_258 = tpu.memref_slice %arg8[%arg0, %mul3A_246, %dma_wait3A_257] : memref<2x10240x16xf32, #tpu.memory_space<hbm>> -> memref<1x640x16xf32, #tpu.memory_space<hbm>>
      %dma_wait3A_259 = tpu.memref_squeeze %dma_wait3A_258 : memref<1x640x16xf32, #tpu.memory_space<hbm>> -> memref<640x16xf32, #tpu.memory_space<hbm>>
      tpu.wait_dma2 semaphore(%run_scoped3A_247 : memref<!tpu.dma_semaphore, #tpu.memory_space<semaphore_mem>>) src(%arg14 : memref<640x16xf32, #tpu.memory_space<vmem>>) dst(%dma_wait3A_259 : memref<640x16xf32, #tpu.memory_space<hbm>>)
      tpu.yield
    }) : () -> ()
    return
  }
}

#map = affine_map<(d0, d1) -> (0, 0)>
#map1 = affine_map<(d0, d1) -> (0)>
#map2 = affine_map<(d0, d1) -> (0, 0, 0)>
module attributes {stable_mosaic.version = 14 : i64} {
  func.func @body(%arg0: i32, %arg1: i32, %arg2: memref<10240x16xf32, #tpu.memory_space<hbm>>, %arg3: memref<2x320000xi32, #tpu.memory_space<hbm>>, %arg4: memref<640x16xf32, #tpu.memory_space<hbm>>, %arg5: memref<640xf32, #tpu.memory_space<hbm>>, %arg6: memref<1024xf32, #tpu.memory_space<hbm>>, %arg7: memref<2x10240x16xf32, #tpu.memory_space<hbm>>, %arg8: memref<10000xi32, #tpu.memory_space<vmem>>, %arg9: memref<10000xi32, #tpu.memory_space<vmem>>, %arg10: memref<2x1024x16xf32, #tpu.memory_space<vmem>>, %arg11: memref<10240x16xf32, #tpu.memory_space<vmem_shared>>, %arg12: memref<10240x16xf32, #tpu.memory_space<vmem_shared>>, %arg13: memref<!tpu.dma_semaphore, #tpu.memory_space<semaphore_mem>>, %arg14: memref<!tpu.dma_semaphore, #tpu.memory_space<semaphore_mem>>) attributes {dimension_semantics = [#tpu.dimension_semantics<core_parallel>, #tpu.dimension_semantics<subcore_parallel>], iteration_bounds = array<i64: 2, 16>, scalar_prefetch = 0 : i64, scratch_operands = 7 : i64, tpu.core_type = #tpu.core_type<sc_vector_subcore>, window_params = [{transform_indices = #map}, {transform_indices = #map}, {transform_indices = #map}, {transform_indices = #map1}, {transform_indices = #map1}, {transform_indices = #map2}]} {
    %mul3A = arith.constant 2 : i32
    %mul3A_0 = arith.muli %arg1, %mul3A : i32
    %add3A = arith.addi %mul3A_0, %arg0 : i32
    %mul3A_1 = arith.constant 10000 : i32
    %mul3A_2 = arith.muli %add3A, %mul3A_1 : i32
    %mul3A_3 = arith.constant 640 : i32
    %mul3A_4 = arith.muli %arg1, %mul3A_3 : i32
    "tpu.region"() ({
      %run_scoped3A_223 = tpu.sem_alloc : memref<!tpu.dma_semaphore, #tpu.memory_space<semaphore_mem>>
      %dma_start3A_224 = arith.constant 0 : i32
      %dma_start3A_225 = tpu.memref_slice %arg11[%mul3A_4, %dma_start3A_224] : memref<10240x16xf32, #tpu.memory_space<vmem_shared>> -> memref<640x16xf32, #tpu.memory_space<vmem_shared>>
      tpu.enqueue_dma source(%arg4 : memref<640x16xf32, #tpu.memory_space<hbm>>) target(%dma_start3A_225 : memref<640x16xf32, #tpu.memory_space<vmem_shared>>) target_semaphore(%run_scoped3A_223 : memref<!tpu.dma_semaphore, #tpu.memory_space<semaphore_mem>>)
      %dma_wait3A_226 = arith.constant 0 : i32
      %dma_wait3A_227 = tpu.memref_slice %arg11[%mul3A_4, %dma_wait3A_226] : memref<10240x16xf32, #tpu.memory_space<vmem_shared>> -> memref<640x16xf32, #tpu.memory_space<vmem_shared>>
      tpu.wait_dma2 semaphore(%run_scoped3A_223 : memref<!tpu.dma_semaphore, #tpu.memory_space<semaphore_mem>>) src(%arg4 : memref<640x16xf32, #tpu.memory_space<hbm>>) dst(%dma_wait3A_227 : memref<640x16xf32, #tpu.memory_space<vmem_shared>>)
      tpu.yield
    }) : () -> ()
    %mul3A_5 = arith.constant 640 : i32
    %mul3A_6 = arith.muli %arg1, %mul3A_5 : i32
    %mul3A_7 = arith.constant 640 : i32
    %mul3A_8 = arith.muli %arg1, %mul3A_7 : i32
    "tpu.region"() ({
      %run_scoped3A_223 = tpu.sem_alloc : memref<!tpu.dma_semaphore, #tpu.memory_space<semaphore_mem>>
      %dma_start3A_224 = arith.constant 0 : i32
      %dma_start3A_225 = tpu.memref_slice %arg12[%mul3A_8, %dma_start3A_224] : memref<10240x16xf32, #tpu.memory_space<vmem_shared>> -> memref<640x16xf32, #tpu.memory_space<vmem_shared>>
      %dma_start3A_226 = arith.constant 0 : i32
      %dma_start3A_227 = tpu.memref_slice %arg2[%mul3A_6, %dma_start3A_226] : memref<10240x16xf32, #tpu.memory_space<hbm>> -> memref<640x16xf32, #tpu.memory_space<hbm>>
      tpu.enqueue_dma source(%dma_start3A_227 : memref<640x16xf32, #tpu.memory_space<hbm>>) target(%dma_start3A_225 : memref<640x16xf32, #tpu.memory_space<vmem_shared>>) target_semaphore(%run_scoped3A_223 : memref<!tpu.dma_semaphore, #tpu.memory_space<semaphore_mem>>)
      %dma_wait3A_228 = arith.constant 0 : i32
      %dma_wait3A_229 = tpu.memref_slice %arg12[%mul3A_8, %dma_wait3A_228] : memref<10240x16xf32, #tpu.memory_space<vmem_shared>> -> memref<640x16xf32, #tpu.memory_space<vmem_shared>>
      %dma_wait3A_230 = arith.constant 0 : i32
      %dma_wait3A_231 = tpu.memref_slice %arg2[%mul3A_6, %dma_wait3A_230] : memref<10240x16xf32, #tpu.memory_space<hbm>> -> memref<640x16xf32, #tpu.memory_space<hbm>>
      tpu.wait_dma2 semaphore(%run_scoped3A_223 : memref<!tpu.dma_semaphore, #tpu.memory_space<semaphore_mem>>) src(%dma_wait3A_231 : memref<640x16xf32, #tpu.memory_space<hbm>>) dst(%dma_wait3A_229 : memref<640x16xf32, #tpu.memory_space<vmem_shared>>)
      tpu.yield
    }) : () -> ()
    %run_scoped3A = arith.constant 0 : i32
    "tpu.region"() ({
      %run_scoped3A_223 = tpu.sem_alloc : memref<!tpu.dma_semaphore, #tpu.memory_space<semaphore_mem>>
      %dma_start3A_224 = tpu.memref_slice %arg3[%run_scoped3A, %mul3A_2] : memref<2x320000xi32, #tpu.memory_space<hbm>> -> memref<1x10000xi32, #tpu.memory_space<hbm>>
      %dma_start3A_225 = tpu.memref_squeeze %dma_start3A_224 : memref<1x10000xi32, #tpu.memory_space<hbm>> -> memref<10000xi32, #tpu.memory_space<hbm>>
      %dma_start3A_226 = tpu.memref_slice %arg3[%run_scoped3A, %mul3A_2] : memref<2x320000xi32, #tpu.memory_space<hbm>> -> memref<1x10000xi32, #tpu.memory_space<hbm>>
      %dma_start3A_227 = tpu.memref_squeeze %dma_start3A_226 : memref<1x10000xi32, #tpu.memory_space<hbm>> -> memref<10000xi32, #tpu.memory_space<hbm>>
      tpu.enqueue_dma source(%dma_start3A_227 : memref<10000xi32, #tpu.memory_space<hbm>>) target(%arg8 : memref<10000xi32, #tpu.memory_space<vmem>>) target_semaphore(%run_scoped3A_223 : memref<!tpu.dma_semaphore, #tpu.memory_space<semaphore_mem>>)
      %dma_wait3A_228 = tpu.memref_slice %arg3[%run_scoped3A, %mul3A_2] : memref<2x320000xi32, #tpu.memory_space<hbm>> -> memref<1x10000xi32, #tpu.memory_space<hbm>>
      %dma_wait3A_229 = tpu.memref_squeeze %dma_wait3A_228 : memref<1x10000xi32, #tpu.memory_space<hbm>> -> memref<10000xi32, #tpu.memory_space<hbm>>
      %dma_wait3A_230 = tpu.memref_slice %arg3[%run_scoped3A, %mul3A_2] : memref<2x320000xi32, #tpu.memory_space<hbm>> -> memref<1x10000xi32, #tpu.memory_space<hbm>>
      %dma_wait3A_231 = tpu.memref_squeeze %dma_wait3A_230 : memref<1x10000xi32, #tpu.memory_space<hbm>> -> memref<10000xi32, #tpu.memory_space<hbm>>
      tpu.wait_dma2 semaphore(%run_scoped3A_223 : memref<!tpu.dma_semaphore, #tpu.memory_space<semaphore_mem>>) src(%dma_wait3A_231 : memref<10000xi32, #tpu.memory_space<hbm>>) dst(%arg8 : memref<10000xi32, #tpu.memory_space<vmem>>)
      tpu.yield
    }) : () -> ()
    %run_scoped3A_9 = arith.constant 1 : i32
    "tpu.region"() ({
      %run_scoped3A_223 = tpu.sem_alloc : memref<!tpu.dma_semaphore, #tpu.memory_space<semaphore_mem>>
      %dma_start3A_224 = tpu.memref_slice %arg3[%run_scoped3A_9, %mul3A_2] : memref<2x320000xi32, #tpu.memory_space<hbm>> -> memref<1x10000xi32, #tpu.memory_space<hbm>>
      %dma_start3A_225 = tpu.memref_squeeze %dma_start3A_224 : memref<1x10000xi32, #tpu.memory_space<hbm>> -> memref<10000xi32, #tpu.memory_space<hbm>>
      %dma_start3A_226 = tpu.memref_slice %arg3[%run_scoped3A_9, %mul3A_2] : memref<2x320000xi32, #tpu.memory_space<hbm>> -> memref<1x10000xi32, #tpu.memory_space<hbm>>
      %dma_start3A_227 = tpu.memref_squeeze %dma_start3A_226 : memref<1x10000xi32, #tpu.memory_space<hbm>> -> memref<10000xi32, #tpu.memory_space<hbm>>
      tpu.enqueue_dma source(%dma_start3A_227 : memref<10000xi32, #tpu.memory_space<hbm>>) target(%arg9 : memref<10000xi32, #tpu.memory_space<vmem>>) target_semaphore(%run_scoped3A_223 : memref<!tpu.dma_semaphore, #tpu.memory_space<semaphore_mem>>)
      %dma_wait3A_228 = tpu.memref_slice %arg3[%run_scoped3A_9, %mul3A_2] : memref<2x320000xi32, #tpu.memory_space<hbm>> -> memref<1x10000xi32, #tpu.memory_space<hbm>>
      %dma_wait3A_229 = tpu.memref_squeeze %dma_wait3A_228 : memref<1x10000xi32, #tpu.memory_space<hbm>> -> memref<10000xi32, #tpu.memory_space<hbm>>
      %dma_wait3A_230 = tpu.memref_slice %arg3[%run_scoped3A_9, %mul3A_2] : memref<2x320000xi32, #tpu.memory_space<hbm>> -> memref<1x10000xi32, #tpu.memory_space<hbm>>
      %dma_wait3A_231 = tpu.memref_squeeze %dma_wait3A_230 : memref<1x10000xi32, #tpu.memory_space<hbm>> -> memref<10000xi32, #tpu.memory_space<hbm>>
      tpu.wait_dma2 semaphore(%run_scoped3A_223 : memref<!tpu.dma_semaphore, #tpu.memory_space<semaphore_mem>>) src(%dma_wait3A_231 : memref<10000xi32, #tpu.memory_space<hbm>>) dst(%arg9 : memref<10000xi32, #tpu.memory_space<vmem>>)
      tpu.yield
    }) : () -> ()
    %barrier3A = arith.constant 0 : index
    tpu.barrier barrier_id(%barrier3A)
    %dma_start3A = arith.constant 0 : i32
    %dma_start3A_10 = arith.constant 0 : i32
    %dma_start3A_11 = arith.constant 0 : i32
    %dma_start3A_12 = tpu.memref_slice %arg10[%dma_start3A, %dma_start3A_10, %dma_start3A_11] : memref<2x1024x16xf32, #tpu.memory_space<vmem>> -> memref<1x1024x16xf32, #tpu.memory_space<vmem>>
    %dma_start3A_13 = tpu.memref_squeeze %dma_start3A_12 : memref<1x1024x16xf32, #tpu.memory_space<vmem>> -> memref<1024x16xf32, #tpu.memory_space<vmem>>
    %dma_start3A_14 = arith.constant 0 : i32
    %dma_start3A_15 = tpu.memref_slice %arg8[%dma_start3A_14] : memref<10000xi32, #tpu.memory_space<vmem>> -> memref<1024xi32, #tpu.memory_space<vmem>>
    %dma_start3A_16 = arith.constant 0 : i32
    %dma_start3A_17 = arith.constant 0 : i32
    %dma_start3A_18 = tpu.memref_slice %arg12[%dma_start3A_16, %dma_start3A_17] : memref<10240x16xf32, #tpu.memory_space<vmem_shared>> -> memref<10240x16xf32, #tpu.memory_space<vmem_shared>>
    tpu.enqueue_indirect_dma source(%dma_start3A_18 : memref<10240x16xf32, #tpu.memory_space<vmem_shared>>) target(%dma_start3A_13 : memref<1024x16xf32, #tpu.memory_space<vmem>>) offsets(%dma_start3A_15 : memref<1024xi32, #tpu.memory_space<vmem>>) semaphore(%arg13 : memref<!tpu.dma_semaphore, #tpu.memory_space<semaphore_mem>>)
    %scan3A = arith.constant 0 : i32
    %scan3A_19 = arith.constant 0 : i32
    %scan3A_20 = arith.constant 9 : i32
    %scan3A_21 = arith.addi %scan3A_19, %scan3A_20 : i32
    %scan3A_22 = arith.constant 1 : i32
    scf.for %scan3A_223 = %scan3A_19 to %scan3A_21 step %scan3A_22  : i32 {
      %rem3A = arith.constant 2 : i32
      %rem3A_224 = arith.remsi %scan3A_223, %rem3A : i32
      %dma_wait3A_225 = arith.constant 0 : i32
      %dma_wait3A_226 = arith.constant 0 : i32
      %dma_wait3A_227 = tpu.memref_slice %arg10[%rem3A_224, %dma_wait3A_225, %dma_wait3A_226] : memref<2x1024x16xf32, #tpu.memory_space<vmem>> -> memref<1x1024x16xf32, #tpu.memory_space<vmem>>
      %dma_wait3A_228 = tpu.memref_squeeze %dma_wait3A_227 : memref<1x1024x16xf32, #tpu.memory_space<vmem>> -> memref<1024x16xf32, #tpu.memory_space<vmem>>
      %dma_wait3A_229 = arith.constant 0 : i32
      %dma_wait3A_230 = tpu.memref_slice %arg8[%dma_wait3A_229] : memref<10000xi32, #tpu.memory_space<vmem>> -> memref<1024xi32, #tpu.memory_space<vmem>>
      %dma_wait3A_231 = arith.constant 0 : i32
      %dma_wait3A_232 = arith.constant 0 : i32
      %dma_wait3A_233 = tpu.memref_slice %arg12[%dma_wait3A_231, %dma_wait3A_232] : memref<10240x16xf32, #tpu.memory_space<vmem_shared>> -> memref<10240x16xf32, #tpu.memory_space<vmem_shared>>
      tpu.wait_indirect_dma semaphore(%arg13 : memref<!tpu.dma_semaphore, #tpu.memory_space<semaphore_mem>>) src(%dma_wait3A_233 : memref<10240x16xf32, #tpu.memory_space<vmem_shared>>) dst(%dma_wait3A_228 : memref<1024x16xf32, #tpu.memory_space<vmem>>)
      %add3A_234 = arith.constant 1 : i32
      %add3A_235 = arith.addi %scan3A_223, %add3A_234 : i32
      %lt3A = arith.constant 9 : i32
      %lt3A_236 = arith.cmpi slt, %add3A_235, %lt3A : i32
      %convert_element_type3A = arith.extui %lt3A_236 : i1 to i32
      %cond3A = arith.constant 0 : i32
      %cond3A_237 = arith.cmpi ne, %convert_element_type3A, %cond3A : i32
      scf.if %cond3A_237 {
        %add3A_488 = arith.constant 1 : i32
        %add3A_489 = arith.addi %scan3A_223, %add3A_488 : i32
        %mul3A_490 = arith.constant 1024 : i32
        %mul3A_491 = arith.muli %add3A_489, %mul3A_490 : i32
        %sub3A = arith.constant 1 : i32
        %sub3A_492 = arith.subi %sub3A, %rem3A_224 : i32
        %dma_start3A_493 = arith.constant 0 : i32
        %dma_start3A_494 = arith.constant 0 : i32
        %dma_start3A_495 = tpu.memref_slice %arg10[%sub3A_492, %dma_start3A_493, %dma_start3A_494] : memref<2x1024x16xf32, #tpu.memory_space<vmem>> -> memref<1x1024x16xf32, #tpu.memory_space<vmem>>
        %dma_start3A_496 = tpu.memref_squeeze %dma_start3A_495 : memref<1x1024x16xf32, #tpu.memory_space<vmem>> -> memref<1024x16xf32, #tpu.memory_space<vmem>>
        %dma_start3A_497 = tpu.memref_slice %arg8[%mul3A_491] : memref<10000xi32, #tpu.memory_space<vmem>> -> memref<1024xi32, #tpu.memory_space<vmem>>
        %dma_start3A_498 = arith.constant 0 : i32
        %dma_start3A_499 = arith.constant 0 : i32
        %dma_start3A_500 = tpu.memref_slice %arg12[%dma_start3A_498, %dma_start3A_499] : memref<10240x16xf32, #tpu.memory_space<vmem_shared>> -> memref<10240x16xf32, #tpu.memory_space<vmem_shared>>
        tpu.enqueue_indirect_dma source(%dma_start3A_500 : memref<10240x16xf32, #tpu.memory_space<vmem_shared>>) target(%dma_start3A_496 : memref<1024x16xf32, #tpu.memory_space<vmem>>) offsets(%dma_start3A_497 : memref<1024xi32, #tpu.memory_space<vmem>>) semaphore(%arg13 : memref<!tpu.dma_semaphore, #tpu.memory_space<semaphore_mem>>)
      } else {
      }
      %add3A_238 = arith.constant 1 : i32
      %add3A_239 = arith.addi %scan3A_223, %add3A_238 : i32
      %eq3A = arith.constant 9 : i32
      %eq3A_240 = arith.cmpi eq, %add3A_239, %eq3A : i32
      %convert_element_type3A_241 = arith.extui %eq3A_240 : i1 to i32
      %cond3A_242 = arith.constant 0 : i32
      %cond3A_243 = arith.cmpi ne, %convert_element_type3A_241, %cond3A_242 : i32
      scf.if %cond3A_243 {
        %sub3A = arith.constant 1 : i32
        %sub3A_488 = arith.subi %sub3A, %rem3A_224 : i32
        %dma_start3A_489 = arith.constant 0 : i32
        %dma_start3A_490 = arith.constant 0 : i32
        %dma_start3A_491 = tpu.memref_slice %arg10[%sub3A_488, %dma_start3A_489, %dma_start3A_490] : memref<2x1024x16xf32, #tpu.memory_space<vmem>> -> memref<1x1024x16xf32, #tpu.memory_space<vmem>>
        %dma_start3A_492 = tpu.memref_squeeze %dma_start3A_491 : memref<1x1024x16xf32, #tpu.memory_space<vmem>> -> memref<1024x16xf32, #tpu.memory_space<vmem>>
        %dma_start3A_493 = arith.constant 0 : i32
        %dma_start3A_494 = arith.constant 0 : i32
        %dma_start3A_495 = tpu.memref_slice %dma_start3A_492[%dma_start3A_493, %dma_start3A_494] : memref<1024x16xf32, #tpu.memory_space<vmem>> -> memref<784x16xf32, #tpu.memory_space<vmem>>
        %dma_start3A_496 = arith.constant 9216 : i32
        %dma_start3A_497 = tpu.memref_slice %arg8[%dma_start3A_496] : memref<10000xi32, #tpu.memory_space<vmem>> -> memref<784xi32, #tpu.memory_space<vmem>>
        %dma_start3A_498 = arith.constant 0 : i32
        %dma_start3A_499 = arith.constant 0 : i32
        %dma_start3A_500 = tpu.memref_slice %arg12[%dma_start3A_498, %dma_start3A_499] : memref<10240x16xf32, #tpu.memory_space<vmem_shared>> -> memref<10240x16xf32, #tpu.memory_space<vmem_shared>>
        tpu.enqueue_indirect_dma source(%dma_start3A_500 : memref<10240x16xf32, #tpu.memory_space<vmem_shared>>) target(%dma_start3A_495 : memref<784x16xf32, #tpu.memory_space<vmem>>) offsets(%dma_start3A_497 : memref<784xi32, #tpu.memory_space<vmem>>) semaphore(%arg13 : memref<!tpu.dma_semaphore, #tpu.memory_space<semaphore_mem>>)
      } else {
      }
      %mul3A_244 = arith.constant 1024 : i32
      %mul3A_245 = arith.muli %scan3A_223, %mul3A_244 : i32
      %add3A_246 = arith.constant 0 : i32
      %add3A_247 = arith.addi %mul3A_245, %add3A_246 : i32
      %dma_start3A_248 = arith.constant 0 : i32
      %dma_start3A_249 = arith.constant 0 : i32
      %dma_start3A_250 = tpu.memref_slice %arg10[%rem3A_224, %dma_start3A_248, %dma_start3A_249] : memref<2x1024x16xf32, #tpu.memory_space<vmem>> -> memref<1x1024x16xf32, #tpu.memory_space<vmem>>
      %dma_start3A_251 = tpu.memref_squeeze %dma_start3A_250 : memref<1x1024x16xf32, #tpu.memory_space<vmem>> -> memref<1024x16xf32, #tpu.memory_space<vmem>>
      %dma_start3A_252 = arith.constant 0 : i32
      %dma_start3A_253 = arith.constant 0 : i32
      %dma_start3A_254 = tpu.memref_slice %dma_start3A_251[%dma_start3A_252, %dma_start3A_253] : memref<1024x16xf32, #tpu.memory_space<vmem>> -> memref<128x16xf32, #tpu.memory_space<vmem>>
      %dma_start3A_255 = tpu.memref_slice %arg9[%add3A_247] : memref<10000xi32, #tpu.memory_space<vmem>> -> memref<128xi32, #tpu.memory_space<vmem>>
      %dma_start3A_256 = arith.constant 0 : i32
      %dma_start3A_257 = arith.constant 0 : i32
      %dma_start3A_258 = tpu.memref_slice %arg11[%dma_start3A_256, %dma_start3A_257] : memref<10240x16xf32, #tpu.memory_space<vmem_shared>> -> memref<10240x16xf32, #tpu.memory_space<vmem_shared>>
      tpu.enqueue_indirect_dma source(%dma_start3A_254 : memref<128x16xf32, #tpu.memory_space<vmem>>) target(%dma_start3A_258 : memref<10240x16xf32, #tpu.memory_space<vmem_shared>>) offsets(%dma_start3A_255 : memref<128xi32, #tpu.memory_space<vmem>>) semaphore(%arg14 : memref<!tpu.dma_semaphore, #tpu.memory_space<semaphore_mem>>) {add = true}
      %mul3A_259 = arith.constant 1024 : i32
      %mul3A_260 = arith.muli %scan3A_223, %mul3A_259 : i32
      %add3A_261 = arith.constant 128 : i32
      %add3A_262 = arith.addi %mul3A_260, %add3A_261 : i32
      %dma_start3A_263 = arith.constant 0 : i32
      %dma_start3A_264 = arith.constant 0 : i32
      %dma_start3A_265 = tpu.memref_slice %arg10[%rem3A_224, %dma_start3A_263, %dma_start3A_264] : memref<2x1024x16xf32, #tpu.memory_space<vmem>> -> memref<1x1024x16xf32, #tpu.memory_space<vmem>>
      %dma_start3A_266 = tpu.memref_squeeze %dma_start3A_265 : memref<1x1024x16xf32, #tpu.memory_space<vmem>> -> memref<1024x16xf32, #tpu.memory_space<vmem>>
      %dma_start3A_267 = arith.constant 128 : i32
      %dma_start3A_268 = arith.constant 0 : i32
      %dma_start3A_269 = tpu.memref_slice %dma_start3A_266[%dma_start3A_267, %dma_start3A_268] : memref<1024x16xf32, #tpu.memory_space<vmem>> -> memref<128x16xf32, #tpu.memory_space<vmem>>
      %dma_start3A_270 = tpu.memref_slice %arg9[%add3A_262] : memref<10000xi32, #tpu.memory_space<vmem>> -> memref<128xi32, #tpu.memory_space<vmem>>
      %dma_start3A_271 = arith.constant 0 : i32
      %dma_start3A_272 = arith.constant 0 : i32
      %dma_start3A_273 = tpu.memref_slice %arg11[%dma_start3A_271, %dma_start3A_272] : memref<10240x16xf32, #tpu.memory_space<vmem_shared>> -> memref<10240x16xf32, #tpu.memory_space<vmem_shared>>
      tpu.enqueue_indirect_dma source(%dma_start3A_269 : memref<128x16xf32, #tpu.memory_space<vmem>>) target(%dma_start3A_273 : memref<10240x16xf32, #tpu.memory_space<vmem_shared>>) offsets(%dma_start3A_270 : memref<128xi32, #tpu.memory_space<vmem>>) semaphore(%arg14 : memref<!tpu.dma_semaphore, #tpu.memory_space<semaphore_mem>>) {add = true}
      %mul3A_274 = arith.constant 1024 : i32
      %mul3A_275 = arith.muli %scan3A_223, %mul3A_274 : i32
      %add3A_276 = arith.constant 256 : i32
      %add3A_277 = arith.addi %mul3A_275, %add3A_276 : i32
      %dma_start3A_278 = arith.constant 0 : i32
      %dma_start3A_279 = arith.constant 0 : i32
      %dma_start3A_280 = tpu.memref_slice %arg10[%rem3A_224, %dma_start3A_278, %dma_start3A_279] : memref<2x1024x16xf32, #tpu.memory_space<vmem>> -> memref<1x1024x16xf32, #tpu.memory_space<vmem>>
      %dma_start3A_281 = tpu.memref_squeeze %dma_start3A_280 : memref<1x1024x16xf32, #tpu.memory_space<vmem>> -> memref<1024x16xf32, #tpu.memory_space<vmem>>
      %dma_start3A_282 = arith.constant 256 : i32
      %dma_start3A_283 = arith.constant 0 : i32
      %dma_start3A_284 = tpu.memref_slice %dma_start3A_281[%dma_start3A_282, %dma_start3A_283] : memref<1024x16xf32, #tpu.memory_space<vmem>> -> memref<128x16xf32, #tpu.memory_space<vmem>>
      %dma_start3A_285 = tpu.memref_slice %arg9[%add3A_277] : memref<10000xi32, #tpu.memory_space<vmem>> -> memref<128xi32, #tpu.memory_space<vmem>>
      %dma_start3A_286 = arith.constant 0 : i32
      %dma_start3A_287 = arith.constant 0 : i32
      %dma_start3A_288 = tpu.memref_slice %arg11[%dma_start3A_286, %dma_start3A_287] : memref<10240x16xf32, #tpu.memory_space<vmem_shared>> -> memref<10240x16xf32, #tpu.memory_space<vmem_shared>>
      tpu.enqueue_indirect_dma source(%dma_start3A_284 : memref<128x16xf32, #tpu.memory_space<vmem>>) target(%dma_start3A_288 : memref<10240x16xf32, #tpu.memory_space<vmem_shared>>) offsets(%dma_start3A_285 : memref<128xi32, #tpu.memory_space<vmem>>) semaphore(%arg14 : memref<!tpu.dma_semaphore, #tpu.memory_space<semaphore_mem>>) {add = true}
      %mul3A_289 = arith.constant 1024 : i32
      %mul3A_290 = arith.muli %scan3A_223, %mul3A_289 : i32
      %add3A_291 = arith.constant 384 : i32
      %add3A_292 = arith.addi %mul3A_290, %add3A_291 : i32
      %dma_start3A_293 = arith.constant 0 : i32
      %dma_start3A_294 = arith.constant 0 : i32
      %dma_start3A_295 = tpu.memref_slice %arg10[%rem3A_224, %dma_start3A_293, %dma_start3A_294] : memref<2x1024x16xf32, #tpu.memory_space<vmem>> -> memref<1x1024x16xf32, #tpu.memory_space<vmem>>
      %dma_start3A_296 = tpu.memref_squeeze %dma_start3A_295 : memref<1x1024x16xf32, #tpu.memory_space<vmem>> -> memref<1024x16xf32, #tpu.memory_space<vmem>>
      %dma_start3A_297 = arith.constant 384 : i32
      %dma_start3A_298 = arith.constant 0 : i32
      %dma_start3A_299 = tpu.memref_slice %dma_start3A_296[%dma_start3A_297, %dma_start3A_298] : memref<1024x16xf32, #tpu.memory_space<vmem>> -> memref<128x16xf32, #tpu.memory_space<vmem>>
      %dma_start3A_300 = tpu.memref_slice %arg9[%add3A_292] : memref<10000xi32, #tpu.memory_space<vmem>> -> memref<128xi32, #tpu.memory_space<vmem>>
      %dma_start3A_301 = arith.constant 0 : i32
      %dma_start3A_302 = arith.constant 0 : i32
      %dma_start3A_303 = tpu.memref_slice %arg11[%dma_start3A_301, %dma_start3A_302] : memref<10240x16xf32, #tpu.memory_space<vmem_shared>> -> memref<10240x16xf32, #tpu.memory_space<vmem_shared>>
      tpu.enqueue_indirect_dma source(%dma_start3A_299 : memref<128x16xf32, #tpu.memory_space<vmem>>) target(%dma_start3A_303 : memref<10240x16xf32, #tpu.memory_space<vmem_shared>>) offsets(%dma_start3A_300 : memref<128xi32, #tpu.memory_space<vmem>>) semaphore(%arg14 : memref<!tpu.dma_semaphore, #tpu.memory_space<semaphore_mem>>) {add = true}
      %mul3A_304 = arith.constant 1024 : i32
      %mul3A_305 = arith.muli %scan3A_223, %mul3A_304 : i32
      %add3A_306 = arith.constant 512 : i32
      %add3A_307 = arith.addi %mul3A_305, %add3A_306 : i32
      %dma_start3A_308 = arith.constant 0 : i32
      %dma_start3A_309 = arith.constant 0 : i32
      %dma_start3A_310 = tpu.memref_slice %arg10[%rem3A_224, %dma_start3A_308, %dma_start3A_309] : memref<2x1024x16xf32, #tpu.memory_space<vmem>> -> memref<1x1024x16xf32, #tpu.memory_space<vmem>>
      %dma_start3A_311 = tpu.memref_squeeze %dma_start3A_310 : memref<1x1024x16xf32, #tpu.memory_space<vmem>> -> memref<1024x16xf32, #tpu.memory_space<vmem>>
      %dma_start3A_312 = arith.constant 512 : i32
      %dma_start3A_313 = arith.constant 0 : i32
      %dma_start3A_314 = tpu.memref_slice %dma_start3A_311[%dma_start3A_312, %dma_start3A_313] : memref<1024x16xf32, #tpu.memory_space<vmem>> -> memref<128x16xf32, #tpu.memory_space<vmem>>
      %dma_start3A_315 = tpu.memref_slice %arg9[%add3A_307] : memref<10000xi32, #tpu.memory_space<vmem>> -> memref<128xi32, #tpu.memory_space<vmem>>
      %dma_start3A_316 = arith.constant 0 : i32
      %dma_start3A_317 = arith.constant 0 : i32
      %dma_start3A_318 = tpu.memref_slice %arg11[%dma_start3A_316, %dma_start3A_317] : memref<10240x16xf32, #tpu.memory_space<vmem_shared>> -> memref<10240x16xf32, #tpu.memory_space<vmem_shared>>
      tpu.enqueue_indirect_dma source(%dma_start3A_314 : memref<128x16xf32, #tpu.memory_space<vmem>>) target(%dma_start3A_318 : memref<10240x16xf32, #tpu.memory_space<vmem_shared>>) offsets(%dma_start3A_315 : memref<128xi32, #tpu.memory_space<vmem>>) semaphore(%arg14 : memref<!tpu.dma_semaphore, #tpu.memory_space<semaphore_mem>>) {add = true}
      %mul3A_319 = arith.constant 1024 : i32
      %mul3A_320 = arith.muli %scan3A_223, %mul3A_319 : i32
      %add3A_321 = arith.constant 640 : i32
      %add3A_322 = arith.addi %mul3A_320, %add3A_321 : i32
      %dma_start3A_323 = arith.constant 0 : i32
      %dma_start3A_324 = arith.constant 0 : i32
      %dma_start3A_325 = tpu.memref_slice %arg10[%rem3A_224, %dma_start3A_323, %dma_start3A_324] : memref<2x1024x16xf32, #tpu.memory_space<vmem>> -> memref<1x1024x16xf32, #tpu.memory_space<vmem>>
      %dma_start3A_326 = tpu.memref_squeeze %dma_start3A_325 : memref<1x1024x16xf32, #tpu.memory_space<vmem>> -> memref<1024x16xf32, #tpu.memory_space<vmem>>
      %dma_start3A_327 = arith.constant 640 : i32
      %dma_start3A_328 = arith.constant 0 : i32
      %dma_start3A_329 = tpu.memref_slice %dma_start3A_326[%dma_start3A_327, %dma_start3A_328] : memref<1024x16xf32, #tpu.memory_space<vmem>> -> memref<128x16xf32, #tpu.memory_space<vmem>>
      %dma_start3A_330 = tpu.memref_slice %arg9[%add3A_322] : memref<10000xi32, #tpu.memory_space<vmem>> -> memref<128xi32, #tpu.memory_space<vmem>>
      %dma_start3A_331 = arith.constant 0 : i32
      %dma_start3A_332 = arith.constant 0 : i32
      %dma_start3A_333 = tpu.memref_slice %arg11[%dma_start3A_331, %dma_start3A_332] : memref<10240x16xf32, #tpu.memory_space<vmem_shared>> -> memref<10240x16xf32, #tpu.memory_space<vmem_shared>>
      tpu.enqueue_indirect_dma source(%dma_start3A_329 : memref<128x16xf32, #tpu.memory_space<vmem>>) target(%dma_start3A_333 : memref<10240x16xf32, #tpu.memory_space<vmem_shared>>) offsets(%dma_start3A_330 : memref<128xi32, #tpu.memory_space<vmem>>) semaphore(%arg14 : memref<!tpu.dma_semaphore, #tpu.memory_space<semaphore_mem>>) {add = true}
      %mul3A_334 = arith.constant 1024 : i32
      %mul3A_335 = arith.muli %scan3A_223, %mul3A_334 : i32
      %add3A_336 = arith.constant 768 : i32
      %add3A_337 = arith.addi %mul3A_335, %add3A_336 : i32
      %dma_start3A_338 = arith.constant 0 : i32
      %dma_start3A_339 = arith.constant 0 : i32
      %dma_start3A_340 = tpu.memref_slice %arg10[%rem3A_224, %dma_start3A_338, %dma_start3A_339] : memref<2x1024x16xf32, #tpu.memory_space<vmem>> -> memref<1x1024x16xf32, #tpu.memory_space<vmem>>
      %dma_start3A_341 = tpu.memref_squeeze %dma_start3A_340 : memref<1x1024x16xf32, #tpu.memory_space<vmem>> -> memref<1024x16xf32, #tpu.memory_space<vmem>>
      %dma_start3A_342 = arith.constant 768 : i32
      %dma_start3A_343 = arith.constant 0 : i32
      %dma_start3A_344 = tpu.memref_slice %dma_start3A_341[%dma_start3A_342, %dma_start3A_343] : memref<1024x16xf32, #tpu.memory_space<vmem>> -> memref<128x16xf32, #tpu.memory_space<vmem>>
      %dma_start3A_345 = tpu.memref_slice %arg9[%add3A_337] : memref<10000xi32, #tpu.memory_space<vmem>> -> memref<128xi32, #tpu.memory_space<vmem>>
      %dma_start3A_346 = arith.constant 0 : i32
      %dma_start3A_347 = arith.constant 0 : i32
      %dma_start3A_348 = tpu.memref_slice %arg11[%dma_start3A_346, %dma_start3A_347] : memref<10240x16xf32, #tpu.memory_space<vmem_shared>> -> memref<10240x16xf32, #tpu.memory_space<vmem_shared>>
      tpu.enqueue_indirect_dma source(%dma_start3A_344 : memref<128x16xf32, #tpu.memory_space<vmem>>) target(%dma_start3A_348 : memref<10240x16xf32, #tpu.memory_space<vmem_shared>>) offsets(%dma_start3A_345 : memref<128xi32, #tpu.memory_space<vmem>>) semaphore(%arg14 : memref<!tpu.dma_semaphore, #tpu.memory_space<semaphore_mem>>) {add = true}
      %mul3A_349 = arith.constant 1024 : i32
      %mul3A_350 = arith.muli %scan3A_223, %mul3A_349 : i32
      %add3A_351 = arith.constant 896 : i32
      %add3A_352 = arith.addi %mul3A_350, %add3A_351 : i32
      %dma_start3A_353 = arith.constant 0 : i32
      %dma_start3A_354 = arith.constant 0 : i32
      %dma_start3A_355 = tpu.memref_slice %arg10[%rem3A_224, %dma_start3A_353, %dma_start3A_354] : memref<2x1024x16xf32, #tpu.memory_space<vmem>> -> memref<1x1024x16xf32, #tpu.memory_space<vmem>>
      %dma_start3A_356 = tpu.memref_squeeze %dma_start3A_355 : memref<1x1024x16xf32, #tpu.memory_space<vmem>> -> memref<1024x16xf32, #tpu.memory_space<vmem>>
      %dma_start3A_357 = arith.constant 896 : i32
      %dma_start3A_358 = arith.constant 0 : i32
      %dma_start3A_359 = tpu.memref_slice %dma_start3A_356[%dma_start3A_357, %dma_start3A_358] : memref<1024x16xf32, #tpu.memory_space<vmem>> -> memref<128x16xf32, #tpu.memory_space<vmem>>
      %dma_start3A_360 = tpu.memref_slice %arg9[%add3A_352] : memref<10000xi32, #tpu.memory_space<vmem>> -> memref<128xi32, #tpu.memory_space<vmem>>
      %dma_start3A_361 = arith.constant 0 : i32
      %dma_start3A_362 = arith.constant 0 : i32
      %dma_start3A_363 = tpu.memref_slice %arg11[%dma_start3A_361, %dma_start3A_362] : memref<10240x16xf32, #tpu.memory_space<vmem_shared>> -> memref<10240x16xf32, #tpu.memory_space<vmem_shared>>
      tpu.enqueue_indirect_dma source(%dma_start3A_359 : memref<128x16xf32, #tpu.memory_space<vmem>>) target(%dma_start3A_363 : memref<10240x16xf32, #tpu.memory_space<vmem_shared>>) offsets(%dma_start3A_360 : memref<128xi32, #tpu.memory_space<vmem>>) semaphore(%arg14 : memref<!tpu.dma_semaphore, #tpu.memory_space<semaphore_mem>>) {add = true}
      %mul3A_364 = arith.constant 1024 : i32
      %mul3A_365 = arith.muli %scan3A_223, %mul3A_364 : i32
      %mul3A_366 = arith.constant 1024 : i32
      %mul3A_367 = arith.muli %scan3A_223, %mul3A_366 : i32
      %add3A_368 = arith.constant 0 : i32
      %add3A_369 = arith.addi %mul3A_367, %add3A_368 : i32
      %dma_wait3A_370 = arith.constant 0 : i32
      %dma_wait3A_371 = arith.constant 0 : i32
      %dma_wait3A_372 = tpu.memref_slice %arg10[%rem3A_224, %dma_wait3A_370, %dma_wait3A_371] : memref<2x1024x16xf32, #tpu.memory_space<vmem>> -> memref<1x1024x16xf32, #tpu.memory_space<vmem>>
      %dma_wait3A_373 = tpu.memref_squeeze %dma_wait3A_372 : memref<1x1024x16xf32, #tpu.memory_space<vmem>> -> memref<1024x16xf32, #tpu.memory_space<vmem>>
      %dma_wait3A_374 = arith.constant 0 : i32
      %dma_wait3A_375 = arith.constant 0 : i32
      %dma_wait3A_376 = tpu.memref_slice %dma_wait3A_373[%dma_wait3A_374, %dma_wait3A_375] : memref<1024x16xf32, #tpu.memory_space<vmem>> -> memref<128x16xf32, #tpu.memory_space<vmem>>
      %dma_wait3A_377 = tpu.memref_slice %arg9[%add3A_369] : memref<10000xi32, #tpu.memory_space<vmem>> -> memref<128xi32, #tpu.memory_space<vmem>>
      %dma_wait3A_378 = arith.constant 0 : i32
      %dma_wait3A_379 = arith.constant 0 : i32
      %dma_wait3A_380 = tpu.memref_slice %arg11[%dma_wait3A_378, %dma_wait3A_379] : memref<10240x16xf32, #tpu.memory_space<vmem_shared>> -> memref<10240x16xf32, #tpu.memory_space<vmem_shared>>
      tpu.wait_indirect_dma semaphore(%arg14 : memref<!tpu.dma_semaphore, #tpu.memory_space<semaphore_mem>>) src(%dma_wait3A_376 : memref<128x16xf32, #tpu.memory_space<vmem>>) dst(%dma_wait3A_380 : memref<10240x16xf32, #tpu.memory_space<vmem_shared>>)
      %mul3A_381 = arith.constant 1024 : i32
      %mul3A_382 = arith.muli %scan3A_223, %mul3A_381 : i32
      %add3A_383 = arith.constant 128 : i32
      %add3A_384 = arith.addi %mul3A_382, %add3A_383 : i32
      %dma_wait3A_385 = arith.constant 0 : i32
      %dma_wait3A_386 = arith.constant 0 : i32
      %dma_wait3A_387 = tpu.memref_slice %arg10[%rem3A_224, %dma_wait3A_385, %dma_wait3A_386] : memref<2x1024x16xf32, #tpu.memory_space<vmem>> -> memref<1x1024x16xf32, #tpu.memory_space<vmem>>
      %dma_wait3A_388 = tpu.memref_squeeze %dma_wait3A_387 : memref<1x1024x16xf32, #tpu.memory_space<vmem>> -> memref<1024x16xf32, #tpu.memory_space<vmem>>
      %dma_wait3A_389 = arith.constant 128 : i32
      %dma_wait3A_390 = arith.constant 0 : i32
      %dma_wait3A_391 = tpu.memref_slice %dma_wait3A_388[%dma_wait3A_389, %dma_wait3A_390] : memref<1024x16xf32, #tpu.memory_space<vmem>> -> memref<128x16xf32, #tpu.memory_space<vmem>>
      %dma_wait3A_392 = tpu.memref_slice %arg9[%add3A_384] : memref<10000xi32, #tpu.memory_space<vmem>> -> memref<128xi32, #tpu.memory_space<vmem>>
      %dma_wait3A_393 = arith.constant 0 : i32
      %dma_wait3A_394 = arith.constant 0 : i32
      %dma_wait3A_395 = tpu.memref_slice %arg11[%dma_wait3A_393, %dma_wait3A_394] : memref<10240x16xf32, #tpu.memory_space<vmem_shared>> -> memref<10240x16xf32, #tpu.memory_space<vmem_shared>>
      tpu.wait_indirect_dma semaphore(%arg14 : memref<!tpu.dma_semaphore, #tpu.memory_space<semaphore_mem>>) src(%dma_wait3A_391 : memref<128x16xf32, #tpu.memory_space<vmem>>) dst(%dma_wait3A_395 : memref<10240x16xf32, #tpu.memory_space<vmem_shared>>)
      %mul3A_396 = arith.constant 1024 : i32
      %mul3A_397 = arith.muli %scan3A_223, %mul3A_396 : i32
      %add3A_398 = arith.constant 256 : i32
      %add3A_399 = arith.addi %mul3A_397, %add3A_398 : i32
      %dma_wait3A_400 = arith.constant 0 : i32
      %dma_wait3A_401 = arith.constant 0 : i32
      %dma_wait3A_402 = tpu.memref_slice %arg10[%rem3A_224, %dma_wait3A_400, %dma_wait3A_401] : memref<2x1024x16xf32, #tpu.memory_space<vmem>> -> memref<1x1024x16xf32, #tpu.memory_space<vmem>>
      %dma_wait3A_403 = tpu.memref_squeeze %dma_wait3A_402 : memref<1x1024x16xf32, #tpu.memory_space<vmem>> -> memref<1024x16xf32, #tpu.memory_space<vmem>>
      %dma_wait3A_404 = arith.constant 256 : i32
      %dma_wait3A_405 = arith.constant 0 : i32
      %dma_wait3A_406 = tpu.memref_slice %dma_wait3A_403[%dma_wait3A_404, %dma_wait3A_405] : memref<1024x16xf32, #tpu.memory_space<vmem>> -> memref<128x16xf32, #tpu.memory_space<vmem>>
      %dma_wait3A_407 = tpu.memref_slice %arg9[%add3A_399] : memref<10000xi32, #tpu.memory_space<vmem>> -> memref<128xi32, #tpu.memory_space<vmem>>
      %dma_wait3A_408 = arith.constant 0 : i32
      %dma_wait3A_409 = arith.constant 0 : i32
      %dma_wait3A_410 = tpu.memref_slice %arg11[%dma_wait3A_408, %dma_wait3A_409] : memref<10240x16xf32, #tpu.memory_space<vmem_shared>> -> memref<10240x16xf32, #tpu.memory_space<vmem_shared>>
      tpu.wait_indirect_dma semaphore(%arg14 : memref<!tpu.dma_semaphore, #tpu.memory_space<semaphore_mem>>) src(%dma_wait3A_406 : memref<128x16xf32, #tpu.memory_space<vmem>>) dst(%dma_wait3A_410 : memref<10240x16xf32, #tpu.memory_space<vmem_shared>>)
      %mul3A_411 = arith.constant 1024 : i32
      %mul3A_412 = arith.muli %scan3A_223, %mul3A_411 : i32
      %add3A_413 = arith.constant 384 : i32
      %add3A_414 = arith.addi %mul3A_412, %add3A_413 : i32
      %dma_wait3A_415 = arith.constant 0 : i32
      %dma_wait3A_416 = arith.constant 0 : i32
      %dma_wait3A_417 = tpu.memref_slice %arg10[%rem3A_224, %dma_wait3A_415, %dma_wait3A_416] : memref<2x1024x16xf32, #tpu.memory_space<vmem>> -> memref<1x1024x16xf32, #tpu.memory_space<vmem>>
      %dma_wait3A_418 = tpu.memref_squeeze %dma_wait3A_417 : memref<1x1024x16xf32, #tpu.memory_space<vmem>> -> memref<1024x16xf32, #tpu.memory_space<vmem>>
      %dma_wait3A_419 = arith.constant 384 : i32
      %dma_wait3A_420 = arith.constant 0 : i32
      %dma_wait3A_421 = tpu.memref_slice %dma_wait3A_418[%dma_wait3A_419, %dma_wait3A_420] : memref<1024x16xf32, #tpu.memory_space<vmem>> -> memref<128x16xf32, #tpu.memory_space<vmem>>
      %dma_wait3A_422 = tpu.memref_slice %arg9[%add3A_414] : memref<10000xi32, #tpu.memory_space<vmem>> -> memref<128xi32, #tpu.memory_space<vmem>>
      %dma_wait3A_423 = arith.constant 0 : i32
      %dma_wait3A_424 = arith.constant 0 : i32
      %dma_wait3A_425 = tpu.memref_slice %arg11[%dma_wait3A_423, %dma_wait3A_424] : memref<10240x16xf32, #tpu.memory_space<vmem_shared>> -> memref<10240x16xf32, #tpu.memory_space<vmem_shared>>
      tpu.wait_indirect_dma semaphore(%arg14 : memref<!tpu.dma_semaphore, #tpu.memory_space<semaphore_mem>>) src(%dma_wait3A_421 : memref<128x16xf32, #tpu.memory_space<vmem>>) dst(%dma_wait3A_425 : memref<10240x16xf32, #tpu.memory_space<vmem_shared>>)
      %mul3A_426 = arith.constant 1024 : i32
      %mul3A_427 = arith.muli %scan3A_223, %mul3A_426 : i32
      %add3A_428 = arith.constant 512 : i32
      %add3A_429 = arith.addi %mul3A_427, %add3A_428 : i32
      %dma_wait3A_430 = arith.constant 0 : i32
      %dma_wait3A_431 = arith.constant 0 : i32
      %dma_wait3A_432 = tpu.memref_slice %arg10[%rem3A_224, %dma_wait3A_430, %dma_wait3A_431] : memref<2x1024x16xf32, #tpu.memory_space<vmem>> -> memref<1x1024x16xf32, #tpu.memory_space<vmem>>
      %dma_wait3A_433 = tpu.memref_squeeze %dma_wait3A_432 : memref<1x1024x16xf32, #tpu.memory_space<vmem>> -> memref<1024x16xf32, #tpu.memory_space<vmem>>
      %dma_wait3A_434 = arith.constant 512 : i32
      %dma_wait3A_435 = arith.constant 0 : i32
      %dma_wait3A_436 = tpu.memref_slice %dma_wait3A_433[%dma_wait3A_434, %dma_wait3A_435] : memref<1024x16xf32, #tpu.memory_space<vmem>> -> memref<128x16xf32, #tpu.memory_space<vmem>>
      %dma_wait3A_437 = tpu.memref_slice %arg9[%add3A_429] : memref<10000xi32, #tpu.memory_space<vmem>> -> memref<128xi32, #tpu.memory_space<vmem>>
      %dma_wait3A_438 = arith.constant 0 : i32
      %dma_wait3A_439 = arith.constant 0 : i32
      %dma_wait3A_440 = tpu.memref_slice %arg11[%dma_wait3A_438, %dma_wait3A_439] : memref<10240x16xf32, #tpu.memory_space<vmem_shared>> -> memref<10240x16xf32, #tpu.memory_space<vmem_shared>>
      tpu.wait_indirect_dma semaphore(%arg14 : memref<!tpu.dma_semaphore, #tpu.memory_space<semaphore_mem>>) src(%dma_wait3A_436 : memref<128x16xf32, #tpu.memory_space<vmem>>) dst(%dma_wait3A_440 : memref<10240x16xf32, #tpu.memory_space<vmem_shared>>)
      %mul3A_441 = arith.constant 1024 : i32
      %mul3A_442 = arith.muli %scan3A_223, %mul3A_441 : i32
      %add3A_443 = arith.constant 640 : i32
      %add3A_444 = arith.addi %mul3A_442, %add3A_443 : i32
      %dma_wait3A_445 = arith.constant 0 : i32
      %dma_wait3A_446 = arith.constant 0 : i32
      %dma_wait3A_447 = tpu.memref_slice %arg10[%rem3A_224, %dma_wait3A_445, %dma_wait3A_446] : memref<2x1024x16xf32, #tpu.memory_space<vmem>> -> memref<1x1024x16xf32, #tpu.memory_space<vmem>>
      %dma_wait3A_448 = tpu.memref_squeeze %dma_wait3A_447 : memref<1x1024x16xf32, #tpu.memory_space<vmem>> -> memref<1024x16xf32, #tpu.memory_space<vmem>>
      %dma_wait3A_449 = arith.constant 640 : i32
      %dma_wait3A_450 = arith.constant 0 : i32
      %dma_wait3A_451 = tpu.memref_slice %dma_wait3A_448[%dma_wait3A_449, %dma_wait3A_450] : memref<1024x16xf32, #tpu.memory_space<vmem>> -> memref<128x16xf32, #tpu.memory_space<vmem>>
      %dma_wait3A_452 = tpu.memref_slice %arg9[%add3A_444] : memref<10000xi32, #tpu.memory_space<vmem>> -> memref<128xi32, #tpu.memory_space<vmem>>
      %dma_wait3A_453 = arith.constant 0 : i32
      %dma_wait3A_454 = arith.constant 0 : i32
      %dma_wait3A_455 = tpu.memref_slice %arg11[%dma_wait3A_453, %dma_wait3A_454] : memref<10240x16xf32, #tpu.memory_space<vmem_shared>> -> memref<10240x16xf32, #tpu.memory_space<vmem_shared>>
      tpu.wait_indirect_dma semaphore(%arg14 : memref<!tpu.dma_semaphore, #tpu.memory_space<semaphore_mem>>) src(%dma_wait3A_451 : memref<128x16xf32, #tpu.memory_space<vmem>>) dst(%dma_wait3A_455 : memref<10240x16xf32, #tpu.memory_space<vmem_shared>>)
      %mul3A_456 = arith.constant 1024 : i32
      %mul3A_457 = arith.muli %scan3A_223, %mul3A_456 : i32
      %add3A_458 = arith.constant 768 : i32
      %add3A_459 = arith.addi %mul3A_457, %add3A_458 : i32
      %dma_wait3A_460 = arith.constant 0 : i32
      %dma_wait3A_461 = arith.constant 0 : i32
      %dma_wait3A_462 = tpu.memref_slice %arg10[%rem3A_224, %dma_wait3A_460, %dma_wait3A_461] : memref<2x1024x16xf32, #tpu.memory_space<vmem>> -> memref<1x1024x16xf32, #tpu.memory_space<vmem>>
      %dma_wait3A_463 = tpu.memref_squeeze %dma_wait3A_462 : memref<1x1024x16xf32, #tpu.memory_space<vmem>> -> memref<1024x16xf32, #tpu.memory_space<vmem>>
      %dma_wait3A_464 = arith.constant 768 : i32
      %dma_wait3A_465 = arith.constant 0 : i32
      %dma_wait3A_466 = tpu.memref_slice %dma_wait3A_463[%dma_wait3A_464, %dma_wait3A_465] : memref<1024x16xf32, #tpu.memory_space<vmem>> -> memref<128x16xf32, #tpu.memory_space<vmem>>
      %dma_wait3A_467 = tpu.memref_slice %arg9[%add3A_459] : memref<10000xi32, #tpu.memory_space<vmem>> -> memref<128xi32, #tpu.memory_space<vmem>>
      %dma_wait3A_468 = arith.constant 0 : i32
      %dma_wait3A_469 = arith.constant 0 : i32
      %dma_wait3A_470 = tpu.memref_slice %arg11[%dma_wait3A_468, %dma_wait3A_469] : memref<10240x16xf32, #tpu.memory_space<vmem_shared>> -> memref<10240x16xf32, #tpu.memory_space<vmem_shared>>
      tpu.wait_indirect_dma semaphore(%arg14 : memref<!tpu.dma_semaphore, #tpu.memory_space<semaphore_mem>>) src(%dma_wait3A_466 : memref<128x16xf32, #tpu.memory_space<vmem>>) dst(%dma_wait3A_470 : memref<10240x16xf32, #tpu.memory_space<vmem_shared>>)
      %mul3A_471 = arith.constant 1024 : i32
      %mul3A_472 = arith.muli %scan3A_223, %mul3A_471 : i32
      %add3A_473 = arith.constant 896 : i32
      %add3A_474 = arith.addi %mul3A_472, %add3A_473 : i32
      %dma_wait3A_475 = arith.constant 0 : i32
      %dma_wait3A_476 = arith.constant 0 : i32
      %dma_wait3A_477 = tpu.memref_slice %arg10[%rem3A_224, %dma_wait3A_475, %dma_wait3A_476] : memref<2x1024x16xf32, #tpu.memory_space<vmem>> -> memref<1x1024x16xf32, #tpu.memory_space<vmem>>
      %dma_wait3A_478 = tpu.memref_squeeze %dma_wait3A_477 : memref<1x1024x16xf32, #tpu.memory_space<vmem>> -> memref<1024x16xf32, #tpu.memory_space<vmem>>
      %dma_wait3A_479 = arith.constant 896 : i32
      %dma_wait3A_480 = arith.constant 0 : i32
      %dma_wait3A_481 = tpu.memref_slice %dma_wait3A_478[%dma_wait3A_479, %dma_wait3A_480] : memref<1024x16xf32, #tpu.memory_space<vmem>> -> memref<128x16xf32, #tpu.memory_space<vmem>>
      %dma_wait3A_482 = tpu.memref_slice %arg9[%add3A_474] : memref<10000xi32, #tpu.memory_space<vmem>> -> memref<128xi32, #tpu.memory_space<vmem>>
      %dma_wait3A_483 = arith.constant 0 : i32
      %dma_wait3A_484 = arith.constant 0 : i32
      %dma_wait3A_485 = tpu.memref_slice %arg11[%dma_wait3A_483, %dma_wait3A_484] : memref<10240x16xf32, #tpu.memory_space<vmem_shared>> -> memref<10240x16xf32, #tpu.memory_space<vmem_shared>>
      tpu.wait_indirect_dma semaphore(%arg14 : memref<!tpu.dma_semaphore, #tpu.memory_space<semaphore_mem>>) src(%dma_wait3A_481 : memref<128x16xf32, #tpu.memory_space<vmem>>) dst(%dma_wait3A_485 : memref<10240x16xf32, #tpu.memory_space<vmem_shared>>)
      %mul3A_486 = arith.constant 1024 : i32
      %mul3A_487 = arith.muli %scan3A_223, %mul3A_486 : i32
    }
    %scan3A_23 = arith.constant 9 : i32
    %dma_wait3A = arith.constant 1 : i32
    %dma_wait3A_24 = arith.constant 0 : i32
    %dma_wait3A_25 = arith.constant 0 : i32
    %dma_wait3A_26 = tpu.memref_slice %arg10[%dma_wait3A, %dma_wait3A_24, %dma_wait3A_25] : memref<2x1024x16xf32, #tpu.memory_space<vmem>> -> memref<1x1024x16xf32, #tpu.memory_space<vmem>>
    %dma_wait3A_27 = tpu.memref_squeeze %dma_wait3A_26 : memref<1x1024x16xf32, #tpu.memory_space<vmem>> -> memref<1024x16xf32, #tpu.memory_space<vmem>>
    %dma_wait3A_28 = arith.constant 0 : i32
    %dma_wait3A_29 = arith.constant 0 : i32
    %dma_wait3A_30 = tpu.memref_slice %dma_wait3A_27[%dma_wait3A_28, %dma_wait3A_29] : memref<1024x16xf32, #tpu.memory_space<vmem>> -> memref<784x16xf32, #tpu.memory_space<vmem>>
    %dma_wait3A_31 = arith.constant 0 : i32
    %dma_wait3A_32 = tpu.memref_slice %arg8[%dma_wait3A_31] : memref<10000xi32, #tpu.memory_space<vmem>> -> memref<784xi32, #tpu.memory_space<vmem>>
    %dma_wait3A_33 = arith.constant 0 : i32
    %dma_wait3A_34 = arith.constant 0 : i32
    %dma_wait3A_35 = tpu.memref_slice %arg12[%dma_wait3A_33, %dma_wait3A_34] : memref<10240x16xf32, #tpu.memory_space<vmem_shared>> -> memref<10240x16xf32, #tpu.memory_space<vmem_shared>>
    tpu.wait_indirect_dma semaphore(%arg13 : memref<!tpu.dma_semaphore, #tpu.memory_space<semaphore_mem>>) src(%dma_wait3A_35 : memref<10240x16xf32, #tpu.memory_space<vmem_shared>>) dst(%dma_wait3A_30 : memref<784x16xf32, #tpu.memory_space<vmem>>)
    %dma_start3A_36 = arith.constant 1 : i32
    %dma_start3A_37 = arith.constant 0 : i32
    %dma_start3A_38 = arith.constant 0 : i32
    %dma_start3A_39 = tpu.memref_slice %arg10[%dma_start3A_36, %dma_start3A_37, %dma_start3A_38] : memref<2x1024x16xf32, #tpu.memory_space<vmem>> -> memref<1x1024x16xf32, #tpu.memory_space<vmem>>
    %dma_start3A_40 = tpu.memref_squeeze %dma_start3A_39 : memref<1x1024x16xf32, #tpu.memory_space<vmem>> -> memref<1024x16xf32, #tpu.memory_space<vmem>>
    %dma_start3A_41 = arith.constant 0 : i32
    %dma_start3A_42 = arith.constant 0 : i32
    %dma_start3A_43 = tpu.memref_slice %dma_start3A_40[%dma_start3A_41, %dma_start3A_42] : memref<1024x16xf32, #tpu.memory_space<vmem>> -> memref<128x16xf32, #tpu.memory_space<vmem>>
    %dma_start3A_44 = arith.constant 9216 : i32
    %dma_start3A_45 = tpu.memref_slice %arg9[%dma_start3A_44] : memref<10000xi32, #tpu.memory_space<vmem>> -> memref<128xi32, #tpu.memory_space<vmem>>
    %dma_start3A_46 = arith.constant 0 : i32
    %dma_start3A_47 = arith.constant 0 : i32
    %dma_start3A_48 = tpu.memref_slice %arg11[%dma_start3A_46, %dma_start3A_47] : memref<10240x16xf32, #tpu.memory_space<vmem_shared>> -> memref<10240x16xf32, #tpu.memory_space<vmem_shared>>
    tpu.enqueue_indirect_dma source(%dma_start3A_43 : memref<128x16xf32, #tpu.memory_space<vmem>>) target(%dma_start3A_48 : memref<10240x16xf32, #tpu.memory_space<vmem_shared>>) offsets(%dma_start3A_45 : memref<128xi32, #tpu.memory_space<vmem>>) semaphore(%arg14 : memref<!tpu.dma_semaphore, #tpu.memory_space<semaphore_mem>>) {add = true}
    %dma_start3A_49 = arith.constant 1 : i32
    %dma_start3A_50 = arith.constant 0 : i32
    %dma_start3A_51 = arith.constant 0 : i32
    %dma_start3A_52 = tpu.memref_slice %arg10[%dma_start3A_49, %dma_start3A_50, %dma_start3A_51] : memref<2x1024x16xf32, #tpu.memory_space<vmem>> -> memref<1x1024x16xf32, #tpu.memory_space<vmem>>
    %dma_start3A_53 = tpu.memref_squeeze %dma_start3A_52 : memref<1x1024x16xf32, #tpu.memory_space<vmem>> -> memref<1024x16xf32, #tpu.memory_space<vmem>>
    %dma_start3A_54 = arith.constant 128 : i32
    %dma_start3A_55 = arith.constant 0 : i32
    %dma_start3A_56 = tpu.memref_slice %dma_start3A_53[%dma_start3A_54, %dma_start3A_55] : memref<1024x16xf32, #tpu.memory_space<vmem>> -> memref<128x16xf32, #tpu.memory_space<vmem>>
    %dma_start3A_57 = arith.constant 9344 : i32
    %dma_start3A_58 = tpu.memref_slice %arg9[%dma_start3A_57] : memref<10000xi32, #tpu.memory_space<vmem>> -> memref<128xi32, #tpu.memory_space<vmem>>
    %dma_start3A_59 = arith.constant 0 : i32
    %dma_start3A_60 = arith.constant 0 : i32
    %dma_start3A_61 = tpu.memref_slice %arg11[%dma_start3A_59, %dma_start3A_60] : memref<10240x16xf32, #tpu.memory_space<vmem_shared>> -> memref<10240x16xf32, #tpu.memory_space<vmem_shared>>
    tpu.enqueue_indirect_dma source(%dma_start3A_56 : memref<128x16xf32, #tpu.memory_space<vmem>>) target(%dma_start3A_61 : memref<10240x16xf32, #tpu.memory_space<vmem_shared>>) offsets(%dma_start3A_58 : memref<128xi32, #tpu.memory_space<vmem>>) semaphore(%arg14 : memref<!tpu.dma_semaphore, #tpu.memory_space<semaphore_mem>>) {add = true}
    %dma_start3A_62 = arith.constant 1 : i32
    %dma_start3A_63 = arith.constant 0 : i32
    %dma_start3A_64 = arith.constant 0 : i32
    %dma_start3A_65 = tpu.memref_slice %arg10[%dma_start3A_62, %dma_start3A_63, %dma_start3A_64] : memref<2x1024x16xf32, #tpu.memory_space<vmem>> -> memref<1x1024x16xf32, #tpu.memory_space<vmem>>
    %dma_start3A_66 = tpu.memref_squeeze %dma_start3A_65 : memref<1x1024x16xf32, #tpu.memory_space<vmem>> -> memref<1024x16xf32, #tpu.memory_space<vmem>>
    %dma_start3A_67 = arith.constant 256 : i32
    %dma_start3A_68 = arith.constant 0 : i32
    %dma_start3A_69 = tpu.memref_slice %dma_start3A_66[%dma_start3A_67, %dma_start3A_68] : memref<1024x16xf32, #tpu.memory_space<vmem>> -> memref<128x16xf32, #tpu.memory_space<vmem>>
    %dma_start3A_70 = arith.constant 9472 : i32
    %dma_start3A_71 = tpu.memref_slice %arg9[%dma_start3A_70] : memref<10000xi32, #tpu.memory_space<vmem>> -> memref<128xi32, #tpu.memory_space<vmem>>
    %dma_start3A_72 = arith.constant 0 : i32
    %dma_start3A_73 = arith.constant 0 : i32
    %dma_start3A_74 = tpu.memref_slice %arg11[%dma_start3A_72, %dma_start3A_73] : memref<10240x16xf32, #tpu.memory_space<vmem_shared>> -> memref<10240x16xf32, #tpu.memory_space<vmem_shared>>
    tpu.enqueue_indirect_dma source(%dma_start3A_69 : memref<128x16xf32, #tpu.memory_space<vmem>>) target(%dma_start3A_74 : memref<10240x16xf32, #tpu.memory_space<vmem_shared>>) offsets(%dma_start3A_71 : memref<128xi32, #tpu.memory_space<vmem>>) semaphore(%arg14 : memref<!tpu.dma_semaphore, #tpu.memory_space<semaphore_mem>>) {add = true}
    %dma_start3A_75 = arith.constant 1 : i32
    %dma_start3A_76 = arith.constant 0 : i32
    %dma_start3A_77 = arith.constant 0 : i32
    %dma_start3A_78 = tpu.memref_slice %arg10[%dma_start3A_75, %dma_start3A_76, %dma_start3A_77] : memref<2x1024x16xf32, #tpu.memory_space<vmem>> -> memref<1x1024x16xf32, #tpu.memory_space<vmem>>
    %dma_start3A_79 = tpu.memref_squeeze %dma_start3A_78 : memref<1x1024x16xf32, #tpu.memory_space<vmem>> -> memref<1024x16xf32, #tpu.memory_space<vmem>>
    %dma_start3A_80 = arith.constant 384 : i32
    %dma_start3A_81 = arith.constant 0 : i32
    %dma_start3A_82 = tpu.memref_slice %dma_start3A_79[%dma_start3A_80, %dma_start3A_81] : memref<1024x16xf32, #tpu.memory_space<vmem>> -> memref<128x16xf32, #tpu.memory_space<vmem>>
    %dma_start3A_83 = arith.constant 9600 : i32
    %dma_start3A_84 = tpu.memref_slice %arg9[%dma_start3A_83] : memref<10000xi32, #tpu.memory_space<vmem>> -> memref<128xi32, #tpu.memory_space<vmem>>
    %dma_start3A_85 = arith.constant 0 : i32
    %dma_start3A_86 = arith.constant 0 : i32
    %dma_start3A_87 = tpu.memref_slice %arg11[%dma_start3A_85, %dma_start3A_86] : memref<10240x16xf32, #tpu.memory_space<vmem_shared>> -> memref<10240x16xf32, #tpu.memory_space<vmem_shared>>
    tpu.enqueue_indirect_dma source(%dma_start3A_82 : memref<128x16xf32, #tpu.memory_space<vmem>>) target(%dma_start3A_87 : memref<10240x16xf32, #tpu.memory_space<vmem_shared>>) offsets(%dma_start3A_84 : memref<128xi32, #tpu.memory_space<vmem>>) semaphore(%arg14 : memref<!tpu.dma_semaphore, #tpu.memory_space<semaphore_mem>>) {add = true}
    %dma_start3A_88 = arith.constant 1 : i32
    %dma_start3A_89 = arith.constant 0 : i32
    %dma_start3A_90 = arith.constant 0 : i32
    %dma_start3A_91 = tpu.memref_slice %arg10[%dma_start3A_88, %dma_start3A_89, %dma_start3A_90] : memref<2x1024x16xf32, #tpu.memory_space<vmem>> -> memref<1x1024x16xf32, #tpu.memory_space<vmem>>
    %dma_start3A_92 = tpu.memref_squeeze %dma_start3A_91 : memref<1x1024x16xf32, #tpu.memory_space<vmem>> -> memref<1024x16xf32, #tpu.memory_space<vmem>>
    %dma_start3A_93 = arith.constant 512 : i32
    %dma_start3A_94 = arith.constant 0 : i32
    %dma_start3A_95 = tpu.memref_slice %dma_start3A_92[%dma_start3A_93, %dma_start3A_94] : memref<1024x16xf32, #tpu.memory_space<vmem>> -> memref<128x16xf32, #tpu.memory_space<vmem>>
    %dma_start3A_96 = arith.constant 9728 : i32
    %dma_start3A_97 = tpu.memref_slice %arg9[%dma_start3A_96] : memref<10000xi32, #tpu.memory_space<vmem>> -> memref<128xi32, #tpu.memory_space<vmem>>
    %dma_start3A_98 = arith.constant 0 : i32
    %dma_start3A_99 = arith.constant 0 : i32
    %dma_start3A_100 = tpu.memref_slice %arg11[%dma_start3A_98, %dma_start3A_99] : memref<10240x16xf32, #tpu.memory_space<vmem_shared>> -> memref<10240x16xf32, #tpu.memory_space<vmem_shared>>
    tpu.enqueue_indirect_dma source(%dma_start3A_95 : memref<128x16xf32, #tpu.memory_space<vmem>>) target(%dma_start3A_100 : memref<10240x16xf32, #tpu.memory_space<vmem_shared>>) offsets(%dma_start3A_97 : memref<128xi32, #tpu.memory_space<vmem>>) semaphore(%arg14 : memref<!tpu.dma_semaphore, #tpu.memory_space<semaphore_mem>>) {add = true}
    %dma_start3A_101 = arith.constant 1 : i32
    %dma_start3A_102 = arith.constant 0 : i32
    %dma_start3A_103 = arith.constant 0 : i32
    %dma_start3A_104 = tpu.memref_slice %arg10[%dma_start3A_101, %dma_start3A_102, %dma_start3A_103] : memref<2x1024x16xf32, #tpu.memory_space<vmem>> -> memref<1x1024x16xf32, #tpu.memory_space<vmem>>
    %dma_start3A_105 = tpu.memref_squeeze %dma_start3A_104 : memref<1x1024x16xf32, #tpu.memory_space<vmem>> -> memref<1024x16xf32, #tpu.memory_space<vmem>>
    %dma_start3A_106 = arith.constant 640 : i32
    %dma_start3A_107 = arith.constant 0 : i32
    %dma_start3A_108 = tpu.memref_slice %dma_start3A_105[%dma_start3A_106, %dma_start3A_107] : memref<1024x16xf32, #tpu.memory_space<vmem>> -> memref<128x16xf32, #tpu.memory_space<vmem>>
    %dma_start3A_109 = arith.constant 9856 : i32
    %dma_start3A_110 = tpu.memref_slice %arg9[%dma_start3A_109] : memref<10000xi32, #tpu.memory_space<vmem>> -> memref<128xi32, #tpu.memory_space<vmem>>
    %dma_start3A_111 = arith.constant 0 : i32
    %dma_start3A_112 = arith.constant 0 : i32
    %dma_start3A_113 = tpu.memref_slice %arg11[%dma_start3A_111, %dma_start3A_112] : memref<10240x16xf32, #tpu.memory_space<vmem_shared>> -> memref<10240x16xf32, #tpu.memory_space<vmem_shared>>
    tpu.enqueue_indirect_dma source(%dma_start3A_108 : memref<128x16xf32, #tpu.memory_space<vmem>>) target(%dma_start3A_113 : memref<10240x16xf32, #tpu.memory_space<vmem_shared>>) offsets(%dma_start3A_110 : memref<128xi32, #tpu.memory_space<vmem>>) semaphore(%arg14 : memref<!tpu.dma_semaphore, #tpu.memory_space<semaphore_mem>>) {add = true}
    %dma_start3A_114 = arith.constant 1 : i32
    %dma_start3A_115 = arith.constant 0 : i32
    %dma_start3A_116 = arith.constant 0 : i32
    %dma_start3A_117 = tpu.memref_slice %arg10[%dma_start3A_114, %dma_start3A_115, %dma_start3A_116] : memref<2x1024x16xf32, #tpu.memory_space<vmem>> -> memref<1x1024x16xf32, #tpu.memory_space<vmem>>
    %dma_start3A_118 = tpu.memref_squeeze %dma_start3A_117 : memref<1x1024x16xf32, #tpu.memory_space<vmem>> -> memref<1024x16xf32, #tpu.memory_space<vmem>>
    %dma_start3A_119 = arith.constant 768 : i32
    %dma_start3A_120 = arith.constant 0 : i32
    %dma_start3A_121 = tpu.memref_slice %dma_start3A_118[%dma_start3A_119, %dma_start3A_120] : memref<1024x16xf32, #tpu.memory_space<vmem>> -> memref<16x16xf32, #tpu.memory_space<vmem>>
    %dma_start3A_122 = arith.constant 9984 : i32
    %dma_start3A_123 = tpu.memref_slice %arg9[%dma_start3A_122] : memref<10000xi32, #tpu.memory_space<vmem>> -> memref<16xi32, #tpu.memory_space<vmem>>
    %dma_start3A_124 = arith.constant 0 : i32
    %dma_start3A_125 = arith.constant 0 : i32
    %dma_start3A_126 = tpu.memref_slice %arg11[%dma_start3A_124, %dma_start3A_125] : memref<10240x16xf32, #tpu.memory_space<vmem_shared>> -> memref<10240x16xf32, #tpu.memory_space<vmem_shared>>
    tpu.enqueue_indirect_dma source(%dma_start3A_121 : memref<16x16xf32, #tpu.memory_space<vmem>>) target(%dma_start3A_126 : memref<10240x16xf32, #tpu.memory_space<vmem_shared>>) offsets(%dma_start3A_123 : memref<16xi32, #tpu.memory_space<vmem>>) semaphore(%arg14 : memref<!tpu.dma_semaphore, #tpu.memory_space<semaphore_mem>>) {add = true}
    %dma_wait3A_127 = arith.constant 1 : i32
    %dma_wait3A_128 = arith.constant 0 : i32
    %dma_wait3A_129 = arith.constant 0 : i32
    %dma_wait3A_130 = tpu.memref_slice %arg10[%dma_wait3A_127, %dma_wait3A_128, %dma_wait3A_129] : memref<2x1024x16xf32, #tpu.memory_space<vmem>> -> memref<1x1024x16xf32, #tpu.memory_space<vmem>>
    %dma_wait3A_131 = tpu.memref_squeeze %dma_wait3A_130 : memref<1x1024x16xf32, #tpu.memory_space<vmem>> -> memref<1024x16xf32, #tpu.memory_space<vmem>>
    %dma_wait3A_132 = arith.constant 0 : i32
    %dma_wait3A_133 = arith.constant 0 : i32
    %dma_wait3A_134 = tpu.memref_slice %dma_wait3A_131[%dma_wait3A_132, %dma_wait3A_133] : memref<1024x16xf32, #tpu.memory_space<vmem>> -> memref<128x16xf32, #tpu.memory_space<vmem>>
    %dma_wait3A_135 = arith.constant 9216 : i32
    %dma_wait3A_136 = tpu.memref_slice %arg9[%dma_wait3A_135] : memref<10000xi32, #tpu.memory_space<vmem>> -> memref<128xi32, #tpu.memory_space<vmem>>
    %dma_wait3A_137 = arith.constant 0 : i32
    %dma_wait3A_138 = arith.constant 0 : i32
    %dma_wait3A_139 = tpu.memref_slice %arg11[%dma_wait3A_137, %dma_wait3A_138] : memref<10240x16xf32, #tpu.memory_space<vmem_shared>> -> memref<10240x16xf32, #tpu.memory_space<vmem_shared>>
    tpu.wait_indirect_dma semaphore(%arg14 : memref<!tpu.dma_semaphore, #tpu.memory_space<semaphore_mem>>) src(%dma_wait3A_134 : memref<128x16xf32, #tpu.memory_space<vmem>>) dst(%dma_wait3A_139 : memref<10240x16xf32, #tpu.memory_space<vmem_shared>>)
    %dma_wait3A_140 = arith.constant 1 : i32
    %dma_wait3A_141 = arith.constant 0 : i32
    %dma_wait3A_142 = arith.constant 0 : i32
    %dma_wait3A_143 = tpu.memref_slice %arg10[%dma_wait3A_140, %dma_wait3A_141, %dma_wait3A_142] : memref<2x1024x16xf32, #tpu.memory_space<vmem>> -> memref<1x1024x16xf32, #tpu.memory_space<vmem>>
    %dma_wait3A_144 = tpu.memref_squeeze %dma_wait3A_143 : memref<1x1024x16xf32, #tpu.memory_space<vmem>> -> memref<1024x16xf32, #tpu.memory_space<vmem>>
    %dma_wait3A_145 = arith.constant 128 : i32
    %dma_wait3A_146 = arith.constant 0 : i32
    %dma_wait3A_147 = tpu.memref_slice %dma_wait3A_144[%dma_wait3A_145, %dma_wait3A_146] : memref<1024x16xf32, #tpu.memory_space<vmem>> -> memref<128x16xf32, #tpu.memory_space<vmem>>
    %dma_wait3A_148 = arith.constant 9344 : i32
    %dma_wait3A_149 = tpu.memref_slice %arg9[%dma_wait3A_148] : memref<10000xi32, #tpu.memory_space<vmem>> -> memref<128xi32, #tpu.memory_space<vmem>>
    %dma_wait3A_150 = arith.constant 0 : i32
    %dma_wait3A_151 = arith.constant 0 : i32
    %dma_wait3A_152 = tpu.memref_slice %arg11[%dma_wait3A_150, %dma_wait3A_151] : memref<10240x16xf32, #tpu.memory_space<vmem_shared>> -> memref<10240x16xf32, #tpu.memory_space<vmem_shared>>
    tpu.wait_indirect_dma semaphore(%arg14 : memref<!tpu.dma_semaphore, #tpu.memory_space<semaphore_mem>>) src(%dma_wait3A_147 : memref<128x16xf32, #tpu.memory_space<vmem>>) dst(%dma_wait3A_152 : memref<10240x16xf32, #tpu.memory_space<vmem_shared>>)
    %dma_wait3A_153 = arith.constant 1 : i32
    %dma_wait3A_154 = arith.constant 0 : i32
    %dma_wait3A_155 = arith.constant 0 : i32
    %dma_wait3A_156 = tpu.memref_slice %arg10[%dma_wait3A_153, %dma_wait3A_154, %dma_wait3A_155] : memref<2x1024x16xf32, #tpu.memory_space<vmem>> -> memref<1x1024x16xf32, #tpu.memory_space<vmem>>
    %dma_wait3A_157 = tpu.memref_squeeze %dma_wait3A_156 : memref<1x1024x16xf32, #tpu.memory_space<vmem>> -> memref<1024x16xf32, #tpu.memory_space<vmem>>
    %dma_wait3A_158 = arith.constant 256 : i32
    %dma_wait3A_159 = arith.constant 0 : i32
    %dma_wait3A_160 = tpu.memref_slice %dma_wait3A_157[%dma_wait3A_158, %dma_wait3A_159] : memref<1024x16xf32, #tpu.memory_space<vmem>> -> memref<128x16xf32, #tpu.memory_space<vmem>>
    %dma_wait3A_161 = arith.constant 9472 : i32
    %dma_wait3A_162 = tpu.memref_slice %arg9[%dma_wait3A_161] : memref<10000xi32, #tpu.memory_space<vmem>> -> memref<128xi32, #tpu.memory_space<vmem>>
    %dma_wait3A_163 = arith.constant 0 : i32
    %dma_wait3A_164 = arith.constant 0 : i32
    %dma_wait3A_165 = tpu.memref_slice %arg11[%dma_wait3A_163, %dma_wait3A_164] : memref<10240x16xf32, #tpu.memory_space<vmem_shared>> -> memref<10240x16xf32, #tpu.memory_space<vmem_shared>>
    tpu.wait_indirect_dma semaphore(%arg14 : memref<!tpu.dma_semaphore, #tpu.memory_space<semaphore_mem>>) src(%dma_wait3A_160 : memref<128x16xf32, #tpu.memory_space<vmem>>) dst(%dma_wait3A_165 : memref<10240x16xf32, #tpu.memory_space<vmem_shared>>)
    %dma_wait3A_166 = arith.constant 1 : i32
    %dma_wait3A_167 = arith.constant 0 : i32
    %dma_wait3A_168 = arith.constant 0 : i32
    %dma_wait3A_169 = tpu.memref_slice %arg10[%dma_wait3A_166, %dma_wait3A_167, %dma_wait3A_168] : memref<2x1024x16xf32, #tpu.memory_space<vmem>> -> memref<1x1024x16xf32, #tpu.memory_space<vmem>>
    %dma_wait3A_170 = tpu.memref_squeeze %dma_wait3A_169 : memref<1x1024x16xf32, #tpu.memory_space<vmem>> -> memref<1024x16xf32, #tpu.memory_space<vmem>>
    %dma_wait3A_171 = arith.constant 384 : i32
    %dma_wait3A_172 = arith.constant 0 : i32
    %dma_wait3A_173 = tpu.memref_slice %dma_wait3A_170[%dma_wait3A_171, %dma_wait3A_172] : memref<1024x16xf32, #tpu.memory_space<vmem>> -> memref<128x16xf32, #tpu.memory_space<vmem>>
    %dma_wait3A_174 = arith.constant 9600 : i32
    %dma_wait3A_175 = tpu.memref_slice %arg9[%dma_wait3A_174] : memref<10000xi32, #tpu.memory_space<vmem>> -> memref<128xi32, #tpu.memory_space<vmem>>
    %dma_wait3A_176 = arith.constant 0 : i32
    %dma_wait3A_177 = arith.constant 0 : i32
    %dma_wait3A_178 = tpu.memref_slice %arg11[%dma_wait3A_176, %dma_wait3A_177] : memref<10240x16xf32, #tpu.memory_space<vmem_shared>> -> memref<10240x16xf32, #tpu.memory_space<vmem_shared>>
    tpu.wait_indirect_dma semaphore(%arg14 : memref<!tpu.dma_semaphore, #tpu.memory_space<semaphore_mem>>) src(%dma_wait3A_173 : memref<128x16xf32, #tpu.memory_space<vmem>>) dst(%dma_wait3A_178 : memref<10240x16xf32, #tpu.memory_space<vmem_shared>>)
    %dma_wait3A_179 = arith.constant 1 : i32
    %dma_wait3A_180 = arith.constant 0 : i32
    %dma_wait3A_181 = arith.constant 0 : i32
    %dma_wait3A_182 = tpu.memref_slice %arg10[%dma_wait3A_179, %dma_wait3A_180, %dma_wait3A_181] : memref<2x1024x16xf32, #tpu.memory_space<vmem>> -> memref<1x1024x16xf32, #tpu.memory_space<vmem>>
    %dma_wait3A_183 = tpu.memref_squeeze %dma_wait3A_182 : memref<1x1024x16xf32, #tpu.memory_space<vmem>> -> memref<1024x16xf32, #tpu.memory_space<vmem>>
    %dma_wait3A_184 = arith.constant 512 : i32
    %dma_wait3A_185 = arith.constant 0 : i32
    %dma_wait3A_186 = tpu.memref_slice %dma_wait3A_183[%dma_wait3A_184, %dma_wait3A_185] : memref<1024x16xf32, #tpu.memory_space<vmem>> -> memref<128x16xf32, #tpu.memory_space<vmem>>
    %dma_wait3A_187 = arith.constant 9728 : i32
    %dma_wait3A_188 = tpu.memref_slice %arg9[%dma_wait3A_187] : memref<10000xi32, #tpu.memory_space<vmem>> -> memref<128xi32, #tpu.memory_space<vmem>>
    %dma_wait3A_189 = arith.constant 0 : i32
    %dma_wait3A_190 = arith.constant 0 : i32
    %dma_wait3A_191 = tpu.memref_slice %arg11[%dma_wait3A_189, %dma_wait3A_190] : memref<10240x16xf32, #tpu.memory_space<vmem_shared>> -> memref<10240x16xf32, #tpu.memory_space<vmem_shared>>
    tpu.wait_indirect_dma semaphore(%arg14 : memref<!tpu.dma_semaphore, #tpu.memory_space<semaphore_mem>>) src(%dma_wait3A_186 : memref<128x16xf32, #tpu.memory_space<vmem>>) dst(%dma_wait3A_191 : memref<10240x16xf32, #tpu.memory_space<vmem_shared>>)
    %dma_wait3A_192 = arith.constant 1 : i32
    %dma_wait3A_193 = arith.constant 0 : i32
    %dma_wait3A_194 = arith.constant 0 : i32
    %dma_wait3A_195 = tpu.memref_slice %arg10[%dma_wait3A_192, %dma_wait3A_193, %dma_wait3A_194] : memref<2x1024x16xf32, #tpu.memory_space<vmem>> -> memref<1x1024x16xf32, #tpu.memory_space<vmem>>
    %dma_wait3A_196 = tpu.memref_squeeze %dma_wait3A_195 : memref<1x1024x16xf32, #tpu.memory_space<vmem>> -> memref<1024x16xf32, #tpu.memory_space<vmem>>
    %dma_wait3A_197 = arith.constant 640 : i32
    %dma_wait3A_198 = arith.constant 0 : i32
    %dma_wait3A_199 = tpu.memref_slice %dma_wait3A_196[%dma_wait3A_197, %dma_wait3A_198] : memref<1024x16xf32, #tpu.memory_space<vmem>> -> memref<128x16xf32, #tpu.memory_space<vmem>>
    %dma_wait3A_200 = arith.constant 9856 : i32
    %dma_wait3A_201 = tpu.memref_slice %arg9[%dma_wait3A_200] : memref<10000xi32, #tpu.memory_space<vmem>> -> memref<128xi32, #tpu.memory_space<vmem>>
    %dma_wait3A_202 = arith.constant 0 : i32
    %dma_wait3A_203 = arith.constant 0 : i32
    %dma_wait3A_204 = tpu.memref_slice %arg11[%dma_wait3A_202, %dma_wait3A_203] : memref<10240x16xf32, #tpu.memory_space<vmem_shared>> -> memref<10240x16xf32, #tpu.memory_space<vmem_shared>>
    tpu.wait_indirect_dma semaphore(%arg14 : memref<!tpu.dma_semaphore, #tpu.memory_space<semaphore_mem>>) src(%dma_wait3A_199 : memref<128x16xf32, #tpu.memory_space<vmem>>) dst(%dma_wait3A_204 : memref<10240x16xf32, #tpu.memory_space<vmem_shared>>)
    %dma_wait3A_205 = arith.constant 1 : i32
    %dma_wait3A_206 = arith.constant 0 : i32
    %dma_wait3A_207 = arith.constant 0 : i32
    %dma_wait3A_208 = tpu.memref_slice %arg10[%dma_wait3A_205, %dma_wait3A_206, %dma_wait3A_207] : memref<2x1024x16xf32, #tpu.memory_space<vmem>> -> memref<1x1024x16xf32, #tpu.memory_space<vmem>>
    %dma_wait3A_209 = tpu.memref_squeeze %dma_wait3A_208 : memref<1x1024x16xf32, #tpu.memory_space<vmem>> -> memref<1024x16xf32, #tpu.memory_space<vmem>>
    %dma_wait3A_210 = arith.constant 768 : i32
    %dma_wait3A_211 = arith.constant 0 : i32
    %dma_wait3A_212 = tpu.memref_slice %dma_wait3A_209[%dma_wait3A_210, %dma_wait3A_211] : memref<1024x16xf32, #tpu.memory_space<vmem>> -> memref<16x16xf32, #tpu.memory_space<vmem>>
    %dma_wait3A_213 = arith.constant 9984 : i32
    %dma_wait3A_214 = tpu.memref_slice %arg9[%dma_wait3A_213] : memref<10000xi32, #tpu.memory_space<vmem>> -> memref<16xi32, #tpu.memory_space<vmem>>
    %dma_wait3A_215 = arith.constant 0 : i32
    %dma_wait3A_216 = arith.constant 0 : i32
    %dma_wait3A_217 = tpu.memref_slice %arg11[%dma_wait3A_215, %dma_wait3A_216] : memref<10240x16xf32, #tpu.memory_space<vmem_shared>> -> memref<10240x16xf32, #tpu.memory_space<vmem_shared>>
    tpu.wait_indirect_dma semaphore(%arg14 : memref<!tpu.dma_semaphore, #tpu.memory_space<semaphore_mem>>) src(%dma_wait3A_212 : memref<16x16xf32, #tpu.memory_space<vmem>>) dst(%dma_wait3A_217 : memref<10240x16xf32, #tpu.memory_space<vmem_shared>>)
    %barrier3A_218 = arith.constant 0 : index
    tpu.barrier barrier_id(%barrier3A_218)
    %mul3A_219 = arith.constant 640 : i32
    %mul3A_220 = arith.muli %arg1, %mul3A_219 : i32
    %mul3A_221 = arith.constant 640 : i32
    %mul3A_222 = arith.muli %arg1, %mul3A_221 : i32
    "tpu.region"() ({
      %run_scoped3A_223 = tpu.sem_alloc : memref<!tpu.dma_semaphore, #tpu.memory_space<semaphore_mem>>
      %dma_start3A_224 = arith.constant 0 : i32
      %dma_start3A_225 = tpu.memref_slice %arg7[%arg0, %mul3A_222, %dma_start3A_224] : memref<2x10240x16xf32, #tpu.memory_space<hbm>> -> memref<1x640x16xf32, #tpu.memory_space<hbm>>
      %dma_start3A_226 = tpu.memref_squeeze %dma_start3A_225 : memref<1x640x16xf32, #tpu.memory_space<hbm>> -> memref<640x16xf32, #tpu.memory_space<hbm>>
      %dma_start3A_227 = arith.constant 0 : i32
      %dma_start3A_228 = tpu.memref_slice %arg11[%mul3A_220, %dma_start3A_227] : memref<10240x16xf32, #tpu.memory_space<vmem_shared>> -> memref<640x16xf32, #tpu.memory_space<vmem_shared>>
      tpu.enqueue_dma source(%dma_start3A_228 : memref<640x16xf32, #tpu.memory_space<vmem_shared>>) target(%dma_start3A_226 : memref<640x16xf32, #tpu.memory_space<hbm>>) target_semaphore(%run_scoped3A_223 : memref<!tpu.dma_semaphore, #tpu.memory_space<semaphore_mem>>)
      %dma_wait3A_229 = arith.constant 0 : i32
      %dma_wait3A_230 = tpu.memref_slice %arg7[%arg0, %mul3A_222, %dma_wait3A_229] : memref<2x10240x16xf32, #tpu.memory_space<hbm>> -> memref<1x640x16xf32, #tpu.memory_space<hbm>>
      %dma_wait3A_231 = tpu.memref_squeeze %dma_wait3A_230 : memref<1x640x16xf32, #tpu.memory_space<hbm>> -> memref<640x16xf32, #tpu.memory_space<hbm>>
      %dma_wait3A_232 = arith.constant 0 : i32
      %dma_wait3A_233 = tpu.memref_slice %arg11[%mul3A_220, %dma_wait3A_232] : memref<10240x16xf32, #tpu.memory_space<vmem_shared>> -> memref<640x16xf32, #tpu.memory_space<vmem_shared>>
      tpu.wait_dma2 semaphore(%run_scoped3A_223 : memref<!tpu.dma_semaphore, #tpu.memory_space<semaphore_mem>>) src(%dma_wait3A_233 : memref<640x16xf32, #tpu.memory_space<vmem_shared>>) dst(%dma_wait3A_231 : memref<640x16xf32, #tpu.memory_space<hbm>>)
      tpu.yield
    }) : () -> ()
    return
  }
}

module attributes {stable_mosaic.version = 14 : i64} {
  func.func @_mm0_body(%arg0: memref<1250x1024xf32, #tpu.memory_space<vmem>>, %arg1: memref<1024x128xf32, #tpu.memory_space<vmem>>, %arg2: memref<1250x128xf32, #tpu.memory_space<vmem>>) attributes {dimension_semantics = [], scalar_prefetch = 0 : i64, scratch_operands = 0 : i64, tpu.core_type = #tpu.core_type<tc>} {
    %get3A = arith.constant 0 : index
    %get3A_0 = arith.constant 0 : index
    %get3A_1 = vector.load %arg0[%get3A, %get3A_0] : memref<1250x1024xf32, #tpu.memory_space<vmem>>, vector<1250x1024xf32>
    %get3A_2 = arith.constant 0 : index
    %get3A_3 = arith.constant 0 : index
    %get3A_4 = vector.load %arg1[%get3A_2, %get3A_3] : memref<1024x128xf32, #tpu.memory_space<vmem>>, vector<1024x128xf32>
    %dot_general3A = arith.constant dense<0.000000e+00> : vector<1250x128xf32>
    %dot_general3A_5 = tpu.matmul %get3A_1, %get3A_4, %dot_general3A {dimension_numbers = #tpu.dot_dimension_numbers<[1], [0], [0], [1], [0, 0, 1, 1], [], []>, transpose_lhs_hint = false} : vector<1250x1024xf32>, vector<1024x128xf32>, vector<1250x128xf32> -> vector<1250x128xf32>
    %swap3A = arith.constant 0 : index
    %swap3A_6 = arith.constant 0 : index
    %swap3A_7 = vector.load %arg2[%swap3A, %swap3A_6] : memref<1250x128xf32, #tpu.memory_space<vmem>>, vector<1250x128xf32>
    tpu.vector_store %arg2[%swap3A, %swap3A_6], %dot_general3A_5 {strides = array<i32>} : memref<1250x128xf32, #tpu.memory_space<vmem>>, vector<1250x128xf32>,
    return
  }
}

module attributes {stable_mosaic.version = 14 : i64} {
  func.func @_mid_body(%arg0: i32, %arg1: memref<2x640x128xf32, #tpu.memory_space<vmem>>, %arg2: memref<2x640x128xf32, #tpu.memory_space<vmem>>, %arg3: memref<2x128xf32, #tpu.memory_space<vmem>>, %arg4: memref<2x128xf32, #tpu.memory_space<vmem>>, %arg5: memref<128x128xf32, #tpu.memory_space<vmem>>, %arg6: memref<640x128xf32, #tpu.memory_space<vmem>>) attributes {dimension_semantics = [#tpu.dimension_semantics<arbitrary>], iteration_bounds = array<i64: 2>, scalar_prefetch = 0 : i64, scratch_operands = 0 : i64, tpu.core_type = #tpu.core_type<tc>, window_params = [{transform_indices = @transform_0, window_bounds = array<i64: 2, 640, 128>}, {transform_indices = @transform_1, window_bounds = array<i64: 2, 640, 128>}, {pipeline_mode = #tpu.pipeline_mode<synchronous>, transform_indices = @transform_2, window_bounds = array<i64: 2, 128>}, {pipeline_mode = #tpu.pipeline_mode<synchronous>, transform_indices = @transform_3, window_bounds = array<i64: 2, 128>}, {pipeline_mode = #tpu.pipeline_mode<synchronous>, transform_indices = @transform_4, window_bounds = array<i64: 128, 128>}, {transform_indices = @transform_5, window_bounds = array<i64: 640, 128>}]} {
    %get3A = arith.constant 0 : index
    %get3A_0 = arith.constant 0 : index
    %get3A_1 = arith.constant 0 : index
    %get3A_2 = vector.load %arg1[%get3A, %get3A_0, %get3A_1] : memref<2x640x128xf32, #tpu.memory_space<vmem>>, vector<2x640x128xf32>
    %get3A_3 = arith.constant 0 : index
    %get3A_4 = arith.constant 0 : index
    %get3A_5 = arith.constant 0 : index
    %get3A_6 = vector.load %arg2[%get3A_3, %get3A_4, %get3A_5] : memref<2x640x128xf32, #tpu.memory_space<vmem>>, vector<2x640x128xf32>
    %get3A_7 = arith.constant 0 : index
    %get3A_8 = arith.constant 0 : index
    %get3A_9 = vector.load %arg3[%get3A_7, %get3A_8] : memref<2x128xf32, #tpu.memory_space<vmem>>, vector<2x128xf32>
    %get3A_10 = arith.constant 0 : index
    %get3A_11 = arith.constant 0 : index
    %get3A_12 = vector.load %arg4[%get3A_10, %get3A_11] : memref<2x128xf32, #tpu.memory_space<vmem>>, vector<2x128xf32>
    %slice3A = vector.extract_strided_slice %get3A_2 {offsets = [0, 0, 0], sizes = [1, 640, 128], strides = [1, 1, 1]} : vector<2x640x128xf32> to vector<1x640x128xf32>
    %squeeze3A = vector.shape_cast %slice3A : vector<1x640x128xf32> to vector<640x128xf32>
    %slice3A_13 = vector.extract_strided_slice %get3A_2 {offsets = [1, 0, 0], sizes = [1, 640, 128], strides = [1, 1, 1]} : vector<2x640x128xf32> to vector<1x640x128xf32>
    %squeeze3A_14 = vector.shape_cast %slice3A_13 : vector<1x640x128xf32> to vector<640x128xf32>
    %add3A = arith.addf %squeeze3A, %squeeze3A_14 : vector<640x128xf32>
    %slice3A_15 = vector.extract_strided_slice %get3A_6 {offsets = [0, 0, 0], sizes = [1, 640, 128], strides = [1, 1, 1]} : vector<2x640x128xf32> to vector<1x640x128xf32>
    %squeeze3A_16 = vector.shape_cast %slice3A_15 : vector<1x640x128xf32> to vector<640x128xf32>
    %slice3A_17 = vector.extract_strided_slice %get3A_6 {offsets = [1, 0, 0], sizes = [1, 640, 128], strides = [1, 1, 1]} : vector<2x640x128xf32> to vector<1x640x128xf32>
    %squeeze3A_18 = vector.shape_cast %slice3A_17 : vector<1x640x128xf32> to vector<640x128xf32>
    %add3A_19 = arith.addf %squeeze3A_16, %squeeze3A_18 : vector<640x128xf32>
    %max3A = arith.constant 1.000000e+00 : f32
    %max3A_20 = vector.broadcast %max3A : f32 to vector<640x128xf32>
    %max3A_21 = arith.maximumf %add3A_19, %max3A_20 : vector<640x128xf32>
    %div3A = arith.divf %add3A, %max3A_21 : vector<640x128xf32>
    %tanh3A = math.tanh %div3A : vector<640x128xf32>
    %iota3A = tpu.iota {dimensions = array<i32: 0>} : vector<128x128xi32>
    %iota3A_22 = tpu.iota {dimensions = array<i32: 1>} : vector<128x128xi32>
    %jit3A = arith.constant 16 : i32
    %div3A_23 = vector.broadcast %jit3A : i32 to vector<128x128xi32>
    %div3A_24 = arith.divsi %iota3A, %div3A_23 : vector<128x128xi32>
    %sign3A = arith.constant 0 : i32
    %sign3A_25 = vector.broadcast %sign3A : i32 to vector<128x128xi32>
    %sign3A_26 = arith.cmpi sgt, %iota3A, %sign3A_25 : vector<128x128xi32>
    %sign3A_27 = arith.extui %sign3A_26 : vector<128x128xi1> to vector<128x128xi32>
    %sign3A_28 = arith.constant 0 : i32
    %sign3A_29 = vector.broadcast %sign3A_28 : i32 to vector<128x128xi32>
    %sign3A_30 = arith.cmpi slt, %iota3A, %sign3A_29 : vector<128x128xi32>
    %sign3A_31 = arith.extui %sign3A_30 : vector<128x128xi1> to vector<128x128xi32>
    %sign3A_32 = arith.subi %sign3A_27, %sign3A_31 : vector<128x128xi32>
    %sign3A_33 = arith.constant 0 : i32
    %sign3A_34 = arith.cmpi sgt, %jit3A, %sign3A_33 : i32
    %sign3A_35 = arith.extui %sign3A_34 : i1 to i32
    %sign3A_36 = arith.constant 0 : i32
    %sign3A_37 = arith.cmpi slt, %jit3A, %sign3A_36 : i32
    %sign3A_38 = arith.extui %sign3A_37 : i1 to i32
    %sign3A_39 = arith.subi %sign3A_35, %sign3A_38 : i32
    %ne3A = vector.broadcast %sign3A_39 : i32 to vector<128x128xi32>
    %ne3A_40 = arith.cmpi ne, %sign3A_32, %ne3A : vector<128x128xi32>
    %rem3A = vector.broadcast %jit3A : i32 to vector<128x128xi32>
    %rem3A_41 = arith.remsi %iota3A, %rem3A : vector<128x128xi32>
    %ne3A_42 = arith.constant 0 : i32
    %ne3A_43 = vector.broadcast %ne3A_42 : i32 to vector<128x128xi32>
    %ne3A_44 = arith.cmpi ne, %rem3A_41, %ne3A_43 : vector<128x128xi32>
    %and3A = arith.andi %ne3A_40, %ne3A_44 : vector<128x128xi1>
    %sub3A = arith.constant 1 : i32
    %sub3A_45 = vector.broadcast %sub3A : i32 to vector<128x128xi32>
    %sub3A_46 = arith.subi %div3A_24, %sub3A_45 : vector<128x128xi32>
    %select_n3A = arith.select %and3A, %sub3A_46, %div3A_24 : vector<128x128xi1>, vector<128x128xi32>
    %jit3A_47 = arith.constant 16 : i32
    %div3A_48 = vector.broadcast %jit3A_47 : i32 to vector<128x128xi32>
    %div3A_49 = arith.divsi %iota3A_22, %div3A_48 : vector<128x128xi32>
    %sign3A_50 = arith.constant 0 : i32
    %sign3A_51 = vector.broadcast %sign3A_50 : i32 to vector<128x128xi32>
    %sign3A_52 = arith.cmpi sgt, %iota3A_22, %sign3A_51 : vector<128x128xi32>
    %sign3A_53 = arith.extui %sign3A_52 : vector<128x128xi1> to vector<128x128xi32>
    %sign3A_54 = arith.constant 0 : i32
    %sign3A_55 = vector.broadcast %sign3A_54 : i32 to vector<128x128xi32>
    %sign3A_56 = arith.cmpi slt, %iota3A_22, %sign3A_55 : vector<128x128xi32>
    %sign3A_57 = arith.extui %sign3A_56 : vector<128x128xi1> to vector<128x128xi32>
    %sign3A_58 = arith.subi %sign3A_53, %sign3A_57 : vector<128x128xi32>
    %sign3A_59 = arith.constant 0 : i32
    %sign3A_60 = arith.cmpi sgt, %jit3A_47, %sign3A_59 : i32
    %sign3A_61 = arith.extui %sign3A_60 : i1 to i32
    %sign3A_62 = arith.constant 0 : i32
    %sign3A_63 = arith.cmpi slt, %jit3A_47, %sign3A_62 : i32
    %sign3A_64 = arith.extui %sign3A_63 : i1 to i32
    %sign3A_65 = arith.subi %sign3A_61, %sign3A_64 : i32
    %ne3A_66 = vector.broadcast %sign3A_65 : i32 to vector<128x128xi32>
    %ne3A_67 = arith.cmpi ne, %sign3A_58, %ne3A_66 : vector<128x128xi32>
    %rem3A_68 = vector.broadcast %jit3A_47 : i32 to vector<128x128xi32>
    %rem3A_69 = arith.remsi %iota3A_22, %rem3A_68 : vector<128x128xi32>
    %ne3A_70 = arith.constant 0 : i32
    %ne3A_71 = vector.broadcast %ne3A_70 : i32 to vector<128x128xi32>
    %ne3A_72 = arith.cmpi ne, %rem3A_69, %ne3A_71 : vector<128x128xi32>
    %and3A_73 = arith.andi %ne3A_67, %ne3A_72 : vector<128x128xi1>
    %sub3A_74 = arith.constant 1 : i32
    %sub3A_75 = vector.broadcast %sub3A_74 : i32 to vector<128x128xi32>
    %sub3A_76 = arith.subi %div3A_49, %sub3A_75 : vector<128x128xi32>
    %select_n3A_77 = arith.select %and3A_73, %sub3A_76, %div3A_49 : vector<128x128xi1>, vector<128x128xi32>
    %eq3A = arith.cmpi eq, %select_n3A, %select_n3A_77 : vector<128x128xi32>
    %jit3A_78 = arith.constant 16 : i32
    %eq3A_79 = arith.constant 0 : i32
    %eq3A_80 = arith.cmpi eq, %jit3A_78, %eq3A_79 : i32
    %jit3A_81 = arith.constant 1 : i32
    %select_n3A_82 = arith.select %eq3A_80, %jit3A_81, %jit3A_78 : i32
    %rem3A_83 = vector.broadcast %select_n3A_82 : i32 to vector<128x128xi32>
    %rem3A_84 = arith.remsi %iota3A, %rem3A_83 : vector<128x128xi32>
    %ne3A_85 = arith.constant 0 : i32
    %ne3A_86 = vector.broadcast %ne3A_85 : i32 to vector<128x128xi32>
    %ne3A_87 = arith.cmpi ne, %rem3A_84, %ne3A_86 : vector<128x128xi32>
    %lt3A = arith.constant 0 : i32
    %lt3A_88 = vector.broadcast %lt3A : i32 to vector<128x128xi32>
    %lt3A_89 = arith.cmpi slt, %rem3A_84, %lt3A_88 : vector<128x128xi32>
    %lt3A_90 = arith.constant 0 : i32
    %lt3A_91 = arith.cmpi slt, %select_n3A_82, %lt3A_90 : i32
    %ne3A_92 = vector.broadcast %lt3A_91 : i1 to vector<128x128xi1>
    %ne3A_93 = vector.broadcast %ne3A_92 : vector<128x128xi1> to vector<128x128xi1>
    %ne3A_94 = arith.xori %lt3A_89, %ne3A_93 : vector<128x128xi1>
    %and3A_95 = arith.andi %ne3A_94, %ne3A_87 : vector<128x128xi1>
    %add3A_96 = vector.broadcast %select_n3A_82 : i32 to vector<128x128xi32>
    %add3A_97 = arith.addi %rem3A_84, %add3A_96 : vector<128x128xi32>
    %select_n3A_98 = arith.select %and3A_95, %add3A_97, %rem3A_84 : vector<128x128xi1>, vector<128x128xi32>
    %add3A_99 = arith.constant 1 : i32
    %add3A_100 = vector.broadcast %add3A_99 : i32 to vector<128x128xi32>
    %add3A_101 = arith.addi %select_n3A_98, %add3A_100 : vector<128x128xi32>
    %jit3A_102 = arith.constant 16 : i32
    %eq3A_103 = arith.constant 0 : i32
    %eq3A_104 = arith.cmpi eq, %jit3A_102, %eq3A_103 : i32
    %jit3A_105 = arith.constant 1 : i32
    %select_n3A_106 = arith.select %eq3A_104, %jit3A_105, %jit3A_102 : i32
    %rem3A_107 = vector.broadcast %select_n3A_106 : i32 to vector<128x128xi32>
    %rem3A_108 = arith.remsi %add3A_101, %rem3A_107 : vector<128x128xi32>
    %ne3A_109 = arith.constant 0 : i32
    %ne3A_110 = vector.broadcast %ne3A_109 : i32 to vector<128x128xi32>
    %ne3A_111 = arith.cmpi ne, %rem3A_108, %ne3A_110 : vector<128x128xi32>
    %lt3A_112 = arith.constant 0 : i32
    %lt3A_113 = vector.broadcast %lt3A_112 : i32 to vector<128x128xi32>
    %lt3A_114 = arith.cmpi slt, %rem3A_108, %lt3A_113 : vector<128x128xi32>
    %lt3A_115 = arith.constant 0 : i32
    %lt3A_116 = arith.cmpi slt, %select_n3A_106, %lt3A_115 : i32
    %ne3A_117 = vector.broadcast %lt3A_116 : i1 to vector<128x128xi1>
    %ne3A_118 = vector.broadcast %ne3A_117 : vector<128x128xi1> to vector<128x128xi1>
    %ne3A_119 = arith.xori %lt3A_114, %ne3A_118 : vector<128x128xi1>
    %and3A_120 = arith.andi %ne3A_119, %ne3A_111 : vector<128x128xi1>
    %add3A_121 = vector.broadcast %select_n3A_106 : i32 to vector<128x128xi32>
    %add3A_122 = arith.addi %rem3A_108, %add3A_121 : vector<128x128xi32>
    %select_n3A_123 = arith.select %and3A_120, %add3A_122, %rem3A_108 : vector<128x128xi1>, vector<128x128xi32>
    %jit3A_124 = arith.constant 16 : i32
    %eq3A_125 = arith.constant 0 : i32
    %eq3A_126 = arith.cmpi eq, %jit3A_124, %eq3A_125 : i32
    %jit3A_127 = arith.constant 1 : i32
    %select_n3A_128 = arith.select %eq3A_126, %jit3A_127, %jit3A_124 : i32
    %rem3A_129 = vector.broadcast %select_n3A_128 : i32 to vector<128x128xi32>
    %rem3A_130 = arith.remsi %iota3A_22, %rem3A_129 : vector<128x128xi32>
    %ne3A_131 = arith.constant 0 : i32
    %ne3A_132 = vector.broadcast %ne3A_131 : i32 to vector<128x128xi32>
    %ne3A_133 = arith.cmpi ne, %rem3A_130, %ne3A_132 : vector<128x128xi32>
    %lt3A_134 = arith.constant 0 : i32
    %lt3A_135 = vector.broadcast %lt3A_134 : i32 to vector<128x128xi32>
    %lt3A_136 = arith.cmpi slt, %rem3A_130, %lt3A_135 : vector<128x128xi32>
    %lt3A_137 = arith.constant 0 : i32
    %lt3A_138 = arith.cmpi slt, %select_n3A_128, %lt3A_137 : i32
    %ne3A_139 = vector.broadcast %lt3A_138 : i1 to vector<128x128xi1>
    %ne3A_140 = vector.broadcast %ne3A_139 : vector<128x128xi1> to vector<128x128xi1>
    %ne3A_141 = arith.xori %lt3A_136, %ne3A_140 : vector<128x128xi1>
    %and3A_142 = arith.andi %ne3A_141, %ne3A_133 : vector<128x128xi1>
    %add3A_143 = vector.broadcast %select_n3A_128 : i32 to vector<128x128xi32>
    %add3A_144 = arith.addi %rem3A_130, %add3A_143 : vector<128x128xi32>
    %select_n3A_145 = arith.select %and3A_142, %add3A_144, %rem3A_130 : vector<128x128xi1>, vector<128x128xi32>
    %eq3A_146 = arith.cmpi eq, %select_n3A_123, %select_n3A_145 : vector<128x128xi32>
    %and3A_147 = arith.andi %eq3A, %eq3A_146 : vector<128x128xi1>
    %convert_element_type3A = arith.extui %and3A_147 : vector<128x128xi1> to vector<128x128xi32>
    %convert_element_type3A_148 = arith.sitofp %convert_element_type3A : vector<128x128xi32> to vector<128x128xf32>
    %slice3A_149 = vector.extract_strided_slice %get3A_9 {offsets = [0, 0], sizes = [1, 128], strides = [1, 1]} : vector<2x128xf32> to vector<1x128xf32>
    %squeeze3A_150 = vector.shape_cast %slice3A_149 : vector<1x128xf32> to vector<128xf32>
    %broadcast_in_dim3A = vector.shape_cast %squeeze3A_150 : vector<128xf32> to vector<1x128xf32>
    %mul3A = vector.broadcast %broadcast_in_dim3A : vector<1x128xf32> to vector<640x128xf32>
    %mul3A_151 = arith.mulf %mul3A, %tanh3A : vector<640x128xf32>
    %slice3A_152 = vector.extract_strided_slice %get3A_12 {offsets = [0, 0], sizes = [1, 128], strides = [1, 1]} : vector<2x128xf32> to vector<1x128xf32>
    %squeeze3A_153 = vector.shape_cast %slice3A_152 : vector<1x128xf32> to vector<128xf32>
    %broadcast_in_dim3A_154 = vector.shape_cast %squeeze3A_153 : vector<128xf32> to vector<1x128xf32>
    %dot_general3A = arith.constant dense<0.000000e+00> : vector<640x128xf32>
    %dot_general3A_155 = tpu.matmul %tanh3A, %convert_element_type3A_148, %dot_general3A {dimension_numbers = #tpu.dot_dimension_numbers<[1], [0], [0], [1], [0, 0, 1, 1], [], []>, transpose_lhs_hint = false} : vector<640x128xf32>, vector<128x128xf32>, vector<640x128xf32> -> vector<640x128xf32>
    %mul3A_156 = vector.broadcast %broadcast_in_dim3A_154 : vector<1x128xf32> to vector<640x128xf32>
    %mul3A_157 = arith.mulf %mul3A_156, %dot_general3A_155 : vector<640x128xf32>
    %add3A_158 = arith.addf %mul3A_151, %mul3A_157 : vector<640x128xf32>
    %slice3A_159 = vector.extract_strided_slice %get3A_9 {offsets = [1, 0], sizes = [1, 128], strides = [1, 1]} : vector<2x128xf32> to vector<1x128xf32>
    %squeeze3A_160 = vector.shape_cast %slice3A_159 : vector<1x128xf32> to vector<128xf32>
    %broadcast_in_dim3A_161 = vector.shape_cast %squeeze3A_160 : vector<128xf32> to vector<1x128xf32>
    %mul3A_162 = vector.broadcast %broadcast_in_dim3A_161 : vector<1x128xf32> to vector<640x128xf32>
    %mul3A_163 = arith.mulf %mul3A_162, %add3A_158 : vector<640x128xf32>
    %slice3A_164 = vector.extract_strided_slice %get3A_12 {offsets = [1, 0], sizes = [1, 128], strides = [1, 1]} : vector<2x128xf32> to vector<1x128xf32>
    %squeeze3A_165 = vector.shape_cast %slice3A_164 : vector<1x128xf32> to vector<128xf32>
    %broadcast_in_dim3A_166 = vector.shape_cast %squeeze3A_165 : vector<128xf32> to vector<1x128xf32>
    %dot_general3A_167 = arith.constant dense<0.000000e+00> : vector<640x128xf32>
    %dot_general3A_168 = tpu.matmul %add3A_158, %convert_element_type3A_148, %dot_general3A_167 {dimension_numbers = #tpu.dot_dimension_numbers<[1], [0], [0], [1], [0, 0, 1, 1], [], []>, transpose_lhs_hint = false} : vector<640x128xf32>, vector<128x128xf32>, vector<640x128xf32> -> vector<640x128xf32>
    %mul3A_169 = vector.broadcast %broadcast_in_dim3A_166 : vector<1x128xf32> to vector<640x128xf32>
    %mul3A_170 = arith.mulf %mul3A_169, %dot_general3A_168 : vector<640x128xf32>
    %add3A_171 = arith.addf %mul3A_163, %mul3A_170 : vector<640x128xf32>
    %ge3A = arith.constant 0.000000e+00 : f32
    %ge3A_172 = vector.broadcast %ge3A : f32 to vector<640x128xf32>
    %ge3A_173 = arith.cmpf oge, %add3A_171, %ge3A_172 : vector<640x128xf32>
    %mul3A_174 = arith.constant 2.000000e-01 : f32
    %mul3A_175 = vector.broadcast %mul3A_174 : f32 to vector<640x128xf32>
    %mul3A_176 = arith.mulf %mul3A_175, %add3A_171 : vector<640x128xf32>
    %select_n3A_177 = arith.select %ge3A_173, %add3A_171, %mul3A_176 : vector<640x128xi1>, vector<640x128xf32>
    %get3A_178 = arith.constant 0 : index
    %get3A_179 = arith.constant 0 : index
    %get3A_180 = vector.load %arg5[%get3A_178, %get3A_179] : memref<128x128xf32, #tpu.memory_space<vmem>>, vector<128x128xf32>
    %dot_general3A_181 = arith.constant dense<0.000000e+00> : vector<640x128xf32>
    %dot_general3A_182 = tpu.matmul %select_n3A_177, %get3A_180, %dot_general3A_181 {dimension_numbers = #tpu.dot_dimension_numbers<[1], [0], [0], [1], [0, 0, 1, 1], [], []>, transpose_lhs_hint = false} : vector<640x128xf32>, vector<128x128xf32>, vector<640x128xf32> -> vector<640x128xf32>
    %swap3A = arith.constant 0 : index
    %swap3A_183 = arith.constant 0 : index
    %swap3A_184 = vector.load %arg6[%swap3A, %swap3A_183] : memref<640x128xf32, #tpu.memory_space<vmem>>, vector<640x128xf32>
    tpu.vector_store %arg6[%swap3A, %swap3A_183], %dot_general3A_182 {strides = array<i32>} : memref<640x128xf32, #tpu.memory_space<vmem>>, vector<640x128xf32>,
    return
  }
  func.func @transform_0(%arg0: i32) -> (i32, i32, i32) {
    %c0_i32 = arith.constant 0 : i32
    %c0_i32_0 = arith.constant 0 : i32
    %c0_i32_1 = arith.constant 0 : i32
    return %c0_i32, %arg0, %c0_i32_0 : i32, i32, i32
  }
  func.func @transform_1(%arg0: i32) -> (i32, i32, i32) {
    %c0_i32 = arith.constant 0 : i32
    %c0_i32_0 = arith.constant 0 : i32
    %c0_i32_1 = arith.constant 0 : i32
    return %c0_i32, %arg0, %c0_i32_0 : i32, i32, i32
  }
  func.func @transform_2(%arg0: i32) -> (i32, i32) {
    %c0_i32 = arith.constant 0 : i32
    %c0_i32_0 = arith.constant 0 : i32
    %c0_i32_1 = arith.constant 0 : i32
    return %c0_i32, %c0_i32_0 : i32, i32
  }
  func.func @transform_3(%arg0: i32) -> (i32, i32) {
    %c0_i32 = arith.constant 0 : i32
    %c0_i32_0 = arith.constant 0 : i32
    %c0_i32_1 = arith.constant 0 : i32
    return %c0_i32, %c0_i32_0 : i32, i32
  }
  func.func @transform_4(%arg0: i32) -> (i32, i32) {
    %c0_i32 = arith.constant 0 : i32
    %c0_i32_0 = arith.constant 0 : i32
    %c0_i32_1 = arith.constant 0 : i32
    return %c0_i32, %c0_i32_0 : i32, i32
  }
  func.func @transform_5(%arg0: i32) -> (i32, i32) {
    %c0_i32 = arith.constant 0 : i32
    %c0_i32_0 = arith.constant 0 : i32
    return %arg0, %c0_i32 : i32, i32
  }
}

module attributes {stable_mosaic.version = 14 : i64} {
  func.func @_fin_body(%arg0: i32, %arg1: memref<2x640x128xf32, #tpu.memory_space<vmem>>, %arg2: memref<2x640x128xf32, #tpu.memory_space<vmem>>, %arg3: memref<2x128xf32, #tpu.memory_space<vmem>>, %arg4: memref<2x128xf32, #tpu.memory_space<vmem>>, %arg5: memref<8x640xi32, #tpu.memory_space<vmem>>, %arg6: memref<16x10xf32, #tpu.memory_space<vmem>>, %arg7: memref<1x10xf32, #tpu.memory_space<vmem>>, %arg8: memref<64x10xf32, #tpu.memory_space<vmem>>, %arg9: memref<64x16xf32, #tpu.memory_space<vmem>>, %arg10: memref<64x16xf32, #tpu.memory_space<vmem>>) attributes {dimension_semantics = [#tpu.dimension_semantics<arbitrary>], iteration_bounds = array<i64: 2>, scalar_prefetch = 0 : i64, scratch_operands = 2 : i64, tpu.core_type = #tpu.core_type<tc>, window_params = [{transform_indices = @transform_0, window_bounds = array<i64: 2, 640, 128>}, {transform_indices = @transform_1, window_bounds = array<i64: 2, 640, 128>}, {pipeline_mode = #tpu.pipeline_mode<synchronous>, transform_indices = @transform_2, window_bounds = array<i64: 2, 128>}, {pipeline_mode = #tpu.pipeline_mode<synchronous>, transform_indices = @transform_3, window_bounds = array<i64: 2, 128>}, {transform_indices = @transform_4, window_bounds = array<i64: 8, 640>}, {pipeline_mode = #tpu.pipeline_mode<synchronous>, transform_indices = @transform_5, window_bounds = array<i64: 16, 10>}, {pipeline_mode = #tpu.pipeline_mode<synchronous>, transform_indices = @transform_6, window_bounds = array<i64: 1, 10>}, {pipeline_mode = #tpu.pipeline_mode<synchronous>, transform_indices = @transform_7, window_bounds = array<i64: 64, 10>}]} {
    %get3A = arith.constant 0 : index
    %get3A_0 = arith.constant 0 : index
    %get3A_1 = arith.constant 0 : index
    %get3A_2 = vector.load %arg1[%get3A, %get3A_0, %get3A_1] : memref<2x640x128xf32, #tpu.memory_space<vmem>>, vector<2x640x128xf32>
    %get3A_3 = arith.constant 0 : index
    %get3A_4 = arith.constant 0 : index
    %get3A_5 = arith.constant 0 : index
    %get3A_6 = vector.load %arg2[%get3A_3, %get3A_4, %get3A_5] : memref<2x640x128xf32, #tpu.memory_space<vmem>>, vector<2x640x128xf32>
    %get3A_7 = arith.constant 0 : index
    %get3A_8 = arith.constant 0 : index
    %get3A_9 = vector.load %arg3[%get3A_7, %get3A_8] : memref<2x128xf32, #tpu.memory_space<vmem>>, vector<2x128xf32>
    %get3A_10 = arith.constant 0 : index
    %get3A_11 = arith.constant 0 : index
    %get3A_12 = vector.load %arg4[%get3A_10, %get3A_11] : memref<2x128xf32, #tpu.memory_space<vmem>>, vector<2x128xf32>
    %slice3A = vector.extract_strided_slice %get3A_2 {offsets = [0, 0, 0], sizes = [1, 640, 128], strides = [1, 1, 1]} : vector<2x640x128xf32> to vector<1x640x128xf32>
    %squeeze3A = vector.shape_cast %slice3A : vector<1x640x128xf32> to vector<640x128xf32>
    %slice3A_13 = vector.extract_strided_slice %get3A_2 {offsets = [1, 0, 0], sizes = [1, 640, 128], strides = [1, 1, 1]} : vector<2x640x128xf32> to vector<1x640x128xf32>
    %squeeze3A_14 = vector.shape_cast %slice3A_13 : vector<1x640x128xf32> to vector<640x128xf32>
    %add3A = arith.addf %squeeze3A, %squeeze3A_14 : vector<640x128xf32>
    %slice3A_15 = vector.extract_strided_slice %get3A_6 {offsets = [0, 0, 0], sizes = [1, 640, 128], strides = [1, 1, 1]} : vector<2x640x128xf32> to vector<1x640x128xf32>
    %squeeze3A_16 = vector.shape_cast %slice3A_15 : vector<1x640x128xf32> to vector<640x128xf32>
    %slice3A_17 = vector.extract_strided_slice %get3A_6 {offsets = [1, 0, 0], sizes = [1, 640, 128], strides = [1, 1, 1]} : vector<2x640x128xf32> to vector<1x640x128xf32>
    %squeeze3A_18 = vector.shape_cast %slice3A_17 : vector<1x640x128xf32> to vector<640x128xf32>
    %add3A_19 = arith.addf %squeeze3A_16, %squeeze3A_18 : vector<640x128xf32>
    %max3A = arith.constant 1.000000e+00 : f32
    %max3A_20 = vector.broadcast %max3A : f32 to vector<640x128xf32>
    %max3A_21 = arith.maximumf %add3A_19, %max3A_20 : vector<640x128xf32>
    %div3A = arith.divf %add3A, %max3A_21 : vector<640x128xf32>
    %tanh3A = math.tanh %div3A : vector<640x128xf32>
    %iota3A = tpu.iota {dimensions = array<i32: 0>} : vector<128x128xi32>
    %iota3A_22 = tpu.iota {dimensions = array<i32: 1>} : vector<128x128xi32>
    %jit3A = arith.constant 16 : i32
    %div3A_23 = vector.broadcast %jit3A : i32 to vector<128x128xi32>
    %div3A_24 = arith.divsi %iota3A, %div3A_23 : vector<128x128xi32>
    %sign3A = arith.constant 0 : i32
    %sign3A_25 = vector.broadcast %sign3A : i32 to vector<128x128xi32>
    %sign3A_26 = arith.cmpi sgt, %iota3A, %sign3A_25 : vector<128x128xi32>
    %sign3A_27 = arith.extui %sign3A_26 : vector<128x128xi1> to vector<128x128xi32>
    %sign3A_28 = arith.constant 0 : i32
    %sign3A_29 = vector.broadcast %sign3A_28 : i32 to vector<128x128xi32>
    %sign3A_30 = arith.cmpi slt, %iota3A, %sign3A_29 : vector<128x128xi32>
    %sign3A_31 = arith.extui %sign3A_30 : vector<128x128xi1> to vector<128x128xi32>
    %sign3A_32 = arith.subi %sign3A_27, %sign3A_31 : vector<128x128xi32>
    %sign3A_33 = arith.constant 0 : i32
    %sign3A_34 = arith.cmpi sgt, %jit3A, %sign3A_33 : i32
    %sign3A_35 = arith.extui %sign3A_34 : i1 to i32
    %sign3A_36 = arith.constant 0 : i32
    %sign3A_37 = arith.cmpi slt, %jit3A, %sign3A_36 : i32
    %sign3A_38 = arith.extui %sign3A_37 : i1 to i32
    %sign3A_39 = arith.subi %sign3A_35, %sign3A_38 : i32
    %ne3A = vector.broadcast %sign3A_39 : i32 to vector<128x128xi32>
    %ne3A_40 = arith.cmpi ne, %sign3A_32, %ne3A : vector<128x128xi32>
    %rem3A = vector.broadcast %jit3A : i32 to vector<128x128xi32>
    %rem3A_41 = arith.remsi %iota3A, %rem3A : vector<128x128xi32>
    %ne3A_42 = arith.constant 0 : i32
    %ne3A_43 = vector.broadcast %ne3A_42 : i32 to vector<128x128xi32>
    %ne3A_44 = arith.cmpi ne, %rem3A_41, %ne3A_43 : vector<128x128xi32>
    %and3A = arith.andi %ne3A_40, %ne3A_44 : vector<128x128xi1>
    %sub3A = arith.constant 1 : i32
    %sub3A_45 = vector.broadcast %sub3A : i32 to vector<128x128xi32>
    %sub3A_46 = arith.subi %div3A_24, %sub3A_45 : vector<128x128xi32>
    %select_n3A = arith.select %and3A, %sub3A_46, %div3A_24 : vector<128x128xi1>, vector<128x128xi32>
    %jit3A_47 = arith.constant 16 : i32
    %div3A_48 = vector.broadcast %jit3A_47 : i32 to vector<128x128xi32>
    %div3A_49 = arith.divsi %iota3A_22, %div3A_48 : vector<128x128xi32>
    %sign3A_50 = arith.constant 0 : i32
    %sign3A_51 = vector.broadcast %sign3A_50 : i32 to vector<128x128xi32>
    %sign3A_52 = arith.cmpi sgt, %iota3A_22, %sign3A_51 : vector<128x128xi32>
    %sign3A_53 = arith.extui %sign3A_52 : vector<128x128xi1> to vector<128x128xi32>
    %sign3A_54 = arith.constant 0 : i32
    %sign3A_55 = vector.broadcast %sign3A_54 : i32 to vector<128x128xi32>
    %sign3A_56 = arith.cmpi slt, %iota3A_22, %sign3A_55 : vector<128x128xi32>
    %sign3A_57 = arith.extui %sign3A_56 : vector<128x128xi1> to vector<128x128xi32>
    %sign3A_58 = arith.subi %sign3A_53, %sign3A_57 : vector<128x128xi32>
    %sign3A_59 = arith.constant 0 : i32
    %sign3A_60 = arith.cmpi sgt, %jit3A_47, %sign3A_59 : i32
    %sign3A_61 = arith.extui %sign3A_60 : i1 to i32
    %sign3A_62 = arith.constant 0 : i32
    %sign3A_63 = arith.cmpi slt, %jit3A_47, %sign3A_62 : i32
    %sign3A_64 = arith.extui %sign3A_63 : i1 to i32
    %sign3A_65 = arith.subi %sign3A_61, %sign3A_64 : i32
    %ne3A_66 = vector.broadcast %sign3A_65 : i32 to vector<128x128xi32>
    %ne3A_67 = arith.cmpi ne, %sign3A_58, %ne3A_66 : vector<128x128xi32>
    %rem3A_68 = vector.broadcast %jit3A_47 : i32 to vector<128x128xi32>
    %rem3A_69 = arith.remsi %iota3A_22, %rem3A_68 : vector<128x128xi32>
    %ne3A_70 = arith.constant 0 : i32
    %ne3A_71 = vector.broadcast %ne3A_70 : i32 to vector<128x128xi32>
    %ne3A_72 = arith.cmpi ne, %rem3A_69, %ne3A_71 : vector<128x128xi32>
    %and3A_73 = arith.andi %ne3A_67, %ne3A_72 : vector<128x128xi1>
    %sub3A_74 = arith.constant 1 : i32
    %sub3A_75 = vector.broadcast %sub3A_74 : i32 to vector<128x128xi32>
    %sub3A_76 = arith.subi %div3A_49, %sub3A_75 : vector<128x128xi32>
    %select_n3A_77 = arith.select %and3A_73, %sub3A_76, %div3A_49 : vector<128x128xi1>, vector<128x128xi32>
    %eq3A = arith.cmpi eq, %select_n3A, %select_n3A_77 : vector<128x128xi32>
    %jit3A_78 = arith.constant 16 : i32
    %eq3A_79 = arith.constant 0 : i32
    %eq3A_80 = arith.cmpi eq, %jit3A_78, %eq3A_79 : i32
    %jit3A_81 = arith.constant 1 : i32
    %select_n3A_82 = arith.select %eq3A_80, %jit3A_81, %jit3A_78 : i32
    %rem3A_83 = vector.broadcast %select_n3A_82 : i32 to vector<128x128xi32>
    %rem3A_84 = arith.remsi %iota3A, %rem3A_83 : vector<128x128xi32>
    %ne3A_85 = arith.constant 0 : i32
    %ne3A_86 = vector.broadcast %ne3A_85 : i32 to vector<128x128xi32>
    %ne3A_87 = arith.cmpi ne, %rem3A_84, %ne3A_86 : vector<128x128xi32>
    %lt3A = arith.constant 0 : i32
    %lt3A_88 = vector.broadcast %lt3A : i32 to vector<128x128xi32>
    %lt3A_89 = arith.cmpi slt, %rem3A_84, %lt3A_88 : vector<128x128xi32>
    %lt3A_90 = arith.constant 0 : i32
    %lt3A_91 = arith.cmpi slt, %select_n3A_82, %lt3A_90 : i32
    %ne3A_92 = vector.broadcast %lt3A_91 : i1 to vector<128x128xi1>
    %ne3A_93 = vector.broadcast %ne3A_92 : vector<128x128xi1> to vector<128x128xi1>
    %ne3A_94 = arith.xori %lt3A_89, %ne3A_93 : vector<128x128xi1>
    %and3A_95 = arith.andi %ne3A_94, %ne3A_87 : vector<128x128xi1>
    %add3A_96 = vector.broadcast %select_n3A_82 : i32 to vector<128x128xi32>
    %add3A_97 = arith.addi %rem3A_84, %add3A_96 : vector<128x128xi32>
    %select_n3A_98 = arith.select %and3A_95, %add3A_97, %rem3A_84 : vector<128x128xi1>, vector<128x128xi32>
    %add3A_99 = arith.constant 1 : i32
    %add3A_100 = vector.broadcast %add3A_99 : i32 to vector<128x128xi32>
    %add3A_101 = arith.addi %select_n3A_98, %add3A_100 : vector<128x128xi32>
    %jit3A_102 = arith.constant 16 : i32
    %eq3A_103 = arith.constant 0 : i32
    %eq3A_104 = arith.cmpi eq, %jit3A_102, %eq3A_103 : i32
    %jit3A_105 = arith.constant 1 : i32
    %select_n3A_106 = arith.select %eq3A_104, %jit3A_105, %jit3A_102 : i32
    %rem3A_107 = vector.broadcast %select_n3A_106 : i32 to vector<128x128xi32>
    %rem3A_108 = arith.remsi %add3A_101, %rem3A_107 : vector<128x128xi32>
    %ne3A_109 = arith.constant 0 : i32
    %ne3A_110 = vector.broadcast %ne3A_109 : i32 to vector<128x128xi32>
    %ne3A_111 = arith.cmpi ne, %rem3A_108, %ne3A_110 : vector<128x128xi32>
    %lt3A_112 = arith.constant 0 : i32
    %lt3A_113 = vector.broadcast %lt3A_112 : i32 to vector<128x128xi32>
    %lt3A_114 = arith.cmpi slt, %rem3A_108, %lt3A_113 : vector<128x128xi32>
    %lt3A_115 = arith.constant 0 : i32
    %lt3A_116 = arith.cmpi slt, %select_n3A_106, %lt3A_115 : i32
    %ne3A_117 = vector.broadcast %lt3A_116 : i1 to vector<128x128xi1>
    %ne3A_118 = vector.broadcast %ne3A_117 : vector<128x128xi1> to vector<128x128xi1>
    %ne3A_119 = arith.xori %lt3A_114, %ne3A_118 : vector<128x128xi1>
    %and3A_120 = arith.andi %ne3A_119, %ne3A_111 : vector<128x128xi1>
    %add3A_121 = vector.broadcast %select_n3A_106 : i32 to vector<128x128xi32>
    %add3A_122 = arith.addi %rem3A_108, %add3A_121 : vector<128x128xi32>
    %select_n3A_123 = arith.select %and3A_120, %add3A_122, %rem3A_108 : vector<128x128xi1>, vector<128x128xi32>
    %jit3A_124 = arith.constant 16 : i32
    %eq3A_125 = arith.constant 0 : i32
    %eq3A_126 = arith.cmpi eq, %jit3A_124, %eq3A_125 : i32
    %jit3A_127 = arith.constant 1 : i32
    %select_n3A_128 = arith.select %eq3A_126, %jit3A_127, %jit3A_124 : i32
    %rem3A_129 = vector.broadcast %select_n3A_128 : i32 to vector<128x128xi32>
    %rem3A_130 = arith.remsi %iota3A_22, %rem3A_129 : vector<128x128xi32>
    %ne3A_131 = arith.constant 0 : i32
    %ne3A_132 = vector.broadcast %ne3A_131 : i32 to vector<128x128xi32>
    %ne3A_133 = arith.cmpi ne, %rem3A_130, %ne3A_132 : vector<128x128xi32>
    %lt3A_134 = arith.constant 0 : i32
    %lt3A_135 = vector.broadcast %lt3A_134 : i32 to vector<128x128xi32>
    %lt3A_136 = arith.cmpi slt, %rem3A_130, %lt3A_135 : vector<128x128xi32>
    %lt3A_137 = arith.constant 0 : i32
    %lt3A_138 = arith.cmpi slt, %select_n3A_128, %lt3A_137 : i32
    %ne3A_139 = vector.broadcast %lt3A_138 : i1 to vector<128x128xi1>
    %ne3A_140 = vector.broadcast %ne3A_139 : vector<128x128xi1> to vector<128x128xi1>
    %ne3A_141 = arith.xori %lt3A_136, %ne3A_140 : vector<128x128xi1>
    %and3A_142 = arith.andi %ne3A_141, %ne3A_133 : vector<128x128xi1>
    %add3A_143 = vector.broadcast %select_n3A_128 : i32 to vector<128x128xi32>
    %add3A_144 = arith.addi %rem3A_130, %add3A_143 : vector<128x128xi32>
    %select_n3A_145 = arith.select %and3A_142, %add3A_144, %rem3A_130 : vector<128x128xi1>, vector<128x128xi32>
    %eq3A_146 = arith.cmpi eq, %select_n3A_123, %select_n3A_145 : vector<128x128xi32>
    %and3A_147 = arith.andi %eq3A, %eq3A_146 : vector<128x128xi1>
    %convert_element_type3A = arith.extui %and3A_147 : vector<128x128xi1> to vector<128x128xi32>
    %convert_element_type3A_148 = arith.sitofp %convert_element_type3A : vector<128x128xi32> to vector<128x128xf32>
    %slice3A_149 = vector.extract_strided_slice %get3A_9 {offsets = [0, 0], sizes = [1, 128], strides = [1, 1]} : vector<2x128xf32> to vector<1x128xf32>
    %squeeze3A_150 = vector.shape_cast %slice3A_149 : vector<1x128xf32> to vector<128xf32>
    %broadcast_in_dim3A = vector.shape_cast %squeeze3A_150 : vector<128xf32> to vector<1x128xf32>
    %mul3A = vector.broadcast %broadcast_in_dim3A : vector<1x128xf32> to vector<640x128xf32>
    %mul3A_151 = arith.mulf %mul3A, %tanh3A : vector<640x128xf32>
    %slice3A_152 = vector.extract_strided_slice %get3A_12 {offsets = [0, 0], sizes = [1, 128], strides = [1, 1]} : vector<2x128xf32> to vector<1x128xf32>
    %squeeze3A_153 = vector.shape_cast %slice3A_152 : vector<1x128xf32> to vector<128xf32>
    %broadcast_in_dim3A_154 = vector.shape_cast %squeeze3A_153 : vector<128xf32> to vector<1x128xf32>
    %dot_general3A = arith.constant dense<0.000000e+00> : vector<640x128xf32>
    %dot_general3A_155 = tpu.matmul %tanh3A, %convert_element_type3A_148, %dot_general3A {dimension_numbers = #tpu.dot_dimension_numbers<[1], [0], [0], [1], [0, 0, 1, 1], [], []>, transpose_lhs_hint = false} : vector<640x128xf32>, vector<128x128xf32>, vector<640x128xf32> -> vector<640x128xf32>
    %mul3A_156 = vector.broadcast %broadcast_in_dim3A_154 : vector<1x128xf32> to vector<640x128xf32>
    %mul3A_157 = arith.mulf %mul3A_156, %dot_general3A_155 : vector<640x128xf32>
    %add3A_158 = arith.addf %mul3A_151, %mul3A_157 : vector<640x128xf32>
    %slice3A_159 = vector.extract_strided_slice %get3A_9 {offsets = [1, 0], sizes = [1, 128], strides = [1, 1]} : vector<2x128xf32> to vector<1x128xf32>
    %squeeze3A_160 = vector.shape_cast %slice3A_159 : vector<1x128xf32> to vector<128xf32>
    %broadcast_in_dim3A_161 = vector.shape_cast %squeeze3A_160 : vector<128xf32> to vector<1x128xf32>
    %mul3A_162 = vector.broadcast %broadcast_in_dim3A_161 : vector<1x128xf32> to vector<640x128xf32>
    %mul3A_163 = arith.mulf %mul3A_162, %add3A_158 : vector<640x128xf32>
    %slice3A_164 = vector.extract_strided_slice %get3A_12 {offsets = [1, 0], sizes = [1, 128], strides = [1, 1]} : vector<2x128xf32> to vector<1x128xf32>
    %squeeze3A_165 = vector.shape_cast %slice3A_164 : vector<1x128xf32> to vector<128xf32>
    %broadcast_in_dim3A_166 = vector.shape_cast %squeeze3A_165 : vector<128xf32> to vector<1x128xf32>
    %dot_general3A_167 = arith.constant dense<0.000000e+00> : vector<640x128xf32>
    %dot_general3A_168 = tpu.matmul %add3A_158, %convert_element_type3A_148, %dot_general3A_167 {dimension_numbers = #tpu.dot_dimension_numbers<[1], [0], [0], [1], [0, 0, 1, 1], [], []>, transpose_lhs_hint = false} : vector<640x128xf32>, vector<128x128xf32>, vector<640x128xf32> -> vector<640x128xf32>
    %mul3A_169 = vector.broadcast %broadcast_in_dim3A_166 : vector<1x128xf32> to vector<640x128xf32>
    %mul3A_170 = arith.mulf %mul3A_169, %dot_general3A_168 : vector<640x128xf32>
    %add3A_171 = arith.addf %mul3A_163, %mul3A_170 : vector<640x128xf32>
    %ge3A = arith.constant 0.000000e+00 : f32
    %ge3A_172 = vector.broadcast %ge3A : f32 to vector<640x128xf32>
    %ge3A_173 = arith.cmpf oge, %add3A_171, %ge3A_172 : vector<640x128xf32>
    %mul3A_174 = arith.constant 2.000000e-01 : f32
    %mul3A_175 = vector.broadcast %mul3A_174 : f32 to vector<640x128xf32>
    %mul3A_176 = arith.mulf %mul3A_175, %add3A_171 : vector<640x128xf32>
    %select_n3A_177 = arith.select %ge3A_173, %add3A_171, %mul3A_176 : vector<640x128xi1>, vector<640x128xf32>
    %get3A_178 = arith.constant 0 : index
    %get3A_179 = arith.constant 0 : index
    %get3A_180 = vector.load %arg5[%get3A_178, %get3A_179] : memref<8x640xi32, #tpu.memory_space<vmem>>, vector<8x640xi32>
    %iota3A_181 = tpu.iota {dimensions = array<i32: 0>} : vector<64x640xi32>
    %broadcast_in_dim3A_182 = arith.constant 0.000000e+00 : f32
    %broadcast_in_dim3A_183 = vector.broadcast %broadcast_in_dim3A_182 : f32 to vector<64x16xf32>
    %broadcast_in_dim3A_184 = arith.constant 0.000000e+00 : f32
    %broadcast_in_dim3A_185 = vector.broadcast %broadcast_in_dim3A_184 : f32 to vector<64x640xf32>
    %slice3A_186 = vector.extract_strided_slice %get3A_180 {offsets = [0, 0], sizes = [1, 640], strides = [1, 1]} : vector<8x640xi32> to vector<1x640xi32>
    %squeeze3A_187 = vector.shape_cast %slice3A_186 : vector<1x640xi32> to vector<640xi32>
    %broadcast_in_dim3A_188 = vector.shape_cast %squeeze3A_187 : vector<640xi32> to vector<1x640xi32>
    %eq3A_189 = vector.broadcast %broadcast_in_dim3A_188 : vector<1x640xi32> to vector<64x640xi32>
    %eq3A_190 = arith.cmpi eq, %iota3A_181, %eq3A_189 : vector<64x640xi32>
    %convert_element_type3A_191 = arith.extui %eq3A_190 : vector<64x640xi1> to vector<64x640xi32>
    %convert_element_type3A_192 = arith.sitofp %convert_element_type3A_191 : vector<64x640xi32> to vector<64x640xf32>
    %slice3A_193 = vector.extract_strided_slice %select_n3A_177 {offsets = [0, 0], sizes = [640, 16], strides = [1, 1]} : vector<640x128xf32> to vector<640x16xf32>
    %dot_general3A_194 = arith.constant dense<0.000000e+00> : vector<64x16xf32>
    %dot_general3A_195 = tpu.matmul %convert_element_type3A_192, %slice3A_193, %dot_general3A_194 {dimension_numbers = #tpu.dot_dimension_numbers<[1], [0], [0], [1], [0, 0, 1, 1], [], []>, transpose_lhs_hint = false} : vector<64x640xf32>, vector<640x16xf32>, vector<64x16xf32> -> vector<64x16xf32>
    %add3A_196 = arith.addf %broadcast_in_dim3A_183, %dot_general3A_195 : vector<64x16xf32>
    %add3A_197 = arith.addf %broadcast_in_dim3A_185, %convert_element_type3A_192 : vector<64x640xf32>
    %slice3A_198 = vector.extract_strided_slice %get3A_180 {offsets = [1, 0], sizes = [1, 640], strides = [1, 1]} : vector<8x640xi32> to vector<1x640xi32>
    %squeeze3A_199 = vector.shape_cast %slice3A_198 : vector<1x640xi32> to vector<640xi32>
    %broadcast_in_dim3A_200 = vector.shape_cast %squeeze3A_199 : vector<640xi32> to vector<1x640xi32>
    %eq3A_201 = vector.broadcast %broadcast_in_dim3A_200 : vector<1x640xi32> to vector<64x640xi32>
    %eq3A_202 = arith.cmpi eq, %iota3A_181, %eq3A_201 : vector<64x640xi32>
    %convert_element_type3A_203 = arith.extui %eq3A_202 : vector<64x640xi1> to vector<64x640xi32>
    %convert_element_type3A_204 = arith.sitofp %convert_element_type3A_203 : vector<64x640xi32> to vector<64x640xf32>
    %slice3A_205 = vector.extract_strided_slice %select_n3A_177 {offsets = [0, 16], sizes = [640, 16], strides = [1, 1]} : vector<640x128xf32> to vector<640x16xf32>
    %dot_general3A_206 = arith.constant dense<0.000000e+00> : vector<64x16xf32>
    %dot_general3A_207 = tpu.matmul %convert_element_type3A_204, %slice3A_205, %dot_general3A_206 {dimension_numbers = #tpu.dot_dimension_numbers<[1], [0], [0], [1], [0, 0, 1, 1], [], []>, transpose_lhs_hint = false} : vector<64x640xf32>, vector<640x16xf32>, vector<64x16xf32> -> vector<64x16xf32>
    %add3A_208 = arith.addf %add3A_196, %dot_general3A_207 : vector<64x16xf32>
    %add3A_209 = arith.addf %add3A_197, %convert_element_type3A_204 : vector<64x640xf32>
    %slice3A_210 = vector.extract_strided_slice %get3A_180 {offsets = [2, 0], sizes = [1, 640], strides = [1, 1]} : vector<8x640xi32> to vector<1x640xi32>
    %squeeze3A_211 = vector.shape_cast %slice3A_210 : vector<1x640xi32> to vector<640xi32>
    %broadcast_in_dim3A_212 = vector.shape_cast %squeeze3A_211 : vector<640xi32> to vector<1x640xi32>
    %eq3A_213 = vector.broadcast %broadcast_in_dim3A_212 : vector<1x640xi32> to vector<64x640xi32>
    %eq3A_214 = arith.cmpi eq, %iota3A_181, %eq3A_213 : vector<64x640xi32>
    %convert_element_type3A_215 = arith.extui %eq3A_214 : vector<64x640xi1> to vector<64x640xi32>
    %convert_element_type3A_216 = arith.sitofp %convert_element_type3A_215 : vector<64x640xi32> to vector<64x640xf32>
    %slice3A_217 = vector.extract_strided_slice %select_n3A_177 {offsets = [0, 32], sizes = [640, 16], strides = [1, 1]} : vector<640x128xf32> to vector<640x16xf32>
    %dot_general3A_218 = arith.constant dense<0.000000e+00> : vector<64x16xf32>
    %dot_general3A_219 = tpu.matmul %convert_element_type3A_216, %slice3A_217, %dot_general3A_218 {dimension_numbers = #tpu.dot_dimension_numbers<[1], [0], [0], [1], [0, 0, 1, 1], [], []>, transpose_lhs_hint = false} : vector<64x640xf32>, vector<640x16xf32>, vector<64x16xf32> -> vector<64x16xf32>
    %add3A_220 = arith.addf %add3A_208, %dot_general3A_219 : vector<64x16xf32>
    %add3A_221 = arith.addf %add3A_209, %convert_element_type3A_216 : vector<64x640xf32>
    %slice3A_222 = vector.extract_strided_slice %get3A_180 {offsets = [3, 0], sizes = [1, 640], strides = [1, 1]} : vector<8x640xi32> to vector<1x640xi32>
    %squeeze3A_223 = vector.shape_cast %slice3A_222 : vector<1x640xi32> to vector<640xi32>
    %broadcast_in_dim3A_224 = vector.shape_cast %squeeze3A_223 : vector<640xi32> to vector<1x640xi32>
    %eq3A_225 = vector.broadcast %broadcast_in_dim3A_224 : vector<1x640xi32> to vector<64x640xi32>
    %eq3A_226 = arith.cmpi eq, %iota3A_181, %eq3A_225 : vector<64x640xi32>
    %convert_element_type3A_227 = arith.extui %eq3A_226 : vector<64x640xi1> to vector<64x640xi32>
    %convert_element_type3A_228 = arith.sitofp %convert_element_type3A_227 : vector<64x640xi32> to vector<64x640xf32>
    %slice3A_229 = vector.extract_strided_slice %select_n3A_177 {offsets = [0, 48], sizes = [640, 16], strides = [1, 1]} : vector<640x128xf32> to vector<640x16xf32>
    %dot_general3A_230 = arith.constant dense<0.000000e+00> : vector<64x16xf32>
    %dot_general3A_231 = tpu.matmul %convert_element_type3A_228, %slice3A_229, %dot_general3A_230 {dimension_numbers = #tpu.dot_dimension_numbers<[1], [0], [0], [1], [0, 0, 1, 1], [], []>, transpose_lhs_hint = false} : vector<64x640xf32>, vector<640x16xf32>, vector<64x16xf32> -> vector<64x16xf32>
    %add3A_232 = arith.addf %add3A_220, %dot_general3A_231 : vector<64x16xf32>
    %add3A_233 = arith.addf %add3A_221, %convert_element_type3A_228 : vector<64x640xf32>
    %slice3A_234 = vector.extract_strided_slice %get3A_180 {offsets = [4, 0], sizes = [1, 640], strides = [1, 1]} : vector<8x640xi32> to vector<1x640xi32>
    %squeeze3A_235 = vector.shape_cast %slice3A_234 : vector<1x640xi32> to vector<640xi32>
    %broadcast_in_dim3A_236 = vector.shape_cast %squeeze3A_235 : vector<640xi32> to vector<1x640xi32>
    %eq3A_237 = vector.broadcast %broadcast_in_dim3A_236 : vector<1x640xi32> to vector<64x640xi32>
    %eq3A_238 = arith.cmpi eq, %iota3A_181, %eq3A_237 : vector<64x640xi32>
    %convert_element_type3A_239 = arith.extui %eq3A_238 : vector<64x640xi1> to vector<64x640xi32>
    %convert_element_type3A_240 = arith.sitofp %convert_element_type3A_239 : vector<64x640xi32> to vector<64x640xf32>
    %slice3A_241 = vector.extract_strided_slice %select_n3A_177 {offsets = [0, 64], sizes = [640, 16], strides = [1, 1]} : vector<640x128xf32> to vector<640x16xf32>
    %dot_general3A_242 = arith.constant dense<0.000000e+00> : vector<64x16xf32>
    %dot_general3A_243 = tpu.matmul %convert_element_type3A_240, %slice3A_241, %dot_general3A_242 {dimension_numbers = #tpu.dot_dimension_numbers<[1], [0], [0], [1], [0, 0, 1, 1], [], []>, transpose_lhs_hint = false} : vector<64x640xf32>, vector<640x16xf32>, vector<64x16xf32> -> vector<64x16xf32>
    %add3A_244 = arith.addf %add3A_232, %dot_general3A_243 : vector<64x16xf32>
    %add3A_245 = arith.addf %add3A_233, %convert_element_type3A_240 : vector<64x640xf32>
    %slice3A_246 = vector.extract_strided_slice %get3A_180 {offsets = [5, 0], sizes = [1, 640], strides = [1, 1]} : vector<8x640xi32> to vector<1x640xi32>
    %squeeze3A_247 = vector.shape_cast %slice3A_246 : vector<1x640xi32> to vector<640xi32>
    %broadcast_in_dim3A_248 = vector.shape_cast %squeeze3A_247 : vector<640xi32> to vector<1x640xi32>
    %eq3A_249 = vector.broadcast %broadcast_in_dim3A_248 : vector<1x640xi32> to vector<64x640xi32>
    %eq3A_250 = arith.cmpi eq, %iota3A_181, %eq3A_249 : vector<64x640xi32>
    %convert_element_type3A_251 = arith.extui %eq3A_250 : vector<64x640xi1> to vector<64x640xi32>
    %convert_element_type3A_252 = arith.sitofp %convert_element_type3A_251 : vector<64x640xi32> to vector<64x640xf32>
    %slice3A_253 = vector.extract_strided_slice %select_n3A_177 {offsets = [0, 80], sizes = [640, 16], strides = [1, 1]} : vector<640x128xf32> to vector<640x16xf32>
    %dot_general3A_254 = arith.constant dense<0.000000e+00> : vector<64x16xf32>
    %dot_general3A_255 = tpu.matmul %convert_element_type3A_252, %slice3A_253, %dot_general3A_254 {dimension_numbers = #tpu.dot_dimension_numbers<[1], [0], [0], [1], [0, 0, 1, 1], [], []>, transpose_lhs_hint = false} : vector<64x640xf32>, vector<640x16xf32>, vector<64x16xf32> -> vector<64x16xf32>
    %add3A_256 = arith.addf %add3A_244, %dot_general3A_255 : vector<64x16xf32>
    %add3A_257 = arith.addf %add3A_245, %convert_element_type3A_252 : vector<64x640xf32>
    %slice3A_258 = vector.extract_strided_slice %get3A_180 {offsets = [6, 0], sizes = [1, 640], strides = [1, 1]} : vector<8x640xi32> to vector<1x640xi32>
    %squeeze3A_259 = vector.shape_cast %slice3A_258 : vector<1x640xi32> to vector<640xi32>
    %broadcast_in_dim3A_260 = vector.shape_cast %squeeze3A_259 : vector<640xi32> to vector<1x640xi32>
    %eq3A_261 = vector.broadcast %broadcast_in_dim3A_260 : vector<1x640xi32> to vector<64x640xi32>
    %eq3A_262 = arith.cmpi eq, %iota3A_181, %eq3A_261 : vector<64x640xi32>
    %convert_element_type3A_263 = arith.extui %eq3A_262 : vector<64x640xi1> to vector<64x640xi32>
    %convert_element_type3A_264 = arith.sitofp %convert_element_type3A_263 : vector<64x640xi32> to vector<64x640xf32>
    %slice3A_265 = vector.extract_strided_slice %select_n3A_177 {offsets = [0, 96], sizes = [640, 16], strides = [1, 1]} : vector<640x128xf32> to vector<640x16xf32>
    %dot_general3A_266 = arith.constant dense<0.000000e+00> : vector<64x16xf32>
    %dot_general3A_267 = tpu.matmul %convert_element_type3A_264, %slice3A_265, %dot_general3A_266 {dimension_numbers = #tpu.dot_dimension_numbers<[1], [0], [0], [1], [0, 0, 1, 1], [], []>, transpose_lhs_hint = false} : vector<64x640xf32>, vector<640x16xf32>, vector<64x16xf32> -> vector<64x16xf32>
    %add3A_268 = arith.addf %add3A_256, %dot_general3A_267 : vector<64x16xf32>
    %add3A_269 = arith.addf %add3A_257, %convert_element_type3A_264 : vector<64x640xf32>
    %slice3A_270 = vector.extract_strided_slice %get3A_180 {offsets = [7, 0], sizes = [1, 640], strides = [1, 1]} : vector<8x640xi32> to vector<1x640xi32>
    %squeeze3A_271 = vector.shape_cast %slice3A_270 : vector<1x640xi32> to vector<640xi32>
    %broadcast_in_dim3A_272 = vector.shape_cast %squeeze3A_271 : vector<640xi32> to vector<1x640xi32>
    %eq3A_273 = vector.broadcast %broadcast_in_dim3A_272 : vector<1x640xi32> to vector<64x640xi32>
    %eq3A_274 = arith.cmpi eq, %iota3A_181, %eq3A_273 : vector<64x640xi32>
    %convert_element_type3A_275 = arith.extui %eq3A_274 : vector<64x640xi1> to vector<64x640xi32>
    %convert_element_type3A_276 = arith.sitofp %convert_element_type3A_275 : vector<64x640xi32> to vector<64x640xf32>
    %slice3A_277 = vector.extract_strided_slice %select_n3A_177 {offsets = [0, 112], sizes = [640, 16], strides = [1, 1]} : vector<640x128xf32> to vector<640x16xf32>
    %dot_general3A_278 = arith.constant dense<0.000000e+00> : vector<64x16xf32>
    %dot_general3A_279 = tpu.matmul %convert_element_type3A_276, %slice3A_277, %dot_general3A_278 {dimension_numbers = #tpu.dot_dimension_numbers<[1], [0], [0], [1], [0, 0, 1, 1], [], []>, transpose_lhs_hint = false} : vector<64x640xf32>, vector<640x16xf32>, vector<64x16xf32> -> vector<64x16xf32>
    %add3A_280 = arith.addf %add3A_268, %dot_general3A_279 : vector<64x16xf32>
    %add3A_281 = arith.addf %add3A_269, %convert_element_type3A_276 : vector<64x640xf32>
    %broadcast_in_dim3A_282 = arith.constant 1.000000e+00 : f32
    %broadcast_in_dim3A_283 = vector.broadcast %broadcast_in_dim3A_282 : f32 to vector<640x16xf32>
    %dot_general3A_284 = arith.constant dense<0.000000e+00> : vector<64x16xf32>
    %dot_general3A_285 = tpu.matmul %add3A_281, %broadcast_in_dim3A_283, %dot_general3A_284 {dimension_numbers = #tpu.dot_dimension_numbers<[1], [0], [0], [1], [0, 0, 1, 1], [], []>, transpose_lhs_hint = false} : vector<64x640xf32>, vector<640x16xf32>, vector<64x16xf32> -> vector<64x16xf32>
    %eq3A_286 = arith.constant 0 : i32
    %eq3A_287 = arith.cmpi eq, %arg0, %eq3A_286 : i32
    %convert_element_type3A_288 = arith.extui %eq3A_287 : i1 to i32
    %cond3A = arith.constant 0 : i32
    %cond3A_289 = arith.cmpi ne, %convert_element_type3A_288, %cond3A : i32
    scf.if %cond3A_289 {
      %broadcast_in_dim3A_308 = arith.constant 0.000000e+00 : f32
      %broadcast_in_dim3A_309 = vector.broadcast %broadcast_in_dim3A_308 : f32 to vector<64x16xf32>
      %swap3A_310 = arith.constant 0 : index
      %swap3A_311 = arith.constant 0 : index
      %swap3A_312 = vector.load %arg9[%swap3A_310, %swap3A_311] : memref<64x16xf32, #tpu.memory_space<vmem>>, vector<64x16xf32>
      tpu.vector_store %arg9[%swap3A_310, %swap3A_311], %broadcast_in_dim3A_309 {strides = array<i32>} : memref<64x16xf32, #tpu.memory_space<vmem>>, vector<64x16xf32>,
      %broadcast_in_dim3A_313 = arith.constant 0.000000e+00 : f32
      %broadcast_in_dim3A_314 = vector.broadcast %broadcast_in_dim3A_313 : f32 to vector<64x16xf32>
      %swap3A_315 = arith.constant 0 : index
      %swap3A_316 = arith.constant 0 : index
      %swap3A_317 = vector.load %arg10[%swap3A_315, %swap3A_316] : memref<64x16xf32, #tpu.memory_space<vmem>>, vector<64x16xf32>
      tpu.vector_store %arg10[%swap3A_315, %swap3A_316], %broadcast_in_dim3A_314 {strides = array<i32>} : memref<64x16xf32, #tpu.memory_space<vmem>>, vector<64x16xf32>,
    } else {
    }
    %get3A_290 = arith.constant 0 : index
    %get3A_291 = arith.constant 0 : index
    %get3A_292 = vector.load %arg9[%get3A_290, %get3A_291] : memref<64x16xf32, #tpu.memory_space<vmem>>, vector<64x16xf32>
    %add3A_293 = arith.addf %get3A_292, %add3A_280 : vector<64x16xf32>
    %swap3A = arith.constant 0 : index
    %swap3A_294 = arith.constant 0 : index
    %swap3A_295 = vector.load %arg9[%swap3A, %swap3A_294] : memref<64x16xf32, #tpu.memory_space<vmem>>, vector<64x16xf32>
    tpu.vector_store %arg9[%swap3A, %swap3A_294], %add3A_293 {strides = array<i32>} : memref<64x16xf32, #tpu.memory_space<vmem>>, vector<64x16xf32>,
    %get3A_296 = arith.constant 0 : index
    %get3A_297 = arith.constant 0 : index
    %get3A_298 = vector.load %arg10[%get3A_296, %get3A_297] : memref<64x16xf32, #tpu.memory_space<vmem>>, vector<64x16xf32>
    %add3A_299 = arith.addf %get3A_298, %dot_general3A_285 : vector<64x16xf32>
    %swap3A_300 = arith.constant 0 : index
    %swap3A_301 = arith.constant 0 : index
    %swap3A_302 = vector.load %arg10[%swap3A_300, %swap3A_301] : memref<64x16xf32, #tpu.memory_space<vmem>>, vector<64x16xf32>
    tpu.vector_store %arg10[%swap3A_300, %swap3A_301], %add3A_299 {strides = array<i32>} : memref<64x16xf32, #tpu.memory_space<vmem>>, vector<64x16xf32>,
    %eq3A_303 = arith.constant 1 : i32
    %eq3A_304 = arith.cmpi eq, %arg0, %eq3A_303 : i32
    %convert_element_type3A_305 = arith.extui %eq3A_304 : i1 to i32
    %cond3A_306 = arith.constant 0 : i32
    %cond3A_307 = arith.cmpi ne, %convert_element_type3A_305, %cond3A_306 : i32
    scf.if %cond3A_307 {
      %get3A_308 = arith.constant 0 : index
      %get3A_309 = arith.constant 0 : index
      %get3A_310 = vector.load %arg9[%get3A_308, %get3A_309] : memref<64x16xf32, #tpu.memory_space<vmem>>, vector<64x16xf32>
      %get3A_311 = arith.constant 0 : index
      %get3A_312 = arith.constant 0 : index
      %get3A_313 = vector.load %arg10[%get3A_311, %get3A_312] : memref<64x16xf32, #tpu.memory_space<vmem>>, vector<64x16xf32>
      %max3A_314 = arith.constant 1.000000e+00 : f32
      %max3A_315 = vector.broadcast %max3A_314 : f32 to vector<64x16xf32>
      %max3A_316 = arith.maximumf %get3A_313, %max3A_315 : vector<64x16xf32>
      %div3A_317 = arith.divf %get3A_310, %max3A_316 : vector<64x16xf32>
      %get3A_318 = arith.constant 0 : index
      %get3A_319 = arith.constant 0 : index
      %get3A_320 = vector.load %arg6[%get3A_318, %get3A_319] : memref<16x10xf32, #tpu.memory_space<vmem>>, vector<16x10xf32>
      %dot_general3A_321 = arith.constant dense<0.000000e+00> : vector<64x10xf32>
      %dot_general3A_322 = tpu.matmul %div3A_317, %get3A_320, %dot_general3A_321 {dimension_numbers = #tpu.dot_dimension_numbers<[1], [0], [0], [1], [0, 0, 1, 1], [], []>, transpose_lhs_hint = false} : vector<64x16xf32>, vector<16x10xf32>, vector<64x10xf32> -> vector<64x10xf32>
      %get3A_323 = arith.constant 0 : index
      %get3A_324 = arith.constant 0 : index
      %get3A_325 = vector.load %arg7[%get3A_323, %get3A_324] : memref<1x10xf32, #tpu.memory_space<vmem>>, vector<1x10xf32>
      %add3A_326 = vector.broadcast %get3A_325 : vector<1x10xf32> to vector<64x10xf32>
      %add3A_327 = arith.addf %dot_general3A_322, %add3A_326 : vector<64x10xf32>
      %swap3A_328 = arith.constant 0 : index
      %swap3A_329 = arith.constant 0 : index
      %swap3A_330 = vector.load %arg8[%swap3A_328, %swap3A_329] : memref<64x10xf32, #tpu.memory_space<vmem>>, vector<64x10xf32>
      tpu.vector_store %arg8[%swap3A_328, %swap3A_329], %add3A_327 {strides = array<i32>} : memref<64x10xf32, #tpu.memory_space<vmem>>, vector<64x10xf32>,
    } else {
    }
    return
  }
  func.func @transform_0(%arg0: i32) -> (i32, i32, i32) {
    %c0_i32 = arith.constant 0 : i32
    %c0_i32_0 = arith.constant 0 : i32
    %c0_i32_1 = arith.constant 0 : i32
    return %c0_i32, %arg0, %c0_i32_0 : i32, i32, i32
  }
  func.func @transform_1(%arg0: i32) -> (i32, i32, i32) {
    %c0_i32 = arith.constant 0 : i32
    %c0_i32_0 = arith.constant 0 : i32
    %c0_i32_1 = arith.constant 0 : i32
    return %c0_i32, %arg0, %c0_i32_0 : i32, i32, i32
  }
  func.func @transform_2(%arg0: i32) -> (i32, i32) {
    %c0_i32 = arith.constant 0 : i32
    %c0_i32_0 = arith.constant 0 : i32
    %c0_i32_1 = arith.constant 0 : i32
    return %c0_i32, %c0_i32_0 : i32, i32
  }
  func.func @transform_3(%arg0: i32) -> (i32, i32) {
    %c0_i32 = arith.constant 0 : i32
    %c0_i32_0 = arith.constant 0 : i32
    %c0_i32_1 = arith.constant 0 : i32
    return %c0_i32, %c0_i32_0 : i32, i32
  }
  func.func @transform_4(%arg0: i32) -> (i32, i32) {
    %c0_i32 = arith.constant 0 : i32
    %c0_i32_0 = arith.constant 0 : i32
    return %c0_i32, %arg0 : i32, i32
  }
  func.func @transform_5(%arg0: i32) -> (i32, i32) {
    %c0_i32 = arith.constant 0 : i32
    %c0_i32_0 = arith.constant 0 : i32
    %c0_i32_1 = arith.constant 0 : i32
    return %c0_i32, %c0_i32_0 : i32, i32
  }
  func.func @transform_6(%arg0: i32) -> (i32, i32) {
    %c0_i32 = arith.constant 0 : i32
    %c0_i32_0 = arith.constant 0 : i32
    %c0_i32_1 = arith.constant 0 : i32
    return %c0_i32, %c0_i32_0 : i32, i32
  }
  func.func @transform_7(%arg0: i32) -> (i32, i32) {
    %c0_i32 = arith.constant 0 : i32
    %c0_i32_0 = arith.constant 0 : i32
    %c0_i32_1 = arith.constant 0 : i32
    return %c0_i32, %c0_i32_0 : i32, i32
  }
}

</mosaic_0001>

<sc_bundles>
// kernel: kernel.10.cloned.1.call-start
scs
__scs_entry_jumppad:
0x0: {  	(pc) =	sbr.rel $0x88, $3  }
0x1: {  	(tag) =	ssettag $0x0;
	lr =	simm.s32 $0x1  }
0x2: {  	[smem:$0x3F98] =	sst lr;
	_ =	strace $0xD0000000  }
0x3: {  	_ = 	snop  }
0x4: {  	_ = 	snop  }
0x5: {  	_ = 	snop  }
0x6: {  	_ = 	snop  }
0x7: {  	_ = 	snop  }
__scs_overlays_trampoline_lowered:
0x8: {  	[smem:$0x3FA7] =	sst s0  }
0x9: {  	[smem:$0x3FA8] =	sst s1  }
0xa: {  	[smem:$0x3FA9] =	sst s2  }
0xb: {  	[smem:$0x3FAA] =	sst s3  }
0xc: {  	[smem:$0x3FAB] =	sst s4  }
0xd: {  	[smem:$0x3FAC] =	sst s5  }
0xe: {  	[smem:$0x3FAD] =	sst s6  }
0xf: {  	[smem:$0x3FAE] =	sst s7  }
0x10: {  	[smem:$0x3FAF] =	sst s8  }
0x11: {  	[smem:$0x3FB0] =	sst s9;
	s0 =	simm.s32 @!p0 $0x0  }
0x12: {  	s1 =	sld [smem:$0x3F96];
	s0 =	simm.s32 @p0 $0x1  }
0x13: {  	[smem:$0x3FB1] =	sst s0;
	s0 =	simm.s32 @!p1 $0x0  }
0x14: {  	s2 =	sld [smem:$0x3F95];
	s0 =	simm.s32 @p1 $0x1  }
0x15: {  	[smem:$0x3FB2] =	sst s0;
	s0 =	simm.s32 @!p2 $0x0  }
0x16: {  	s3 =	sld [smem:$0x3FDB];
	s0 =	simm.s32 @p2 $0x1  }
0x17: {  	s4 =	simm.s32 $0x1BF5;
	[smem:$0x3FB4] =	sst s0  }
0x18: {  	s0 =	sld [smem:$0x3F97];
	_ =	swait.ge [sflag:s4], $0x0  }
0x19: {  	s7 =	sld [smem:$0x3F98]  }
0x1a: {  	s8 =	sadd.s32 $0xFFFFE003, lr  }
0x1b: {  	s9 =	sadd.s32 $0xFFFFFEF7, lr;
	s5 =	simm.s32 $0xFFFFFFFF;
	p2 =	slt.u32 s8, $0xFFFFF086  }
0x1c: {  	p1 =	slt.u32 s9, $0xF7A;
	s5 =	simm.s32 @!p2 $0x0  }
0x1d: {  	s5 =	simm.s32 @p1 $0x1;
	p0 =	seq.s32 s7, s2  }
0x1e: {  	s7 =	smul.u32 @!p0 $0xF7A, s2;
	p2 =	seq.s32 @!p0 s5, $0x0  }
0x1f: {  	s9 =	smul.u32 $0xF7A, s1;
	s8 =	simm.s32 @!p0 $0x1BF5;
	p2 =	por !p2, p0  }
0x20: {  	[sflag:s8] =	ssyncset.s32 @!p0 $0xFFFFF086;
	s6 =	sadd.s32 @!p0 s3, s7;
	s7 =	simm.s32 @!p0 $0x108  }
0x21: {  	s3 =	sadd.s32 s3, s9;
	s6 =	sadd.s32 @!p0 $0x88, s6;
	s7 =	simm.s32 @p2 $0x1082  }
0x22: {  	[simem:s7], [sflag:s8] =	dma.local @!p0 [hbm:s6], $0xF7A  }
0x23: {  	s9 =	sor.u32 $0xD0000000, s2;
	s6 =	simm.s32 $0x108;
	_ =	swait.ge @!p0 [sflag:s8], $0x0  }
0x24: {  	s3 =	sadd.s32 $0x88, s3;
	s6 =	simm.s32 @!p1 $0x1082;
	[sflag:s4] =	ssyncset.s32 $0xFFFFF086  }
0x25: {  	[simem:s6], [sflag:s4] =	dma.local [hbm:s3], $0xF7A  }
0x26: {  	[smem:$0x3F98] =	sst s1;
	(tag) =	ssettag s2;
	_ =	strace s9  }
0x27: {  	s1 =	sld [smem:$0x3FA8]  }
0x28: {  	s2 =	sld [smem:$0x3FA9]  }
0x29: {  	s4 =	sld [smem:$0x3FAB]  }
0x2a: {  	p0 =	seq.s32 s5, $0x0;
	s5 =	sld [smem:$0x3FAC]  }
0x2b: {  	s6 =	sld [smem:$0x3FAD]  }
0x2c: {  	s7 =	sld [smem:$0x3FAE]  }
0x2d: {  	s3 =	simm.s32 $0x108;
	s8 =	sld [smem:$0x3FAF]  }
0x2e: {  	s3 =	simm.s32 @!p0 $0x1082;
	s9 =	sld [smem:$0x3FB0]  }
0x2f: {  	lr =	sadd.s32 s0, s3;
	s0 =	sld [smem:$0x3FA7]  }
0x30: {  	s3 =	sld [smem:$0x3FAA]  }
0x31: {  	[smem:$0x3FB3] =	sst s10  }
0x32: {  	s10 =	sld [smem:$0x3FB1];
	_ =	sdelay $0x3  }
0x33: {  	p0 =	seq.s32 s10, $0x1;
	s10 =	sld [smem:$0x3FB3];
	_ =	sdelay $0x3  }
0x34: {  	[smem:$0x3FB3] =	sst s10  }
0x35: {  	s10 =	sld [smem:$0x3FB2];
	_ =	sdelay $0x3  }
0x36: {  	p1 =	seq.s32 s10, $0x1;
	s10 =	sld [smem:$0x3FB3];
	_ =	sdelay $0x3  }
0x37: {  	[smem:$0x3FB3] =	sst s10  }
0x38: {  	s10 =	sld [smem:$0x3FB4]  }
0x39: {  	_ = 	snop;
	(pc) =	sbr.ind lr, $3  }
0x3a: {  	_ = 	snop  }
0x3b: {  	_ = 	snop  }
0x3c: {  	p2 =	seq.s32 s10, $0x1;
	s10 =	sld [smem:$0x3FB3]  }
0x3d: {  	_ =	shalt  }
0x3e: {  	_ =	shalt  }
0x3f: {  	_ =	shalt  }
0x40: {  	_ =	shalt  }
0x41: {  	_ =	shalt  }
0x42: {  	_ =	shalt  }
0x43: {  	_ =	shalt  }
0x44: {  	_ =	shalt  }
0x45: {  	_ =	shalt  }
0x46: {  	_ =	shalt  }
0x47: {  	_ =	shalt  }
0x48: {  	_ =	shalt  }
0x49: {  	_ =	shalt  }
0x4a: {  	_ =	shalt  }
0x4b: {  	_ =	shalt  }
0x4c: {  	_ =	shalt  }
0x4d: {  	_ =	shalt  }
0x4e: {  	_ =	shalt  }
0x4f: {  	_ =	shalt  }
0x50: {  	_ =	shalt  }
0x51: {  	_ =	shalt  }
0x52: {  	_ =	shalt  }
0x53: {  	_ =	shalt  }
0x54: {  	_ =	shalt  }
0x55: {  	_ =	shalt  }
0x56: {  	_ =	shalt  }
0x57: {  	_ =	shalt  }
0x58: {  	_ =	shalt  }
0x59: {  	_ =	shalt  }
0x5a: {  	_ =	shalt  }
0x5b: {  	_ =	shalt  }
0x5c: {  	_ =	shalt  }
0x5d: {  	_ =	shalt  }
0x5e: {  	_ =	shalt  }
0x5f: {  	_ =	shalt  }
0x60: {  	_ =	shalt  }
0x61: {  	_ =	shalt  }
0x62: {  	_ =	shalt  }
0x63: {  	_ =	shalt  }
0x64: {  	_ =	shalt  }
0x65: {  	_ =	shalt  }
0x66: {  	_ =	shalt  }
0x67: {  	_ =	shalt  }
0x68: {  	_ =	shalt  }
0x69: {  	_ =	shalt  }
0x6a: {  	_ =	shalt  }
0x6b: {  	_ =	shalt  }
0x6c: {  	_ =	shalt  }
0x6d: {  	_ =	shalt  }
0x6e: {  	_ =	shalt  }
0x6f: {  	_ =	shalt  }
0x70: {  	_ =	shalt  }
0x71: {  	_ =	shalt  }
0x72: {  	_ =	shalt  }
0x73: {  	_ =	shalt  }
0x74: {  	_ =	shalt  }
0x75: {  	_ =	shalt  }
0x76: {  	_ =	shalt  }
0x77: {  	_ =	shalt  }
0x78: {  	_ =	shalt  }
0x79: {  	_ =	shalt  }
0x7a: {  	_ =	shalt  }
0x7b: {  	_ =	shalt  }
0x7c: {  	_ =	shalt  }
0x7d: {  	_ =	shalt  }
0x7e: {  	_ =	shalt  }
0x7f: {  	_ =	shalt  }
0x80: {  	_ =	shalt  }
0x81: {  	_ =	shalt  }
0x82: {  	_ =	shalt  }
0x83: {  	_ =	shalt  }
0x84: {  	_ =	shalt  }
0x85: {  	_ =	shalt  }
0x86: {  	_ =	shalt  }
0x87: {  	_ =	shalt  }
.Lfunc_end0:
.L_simem_size_0:
called_computation.1_lowered:
.L_overlay_start_0:
0x88: {  	s2 =	sld [smem:$0x3FD9]  }
0x89: {  	s3 =	sld [smem:$0x3FFE];
	_ =	sdelay $0x1  }
0x8a: {  	s1 =	srdreg.scid  }
0x8b: {  	s0 =	sand.u32 $0x1, s1  }
0x8c: {  	s16 =	sshll.u32 s0, $0xA;
	s2 =	sadd.s32 s3, s2  }
0x8d: {  	s2 =	sadd.s32 s2, s16  }
0x8e: {  	[smem:$0x3FBF] =	sst s2  }
0x8f: {  	_ = 	snop  }
0x90: {  	(tm) =	ssettm $0x1  }
0x91: {  	s17 =	sld [smem:$0x3FFB];
	_ =	sdelay $0x3  }
0x92: {  	_ =	strace s17  }
0x93: {  	s2 =	sld [smem:$0x3FFC];
	_ =	sdelay $0x3  }
0x94: {  	_ =	strace s2  }
0x95: {  	s2 =	sld [smem:$0x3FFD];
	_ =	sdelay $0x3  }
0x96: {  	_ =	strace s2  }
0x97: {  	_ =	strace $0x8FFFFFFF  }
0x98: {  	s18 =	sld [smem:$0x3FDB];
	_ =	sdelay $0x1  }
0x99: {  	s19 =	simm.s32 $_scs_section_size  }
0x9a: {  	s4 =	simm.s32 $_size__tile_overlayer_lowered;
	s5 =	simm.s32 $_tile_overlayer_lowered  }
0x9b: {  	s22 =	simm.s32 $0x1BFF;
	s21 =	sshll.u32 s5, $0x1;
	s2 =	sadd.s32 s19, s18  }
0x9c: {  	s6 =	simm.s32 $0x0;
	s20 =	sshll.u32 s4, $0x1;
	s4 =	sadd.s32 s21, s2  }
0x9d: {  	[timem:s6], [sflag:s22] =	dma.local [hbm:s4], s20  }
0x9e: {  	_ =	swait.ge [sflag:s22], s20  }
0x9f: {  	s3 =	ssub.s32 $0x0, s20;
	[sflag:s22] =	ssyncset.done $0x0  }
0xa0: {  	[sflag:s22] =	ssyncadd.s32 s3;
	_ =	sdelay $0x1  }
0xa1: {  	s23 =	simm.s32 $0x1B8B  }
0xa2: {  	_ =	swait.ge [sflag:s23], $0x1  }
0xa3: {  	[sflag:s23] =	ssyncset.done $0x0  }
0xa4: {  	s25 =	simm.s32 $0x1B8E;
	s24 =	sld [smem:$0x3FFE];
	[sflag:s23] =	ssyncadd.s32 $0xFFFFFFFF  }
0xa5: {  	s26 =	simm.s32 $execute0_lowered;
	[smem:$0x3FD2] =	sst s25  }
0xa6: {  	s4 =	sshll.u32 s26, $0x1;
	_ =	strace $0x80000049;
	[dreg:$0x1] =	wrdreg $0xFFFFFFFF  }
0xa7: {  	s28 =	simm.s32 $_size_execute0_lowered;
	s2 =	sadd.s32 s2, s4;
	[dreg:$0x0] =	wrdreg $0x0  }
0xa8: {  	s4 =	sshll.u32 s28, $0x1;
	[dreg:$0x2] =	wrdreg s2  }
0xa9: {  	[dreg:$0x3] =	wrdreg s4  }
0xaa: {  	[dreg:$0x4] =	wrdreg $0xC0  }
0xab: {  	_ =	task [dreg:s6], $0x5FFFF  }
0xac: {  	[dreg:$0x1] =	wrdreg $0xFFFFFFFF  }
0xad: {  	[dreg:$0x0] =	wrdreg $0x60  }
0xae: {  	[dreg:$0x2] =	wrdreg s24  }
0xaf: {  	[dreg:$0x3] =	wrdreg $0xCE200  }
0xb0: {  	[dreg:$0x4] =	wrdreg $0xF6200  }
0xb1: {  	[dreg:$0x5] =	wrdreg $0x9  }
0xb2: {  	_ =	task.clear_ibuf [dreg:s6], $0x6FFFF;
	_ =	strace $0x90000049  }
0xb3: {  	s29 =	simm.s32 $0x9;
	_ =	strace $0x8000004B  }
0xb4: {  	_ =	swait.ge [sflag:s29], $0x1  }
0xb5: {  	[sflag:s29] =	ssyncadd.s32 $0xFFFFFFFF  }
0xb6: {  	_ =	strace $0x9000004B  }
0xb7: {  	_ =	sfence  }
0xb8: {  	s30 =	sld [smem:$0x0];
	_ =	sdelay $0x2  }
0xb9: {  	s31 =	sshll.u32 s1, $0xD;
	s1 =	sshrl.u32 s1, $0x2  }
0xba: {  	s3 =	sand.u32 $0x4000, s31;
	s1 =	sadd.s32 s1, s30  }
0xbb: {  	s0 =	sor.u32 s3, s0;
	s1 =	sshll.u32 s1, $0x11  }
0xbc: {  	s0 =	sor.u32 s1, s0  }
0xbd: {  	s0 =	sadd.s32 $0x8F2B, s0  }
0xbe: {  	[sflag:s0] =	ssyncadd.remote.s32 $0x1  }
0xbf: {  	_ =	sfence.sel $0xFFFF  }
0xc0: {  	[dreg:$0x0] =	wrdreg $0xFFFFFFFF;
	(pc) =	sbr.abs _section_cstart, $3  }
0xc1: {  	[dreg:$0x1] =	wrdreg $0xFFFFFFFF  }
0xc2: {  	_ =	task.clear_ibuf [dreg:s6], $0x2FFFF;
	_ =	strace $0x9FFFFFFF  }
0xc3: {  	(tm) =	ssettm $0x7FFFFFFF  }
tec
execute0_lowered:
.L_overlay_start_1:
0x0: {  	(tag) =	ssettag $0x1  }
0x1: {  	s0 =	rddreg [dreg:$0x0];
	s10 =	stileid.u32  }
0x2: {  	s1 =	srdreg.scid;
	s2 =	rddreg [dreg:$0x1]  }
0x3: {  	s3 =	rddreg [dreg:$0x2];
	s13 =	simm.s32 $0x3;
	s16 =	simm.s32 $0x400  }
0x4: {  	s17 =	simm.s32 $0x4E20;
	s18 =	simm.s32 $0x1;
	s19 =	simm.s32 $0x80  }
0x5: {  	s20 =	simm.s32 $0x2;
	s23 =	simm.s32 $0x8E20;
	s24 =	simm.s32 $0x4D90  }
0x6: {  	s25 =	simm.s32 $0xB620;
	s26 =	simm.s32 $0x10;
	s28 =	simm.s32 $0x4E10  }
0x7: {  	s29 =	simm.s32 $0xBE20;
	s30 =	simm.s32 $0x0;
	s1 =	sand.u32 $0x1, s1  }
0x8: {  	s4 =	sshll.u32 s10, $0x1;
	s7 =	smul.u32 $0x2800, s10;
	s10 =	sshll.u32 s10, $0x6  }
0x9: {  	s5 =	sor.u32 s1, s4;
	s4 =	simm.s32 $0x0;
	s6 =	smul.u32 $0x28000, s1  }
0xa: {  	s1 =	ssub.s32 $0x2, s1;
	s5 =	smul.u32 $0x2710, s5;
	[smem:$0x7FF] =	sst s4  }
0xb: {  	s8 =	sshrl.u32 s7, $0x3;
	s31 =	sshrl.u32 s1, $0x1;
	s12 =	sadd.s32 s7, s2  }
0xc: {  	s14 =	sadd.s32 s7, s3;
	_ =	strace $0x8000004A;
	s8 =	sadd.s32 s8, s0  }
0xd: {  	s6 =	sadd.s32 s7, s6;
	s1 =	ssub.s32 s1, s31;
	s12 =	sshrl.u32 s12, $0x3  }
0xe: {  	s14 =	sshrl.u32 s14, $0x3;
	s5 =	sshrl.u32 s5, $0x3;
	s6 =	sshrl.u32 s6, $0x3  }
0xf: {  	s7 =	sadd.s32 $0x1BC00, s8;
	s11 =	smax.u32 s1, $0x1;
	s9 =	sadd.s32 s5, s0  }
0x10: {  	s5 =	sadd.s32 $0x1B400, s0;
	s0 =	sadd.s32 s6, s0;
	s6 =	sor.u32 $0x1C03, s10  }
0x11: {  	s8 =	sadd.s32 $0x2A00, s9;
	s9 =	sadd.s32 $0xC640, s9;
	s10 =	sadd.s32 $0x2FC00, s0  }
.LBB2_1:
0x12: {  	[spmem:s12], [sflag:s6] =	dma.local [hbm:s5], $0x500  }
0x13: {  	_ =	swait.ge [sflag:s13], $0x500  }
0x14: {  	[sflag:s13] =	ssyncset.done $0x0  }
0x15: {  	[sflag:s13] =	ssyncadd.s32 $0xFFFFFB00  }
0x16: {  	[spmem:s14], [sflag:s6] =	dma.local [hbm:s7], $0x500  }
0x17: {  	_ =	swait.ge [sflag:s13], $0x500  }
0x18: {  	[sflag:s13] =	ssyncset.done $0x0  }
0x19: {  	[sflag:s13] =	ssyncadd.s32 $0xFFFFFB00  }
0x1a: {  	[tilespmem:s4], [sflag:$0x3] =	stream.linear.gather [hbm4b:s8+s4], $0x2710, $0x38;
	[tilespmem:$0x11E20] =	vst v63  }
0x1b: {  	_ =	swait.ge [sflag:s13], $0x2710  }
0x1c: {  	[sflag:s13] =	ssyncset.done $0x0  }
0x1d: {  	s0 =	simm.s32 $0x2710;
	[sflag:s13] =	ssyncadd.s32 $0xFFFFD8F0  }
0x1e: {  	[tilespmem:s0], [sflag:$0x3] =	stream.linear.gather [hbm4b:s9+s4], $0x2710, $0x38;
	[tilespmem:$0x11E20] =	vst v63  }
0x1f: {  	_ =	swait.ge [sflag:s13], $0x2710  }
0x20: {  	[sflag:s13] =	ssyncset.done $0x0  }
0x21: {  	[sflag:s13] =	ssyncadd.s32 $0xFFFFD8F0  }
0x22: {  	[bflag:$0x0] =	sbarrier.arrive $0xFFFF  }
0x23: {  	[tilespmem:s17], [sflag:$0x1] =	stream.indirect.gather [spmem:s3], $0x10, s4, s16, $0xb8;
	[tilespmem:$0x11E20] =	vst v63  }
0x24: {  	s1 =	simm.s32 $0x0;
	_ =	swait.ge [sflag:s18], $0x4000  }
0x25: {  	s1 =	sand.u32 $0x4000, s1;
	[sflag:s18] =	ssyncset.done $0x0  }
0x26: {  	s22 =	simm.s32 $0x400;
	s31 =	ssub.s32 $0x8E20, s1;
	[sflag:s18] =	ssyncadd.s32 $0xFFFFC000  }
0x27: {  	[tilespmem:s31], [sflag:$0x1] =	stream.indirect.gather [spmem:s3], $0x10, s22, s16, $0xb8;
	[tilespmem:$0x11E20] =	vst v63  }
0x28: {  	s15 =	sadd.s32 $0x4E20, s1;
	s31 =	simm.s32 $0x2710  }
0x29: {  	[spmem:s2] =	stream.indirect.scatter.add.f32 [tilespmem:s15], [sflag:$0x2], $0x10, s31, s19, $0xb8;
	[tilespmem:$0x11E20] =	vst v63  }
0x2a: {  	s21 =	sadd.s32 $0x5620, s1;
	s31 =	simm.s32 $0x2790  }
0x2b: {  	[spmem:s2] =	stream.indirect.scatter.add.f32 [tilespmem:s21], [sflag:$0x2], $0x10, s31, s19, $0xb8;
	[tilespmem:$0x11E20] =	vst v63  }
0x2c: {  	s22 =	sadd.s32 $0x5E20, s1;
	s31 =	simm.s32 $0x2810  }
0x2d: {  	[spmem:s2] =	stream.indirect.scatter.add.f32 [tilespmem:s22], [sflag:$0x2], $0x10, s31, s19, $0xb8;
	[tilespmem:$0x11E20] =	vst v63  }
0x2e: {  	s15 =	sadd.s32 $0x6620, s1;
	s31 =	simm.s32 $0x2890  }
0x2f: {  	[spmem:s2] =	stream.indirect.scatter.add.f32 [tilespmem:s15], [sflag:$0x2], $0x10, s31, s19, $0xb8;
	[tilespmem:$0x11E20] =	vst v63  }
0x30: {  	s21 =	sadd.s32 $0x6E20, s1;
	s31 =	simm.s32 $0x2910  }
0x31: {  	[spmem:s2] =	stream.indirect.scatter.add.f32 [tilespmem:s21], [sflag:$0x2], $0x10, s31, s19, $0xb8;
	[tilespmem:$0x11E20] =	vst v63  }
0x32: {  	s22 =	sadd.s32 $0x7620, s1;
	s31 =	simm.s32 $0x2990  }
0x33: {  	[spmem:s2] =	stream.indirect.scatter.add.f32 [tilespmem:s22], [sflag:$0x2], $0x10, s31, s19, $0xb8;
	[tilespmem:$0x11E20] =	vst v63  }
0x34: {  	s15 =	sadd.s32 $0x7E20, s1;
	s31 =	simm.s32 $0x2A10  }
0x35: {  	[spmem:s2] =	stream.indirect.scatter.add.f32 [tilespmem:s15], [sflag:$0x2], $0x10, s31, s19, $0xb8;
	[tilespmem:$0x11E20] =	vst v63  }
0x36: {  	s21 =	sor.u32 $0x8620, s1;
	s22 =	simm.s32 $0x2A90  }
0x37: {  	[spmem:s2] =	stream.indirect.scatter.add.f32 [tilespmem:s21], [sflag:$0x2], $0x10, s22, s19, $0xb8;
	[tilespmem:$0x11E20] =	vst v63  }
0x38: {  	_ =	swait.ge [sflag:s20], $0x800  }
0x39: {  	[sflag:s20] =	ssyncset.done $0x0  }
0x3a: {  	[sflag:s20] =	ssyncadd.s32 $0xFFFFF800  }
0x3b: {  	_ =	swait.ge [sflag:s20], $0x800  }
0x3c: {  	[sflag:s20] =	ssyncset.done $0x0  }
0x3d: {  	[sflag:s20] =	ssyncadd.s32 $0xFFFFF800  }
0x3e: {  	_ =	swait.ge [sflag:s20], $0x800  }
0x3f: {  	[sflag:s20] =	ssyncset.done $0x0  }
0x40: {  	[sflag:s20] =	ssyncadd.s32 $0xFFFFF800  }
0x41: {  	_ =	swait.ge [sflag:s20], $0x800  }
0x42: {  	[sflag:s20] =	ssyncset.done $0x0  }
0x43: {  	[sflag:s20] =	ssyncadd.s32 $0xFFFFF800  }
0x44: {  	_ =	swait.ge [sflag:s20], $0x800  }
0x45: {  	[sflag:s20] =	ssyncset.done $0x0  }
0x46: {  	[sflag:s20] =	ssyncadd.s32 $0xFFFFF800  }
0x47: {  	_ =	swait.ge [sflag:s20], $0x800  }
0x48: {  	[sflag:s20] =	ssyncset.done $0x0  }
0x49: {  	[sflag:s20] =	ssyncadd.s32 $0xFFFFF800  }
0x4a: {  	_ =	swait.ge [sflag:s20], $0x800  }
0x4b: {  	[sflag:s20] =	ssyncset.done $0x0  }
0x4c: {  	[sflag:s20] =	ssyncadd.s32 $0xFFFFF800  }
0x4d: {  	_ =	swait.ge [sflag:s20], $0x800  }
0x4e: {  	s1 =	simm.s32 $0x0;
	s31 =	simm.s32 $0x1000;
	[sflag:s20] =	ssyncset.done $0x0  }
.LBB2_2:
0x4f: {  	p0 =	sne.s32 s31, $0x7000  }
0x50: {  	s1 =	sadd.s32 $0x1, s1;
	[sflag:s20] =	ssyncadd.s32 $0xFFFFF800;
	s0 =	smov.u32 s31  }
0x51: {  	s31 =	sadd.s32 $0x1000, s31;
	_ =	swait.ge [sflag:s18], $0x4000;
	s15 =	sshll.u32 s1, $0xE  }
0x52: {  	s0 =	sshra.s32 s0, $0x2;
	[sflag:s18] =	ssyncset.done $0x0;
	s15 =	sand.u32 $0x4000, s15  }
0x53: {  	s22 =	sadd.s32 $0x400, s0;
	[sflag:s18] =	ssyncadd.s32 $0xFFFFC000;
	s21 =	ssub.s32 $0x8E20, s15  }
0x54: {  	[tilespmem:s21], [sflag:$0x1] =	stream.indirect.gather [spmem:s3], $0x10, s22, s16, $0xb8;
	[tilespmem:$0x11E20] =	vst v63  }
0x55: {  	s21 =	sadd.s32 $0x4E20, s15;
	s22 =	sadd.s32 $0x2710, s0  }
0x56: {  	[spmem:s2] =	stream.indirect.scatter.add.f32 [tilespmem:s21], [sflag:$0x2], $0x10, s22, s19, $0xb8;
	[tilespmem:$0x11E20] =	vst v63  }
0x57: {  	s21 =	sadd.s32 $0x5620, s15;
	s22 =	sadd.s32 $0x2790, s0  }
0x58: {  	[spmem:s2] =	stream.indirect.scatter.add.f32 [tilespmem:s21], [sflag:$0x2], $0x10, s22, s19, $0xb8;
	[tilespmem:$0x11E20] =	vst v63  }
0x59: {  	s21 =	sadd.s32 $0x5E20, s15;
	s22 =	sadd.s32 $0x2810, s0  }
0x5a: {  	[spmem:s2] =	stream.indirect.scatter.add.f32 [tilespmem:s21], [sflag:$0x2], $0x10, s22, s19, $0xb8;
	[tilespmem:$0x11E20] =	vst v63  }
0x5b: {  	s21 =	sadd.s32 $0x6620, s15;
	s22 =	sadd.s32 $0x2890, s0  }
0x5c: {  	[spmem:s2] =	stream.indirect.scatter.add.f32 [tilespmem:s21], [sflag:$0x2], $0x10, s22, s19, $0xb8;
	[tilespmem:$0x11E20] =	vst v63  }
0x5d: {  	s21 =	sadd.s32 $0x6E20, s15;
	s22 =	sadd.s32 $0x2910, s0  }
0x5e: {  	[spmem:s2] =	stream.indirect.scatter.add.f32 [tilespmem:s21], [sflag:$0x2], $0x10, s22, s19, $0xb8;
	[tilespmem:$0x11E20] =	vst v63  }
0x5f: {  	s21 =	sadd.s32 $0x7620, s15;
	s22 =	sadd.s32 $0x2990, s0  }
0x60: {  	[spmem:s2] =	stream.indirect.scatter.add.f32 [tilespmem:s21], [sflag:$0x2], $0x10, s22, s19, $0xb8;
	[tilespmem:$0x11E20] =	vst v63  }
0x61: {  	s21 =	sadd.s32 $0x7E20, s15;
	s22 =	sadd.s32 $0x2A10, s0  }
0x62: {  	[spmem:s2] =	stream.indirect.scatter.add.f32 [tilespmem:s21], [sflag:$0x2], $0x10, s22, s19, $0xb8;
	[tilespmem:$0x11E20] =	vst v63  }
0x63: {  	s15 =	sor.u32 $0x8620, s15;
	s0 =	sadd.s32 $0x2A90, s0  }
0x64: {  	[spmem:s2] =	stream.indirect.scatter.add.f32 [tilespmem:s15], [sflag:$0x2], $0x10, s0, s19, $0xb8;
	[tilespmem:$0x11E20] =	vst v63  }
0x65: {  	_ =	swait.ge [sflag:s20], $0x800  }
0x66: {  	[sflag:s20] =	ssyncset.done $0x0  }
0x67: {  	[sflag:s20] =	ssyncadd.s32 $0xFFFFF800  }
0x68: {  	_ =	swait.ge [sflag:s20], $0x800  }
0x69: {  	[sflag:s20] =	ssyncset.done $0x0  }
0x6a: {  	[sflag:s20] =	ssyncadd.s32 $0xFFFFF800  }
0x6b: {  	_ =	swait.ge [sflag:s20], $0x800  }
0x6c: {  	[sflag:s20] =	ssyncset.done $0x0  }
0x6d: {  	[sflag:s20] =	ssyncadd.s32 $0xFFFFF800  }
0x6e: {  	_ =	swait.ge [sflag:s20], $0x800  }
0x6f: {  	[sflag:s20] =	ssyncset.done $0x0  }
0x70: {  	[sflag:s20] =	ssyncadd.s32 $0xFFFFF800  }
0x71: {  	_ =	swait.ge [sflag:s20], $0x800  }
0x72: {  	[sflag:s20] =	ssyncset.done $0x0  }
0x73: {  	[sflag:s20] =	ssyncadd.s32 $0xFFFFF800  }
0x74: {  	_ =	swait.ge [sflag:s20], $0x800  }
0x75: {  	[sflag:s20] =	ssyncset.done $0x0  }
0x76: {  	[sflag:s20] =	ssyncadd.s32 $0xFFFFF800  }
.Ltmp0:
0x77: {  	_ =	swait.ge [sflag:s20], $0x800;
	(pc) =	sbr.rel @p0 .LBB2_2-.Ltmp0, $4  }
0x78: {  	[sflag:s20] =	ssyncset.done $0x0  }
0x79: {  	[sflag:s20] =	ssyncadd.s32 $0xFFFFF800  }
0x7a: {  	_ =	swait.ge [sflag:s20], $0x800  }
0x7b: {  	[sflag:s20] =	ssyncset.done $0x0  }
0x7c: {  	[sflag:s20] =	ssyncadd.s32 $0xFFFFF800  }
0x7d: {  	_ =	swait.ge [sflag:s18], $0x4000  }
0x7e: {  	[sflag:s18] =	ssyncset.done $0x0  }
0x7f: {  	s0 =	simm.s32 $0x310;
	s1 =	simm.s32 $0x2400;
	[sflag:s18] =	ssyncadd.s32 $0xFFFFC000  }
0x80: {  	[tilespmem:s23], [sflag:$0x1] =	stream.indirect.gather [spmem:s3], $0x10, s1, s0, $0xb8;
	[tilespmem:$0x11E20] =	vst v63  }
0x81: {  	s21 =	simm.s32 $0x4710  }
0x82: {  	[spmem:s2] =	stream.indirect.scatter.add.f32 [tilespmem:s17], [sflag:$0x2], $0x10, s21, s19, $0xb8;
	[tilespmem:$0x11E20] =	vst v63  }
0x83: {  	s22 =	simm.s32 $0x4790;
	s31 =	simm.s32 $0x5620  }
0x84: {  	[spmem:s2] =	stream.indirect.scatter.add.f32 [tilespmem:s31], [sflag:$0x2], $0x10, s22, s19, $0xb8;
	[tilespmem:$0x11E20] =	vst v63  }
0x85: {  	s15 =	simm.s32 $0x4810;
	s21 =	simm.s32 $0x5E20  }
0x86: {  	[spmem:s2] =	stream.indirect.scatter.add.f32 [tilespmem:s21], [sflag:$0x2], $0x10, s15, s19, $0xb8;
	[tilespmem:$0x11E20] =	vst v63  }
0x87: {  	s22 =	simm.s32 $0x4890;
	s31 =	simm.s32 $0x6620  }
0x88: {  	[spmem:s2] =	stream.indirect.scatter.add.f32 [tilespmem:s31], [sflag:$0x2], $0x10, s22, s19, $0xb8;
	[tilespmem:$0x11E20] =	vst v63  }
0x89: {  	s15 =	simm.s32 $0x4910;
	s21 =	simm.s32 $0x6E20  }
0x8a: {  	[spmem:s2] =	stream.indirect.scatter.add.f32 [tilespmem:s21], [sflag:$0x2], $0x10, s15, s19, $0xb8;
	[tilespmem:$0x11E20] =	vst v63  }
0x8b: {  	s22 =	simm.s32 $0x4990;
	s31 =	simm.s32 $0x7620  }
0x8c: {  	[spmem:s2] =	stream.indirect.scatter.add.f32 [tilespmem:s31], [sflag:$0x2], $0x10, s22, s19, $0xb8;
	[tilespmem:$0x11E20] =	vst v63  }
0x8d: {  	s15 =	simm.s32 $0x4A10;
	s21 =	simm.s32 $0x7E20  }
0x8e: {  	[spmem:s2] =	stream.indirect.scatter.add.f32 [tilespmem:s21], [sflag:$0x2], $0x10, s15, s19, $0xb8;
	[tilespmem:$0x11E20] =	vst v63  }
0x8f: {  	s22 =	simm.s32 $0x4A90;
	s31 =	simm.s32 $0x8620  }
0x90: {  	[spmem:s2] =	stream.indirect.scatter.add.f32 [tilespmem:s31], [sflag:$0x2], $0x10, s22, s19, $0xb8;
	[tilespmem:$0x11E20] =	vst v63  }
0x91: {  	_ =	swait.ge [sflag:s20], $0x800  }
0x92: {  	[sflag:s20] =	ssyncset.done $0x0  }
0x93: {  	[sflag:s20] =	ssyncadd.s32 $0xFFFFF800  }
0x94: {  	_ =	swait.ge [sflag:s20], $0x800  }
0x95: {  	[sflag:s20] =	ssyncset.done $0x0  }
0x96: {  	[sflag:s20] =	ssyncadd.s32 $0xFFFFF800  }
0x97: {  	_ =	swait.ge [sflag:s20], $0x800  }
0x98: {  	[sflag:s20] =	ssyncset.done $0x0  }
0x99: {  	[sflag:s20] =	ssyncadd.s32 $0xFFFFF800  }
0x9a: {  	_ =	swait.ge [sflag:s20], $0x800  }
0x9b: {  	[sflag:s20] =	ssyncset.done $0x0  }
0x9c: {  	[sflag:s20] =	ssyncadd.s32 $0xFFFFF800  }
0x9d: {  	_ =	swait.ge [sflag:s20], $0x800  }
0x9e: {  	[sflag:s20] =	ssyncset.done $0x0  }
0x9f: {  	[sflag:s20] =	ssyncadd.s32 $0xFFFFF800  }
0xa0: {  	_ =	swait.ge [sflag:s20], $0x800  }
0xa1: {  	[sflag:s20] =	ssyncset.done $0x0  }
0xa2: {  	[sflag:s20] =	ssyncadd.s32 $0xFFFFF800  }
0xa3: {  	_ =	swait.ge [sflag:s20], $0x800  }
0xa4: {  	[sflag:s20] =	ssyncset.done $0x0  }
0xa5: {  	[sflag:s20] =	ssyncadd.s32 $0xFFFFF800  }
0xa6: {  	_ =	swait.ge [sflag:s20], $0x800  }
0xa7: {  	[sflag:s20] =	ssyncset.done $0x0  }
0xa8: {  	[sflag:s20] =	ssyncadd.s32 $0xFFFFF800  }
0xa9: {  	_ =	swait.ge [sflag:s18], $0x3100  }
0xaa: {  	[sflag:s18] =	ssyncset.done $0x0  }
0xab: {  	s1 =	simm.s32 $0x4B10;
	[sflag:s18] =	ssyncadd.s32 $0xFFFFCF00  }
0xac: {  	[spmem:s2] =	stream.indirect.scatter.add.f32 [tilespmem:s23], [sflag:$0x2], $0x10, s1, s19, $0xb8;
	[tilespmem:$0x11E20] =	vst v63  }
0xad: {  	s15 =	simm.s32 $0x4B90;
	s21 =	simm.s32 $0x9620  }
0xae: {  	[spmem:s2] =	stream.indirect.scatter.add.f32 [tilespmem:s21], [sflag:$0x2], $0x10, s15, s19, $0xb8;
	[tilespmem:$0x11E20] =	vst v63  }
0xaf: {  	s22 =	simm.s32 $0x4C10;
	s31 =	simm.s32 $0x9E20  }
0xb0: {  	[spmem:s2] =	stream.indirect.scatter.add.f32 [tilespmem:s31], [sflag:$0x2], $0x10, s22, s19, $0xb8;
	[tilespmem:$0x11E20] =	vst v63  }
0xb1: {  	s15 =	simm.s32 $0x4C90;
	s21 =	simm.s32 $0xA620  }
0xb2: {  	[spmem:s2] =	stream.indirect.scatter.add.f32 [tilespmem:s21], [sflag:$0x2], $0x10, s15, s19, $0xb8;
	[tilespmem:$0x11E20] =	vst v63  }
0xb3: {  	s22 =	simm.s32 $0x4D10;
	s31 =	simm.s32 $0xAE20  }
0xb4: {  	[spmem:s2] =	stream.indirect.scatter.add.f32 [tilespmem:s31], [sflag:$0x2], $0x10, s22, s19, $0xb8;
	[tilespmem:$0x11E20] =	vst v63  }
0xb5: {  	_ = 	snop  }
0xb6: {  	[spmem:s2] =	stream.indirect.scatter.add.f32 [tilespmem:s25], [sflag:$0x2], $0x10, s24, s19, $0xb8;
	[tilespmem:$0x11E20] =	vst v63  }
0xb7: {  	_ = 	snop  }
0xb8: {  	[spmem:s2] =	stream.indirect.scatter.add.f32 [tilespmem:s29], [sflag:$0x2], $0x10, s28, s26, $0xb8;
	[tilespmem:$0x11E20] =	vst v63  }
0xb9: {  	_ =	swait.ge [sflag:s20], $0x800  }
0xba: {  	[sflag:s20] =	ssyncset.done $0x0  }
0xbb: {  	[sflag:s20] =	ssyncadd.s32 $0xFFFFF800  }
0xbc: {  	_ =	swait.ge [sflag:s20], $0x800  }
0xbd: {  	[sflag:s20] =	ssyncset.done $0x0  }
0xbe: {  	[sflag:s20] =	ssyncadd.s32 $0xFFFFF800  }
0xbf: {  	_ =	swait.ge [sflag:s20], $0x800  }
0xc0: {  	[sflag:s20] =	ssyncset.done $0x0  }
0xc1: {  	[sflag:s20] =	ssyncadd.s32 $0xFFFFF800  }
0xc2: {  	_ =	swait.ge [sflag:s20], $0x800  }
0xc3: {  	[sflag:s20] =	ssyncset.done $0x0  }
0xc4: {  	[sflag:s20] =	ssyncadd.s32 $0xFFFFF800  }
0xc5: {  	_ =	swait.ge [sflag:s20], $0x800  }
0xc6: {  	[sflag:s20] =	ssyncset.done $0x0  }
0xc7: {  	[sflag:s20] =	ssyncadd.s32 $0xFFFFF800  }
0xc8: {  	_ =	swait.ge [sflag:s20], $0x800  }
0xc9: {  	[sflag:s20] =	ssyncset.done $0x0  }
0xca: {  	[sflag:s20] =	ssyncadd.s32 $0xFFFFF800  }
0xcb: {  	_ =	swait.ge [sflag:s20], $0x100  }
0xcc: {  	s30 =	sadd.s32 $0x1, s30;
	[sflag:s20] =	ssyncset.done $0x0  }
0xcd: {  	p0 =	sne.s32 s30, s11;
	[sflag:s20] =	ssyncadd.s32 $0xFFFFFF00  }
.Ltmp1:
0xce: {  	[bflag:$0x0] =	sbarrier.arrive $0xFFFF;
	(pc) =	sbr.rel @p0 .LBB2_1-.Ltmp1, $4  }
0xcf: {  	[hbm:s10], [sflag:s6] =	dma.local [spmem:s12], $0x500  }
0xd0: {  	_ =	swait.ge [sflag:s13], $0x500  }
0xd1: {  	[sflag:s13] =	ssyncset.done $0x0  }
0xd2: {  	[sflag:s13] =	ssyncadd.s32 $0xFFFFFB00  }
0xd3: {  	_ =	sfence.sel $0x180000  }
0xd4: {  	[bflag:$0x0] =	sbarrier.arrive $0xFFFF  }
0xd5: {  	_ =	strace $0x9000004A  }
0xd6: {  	s0 =	stileid.u32;
	[bflag:$0x2] =	sbarrier.arrive $0xFFFF  }
0xd7: {  	p0 =	sne.s32 s0, $0x0;
	s0 =	rddreg [dreg:$0x3]  }
0xd8: {  	s0 =	sadd.s32 @!p0 $0x100000, s0  }
0xd9: {  	[sflag:s0] =	ssyncadd.tile.s32 @!p0 $0x1;
	_ =	shalt  }
.Lfunc_end2:
_tile_overlayer_lowered:
.L_overlay_start_2:
0xda: {  	(tag) =	ssettag $0x2  }
0xdb: {  	s0 =	rddreg [dreg:$0x0];
	s2 =	stileid.u32  }
0xdc: {  	s1 =	rddreg [dreg:$0x1];
	p0 =	sne.s32 s2, $0x0  }
0xdd: {  	s3 =	rddreg [dreg:$0x2];
	[bflag:$0x3] =	sbarrier.arrive $0xFFFF;
	s2 =	simm.s32 @!p0 $0x1C03  }
0xde: {  	[timem:s3], [sflag:s2] =	dma.local @!p0 [hbm:s0], s1  }
0xdf: {  	s0 =	simm.s32 @!p0 $0x3  }
0xe0: {  	_ =	swait.ge @!p0 [sflag:s0], s1  }
0xe1: {  	s1 =	ssub.s32 @!p0 $0x0, s1;
	[sflag:s0] =	ssyncset.done @!p0 $0x0  }
0xe2: {  	[sflag:s0] =	ssyncadd.s32 @!p0 s1  }
0xe3: {  	[bflag:$0x3] =	sbarrier.arrive $0xFFFF  }
0xe4: {  	_ =	shalt  }

// kernel: kernel.7.cloned.1.call-start
scs
__scs_entry_jumppad:
0x0: {  	(pc) =	sbr.rel $0x88, $3  }
0x1: {  	(tag) =	ssettag $0x0;
	lr =	simm.s32 $0x1  }
0x2: {  	[smem:$0x3F98] =	sst lr;
	_ =	strace $0xD0000000  }
0x3: {  	_ = 	snop  }
0x4: {  	_ = 	snop  }
0x5: {  	_ = 	snop  }
0x6: {  	_ = 	snop  }
0x7: {  	_ = 	snop  }
__scs_overlays_trampoline_lowered:
0x8: {  	[smem:$0x3FA7] =	sst s0  }
0x9: {  	[smem:$0x3FA8] =	sst s1  }
0xa: {  	[smem:$0x3FA9] =	sst s2  }
0xb: {  	[smem:$0x3FAA] =	sst s3  }
0xc: {  	[smem:$0x3FAB] =	sst s4  }
0xd: {  	[smem:$0x3FAC] =	sst s5  }
0xe: {  	[smem:$0x3FAD] =	sst s6  }
0xf: {  	[smem:$0x3FAE] =	sst s7  }
0x10: {  	[smem:$0x3FAF] =	sst s8  }
0x11: {  	[smem:$0x3FB0] =	sst s9;
	s0 =	simm.s32 @!p0 $0x0  }
0x12: {  	s1 =	sld [smem:$0x3F96];
	s0 =	simm.s32 @p0 $0x1  }
0x13: {  	[smem:$0x3FB1] =	sst s0;
	s0 =	simm.s32 @!p1 $0x0  }
0x14: {  	s2 =	sld [smem:$0x3F95];
	s0 =	simm.s32 @p1 $0x1  }
0x15: {  	[smem:$0x3FB2] =	sst s0;
	s0 =	simm.s32 @!p2 $0x0  }
0x16: {  	s3 =	sld [smem:$0x3FDB];
	s0 =	simm.s32 @p2 $0x1  }
0x17: {  	s4 =	simm.s32 $0x1BF5;
	[smem:$0x3FB4] =	sst s0  }
0x18: {  	s0 =	sld [smem:$0x3F97];
	_ =	swait.ge [sflag:s4], $0x0  }
0x19: {  	s7 =	sld [smem:$0x3F98]  }
0x1a: {  	s8 =	sadd.s32 $0xFFFFE003, lr  }
0x1b: {  	s9 =	sadd.s32 $0xFFFFFEF7, lr;
	s5 =	simm.s32 $0xFFFFFFFF;
	p2 =	slt.u32 s8, $0xFFFFF086  }
0x1c: {  	p1 =	slt.u32 s9, $0xF7A;
	s5 =	simm.s32 @!p2 $0x0  }
0x1d: {  	s5 =	simm.s32 @p1 $0x1;
	p0 =	seq.s32 s7, s2  }
0x1e: {  	s7 =	smul.u32 @!p0 $0xF7A, s2;
	p2 =	seq.s32 @!p0 s5, $0x0  }
0x1f: {  	s9 =	smul.u32 $0xF7A, s1;
	s8 =	simm.s32 @!p0 $0x1BF5;
	p2 =	por !p2, p0  }
0x20: {  	[sflag:s8] =	ssyncset.s32 @!p0 $0xFFFFF086;
	s6 =	sadd.s32 @!p0 s3, s7;
	s7 =	simm.s32 @!p0 $0x108  }
0x21: {  	s3 =	sadd.s32 s3, s9;
	s6 =	sadd.s32 @!p0 $0x88, s6;
	s7 =	simm.s32 @p2 $0x1082  }
0x22: {  	[simem:s7], [sflag:s8] =	dma.local @!p0 [hbm:s6], $0xF7A  }
0x23: {  	s9 =	sor.u32 $0xD0000000, s2;
	s6 =	simm.s32 $0x108;
	_ =	swait.ge @!p0 [sflag:s8], $0x0  }
0x24: {  	s3 =	sadd.s32 $0x88, s3;
	s6 =	simm.s32 @!p1 $0x1082;
	[sflag:s4] =	ssyncset.s32 $0xFFFFF086  }
0x25: {  	[simem:s6], [sflag:s4] =	dma.local [hbm:s3], $0xF7A  }
0x26: {  	[smem:$0x3F98] =	sst s1;
	(tag) =	ssettag s2;
	_ =	strace s9  }
0x27: {  	s1 =	sld [smem:$0x3FA8]  }
0x28: {  	s2 =	sld [smem:$0x3FA9]  }
0x29: {  	s4 =	sld [smem:$0x3FAB]  }
0x2a: {  	p0 =	seq.s32 s5, $0x0;
	s5 =	sld [smem:$0x3FAC]  }
0x2b: {  	s6 =	sld [smem:$0x3FAD]  }
0x2c: {  	s7 =	sld [smem:$0x3FAE]  }
0x2d: {  	s3 =	simm.s32 $0x108;
	s8 =	sld [smem:$0x3FAF]  }
0x2e: {  	s3 =	simm.s32 @!p0 $0x1082;
	s9 =	sld [smem:$0x3FB0]  }
0x2f: {  	lr =	sadd.s32 s0, s3;
	s0 =	sld [smem:$0x3FA7]  }
0x30: {  	s3 =	sld [smem:$0x3FAA]  }
0x31: {  	[smem:$0x3FB3] =	sst s10  }
0x32: {  	s10 =	sld [smem:$0x3FB1];
	_ =	sdelay $0x3  }
0x33: {  	p0 =	seq.s32 s10, $0x1;
	s10 =	sld [smem:$0x3FB3];
	_ =	sdelay $0x3  }
0x34: {  	[smem:$0x3FB3] =	sst s10  }
0x35: {  	s10 =	sld [smem:$0x3FB2];
	_ =	sdelay $0x3  }
0x36: {  	p1 =	seq.s32 s10, $0x1;
	s10 =	sld [smem:$0x3FB3];
	_ =	sdelay $0x3  }
0x37: {  	[smem:$0x3FB3] =	sst s10  }
0x38: {  	s10 =	sld [smem:$0x3FB4]  }
0x39: {  	_ = 	snop;
	(pc) =	sbr.ind lr, $3  }
0x3a: {  	_ = 	snop  }
0x3b: {  	_ = 	snop  }
0x3c: {  	p2 =	seq.s32 s10, $0x1;
	s10 =	sld [smem:$0x3FB3]  }
0x3d: {  	_ =	shalt  }
0x3e: {  	_ =	shalt  }
0x3f: {  	_ =	shalt  }
0x40: {  	_ =	shalt  }
0x41: {  	_ =	shalt  }
0x42: {  	_ =	shalt  }
0x43: {  	_ =	shalt  }
0x44: {  	_ =	shalt  }
0x45: {  	_ =	shalt  }
0x46: {  	_ =	shalt  }
0x47: {  	_ =	shalt  }
0x48: {  	_ =	shalt  }
0x49: {  	_ =	shalt  }
0x4a: {  	_ =	shalt  }
0x4b: {  	_ =	shalt  }
0x4c: {  	_ =	shalt  }
0x4d: {  	_ =	shalt  }
0x4e: {  	_ =	shalt  }
0x4f: {  	_ =	shalt  }
0x50: {  	_ =	shalt  }
0x51: {  	_ =	shalt  }
0x52: {  	_ =	shalt  }
0x53: {  	_ =	shalt  }
0x54: {  	_ =	shalt  }
0x55: {  	_ =	shalt  }
0x56: {  	_ =	shalt  }
0x57: {  	_ =	shalt  }
0x58: {  	_ =	shalt  }
0x59: {  	_ =	shalt  }
0x5a: {  	_ =	shalt  }
0x5b: {  	_ =	shalt  }
0x5c: {  	_ =	shalt  }
0x5d: {  	_ =	shalt  }
0x5e: {  	_ =	shalt  }
0x5f: {  	_ =	shalt  }
0x60: {  	_ =	shalt  }
0x61: {  	_ =	shalt  }
0x62: {  	_ =	shalt  }
0x63: {  	_ =	shalt  }
0x64: {  	_ =	shalt  }
0x65: {  	_ =	shalt  }
0x66: {  	_ =	shalt  }
0x67: {  	_ =	shalt  }
0x68: {  	_ =	shalt  }
0x69: {  	_ =	shalt  }
0x6a: {  	_ =	shalt  }
0x6b: {  	_ =	shalt  }
0x6c: {  	_ =	shalt  }
0x6d: {  	_ =	shalt  }
0x6e: {  	_ =	shalt  }
0x6f: {  	_ =	shalt  }
0x70: {  	_ =	shalt  }
0x71: {  	_ =	shalt  }
0x72: {  	_ =	shalt  }
0x73: {  	_ =	shalt  }
0x74: {  	_ =	shalt  }
0x75: {  	_ =	shalt  }
0x76: {  	_ =	shalt  }
0x77: {  	_ =	shalt  }
0x78: {  	_ =	shalt  }
0x79: {  	_ =	shalt  }
0x7a: {  	_ =	shalt  }
0x7b: {  	_ =	shalt  }
0x7c: {  	_ =	shalt  }
0x7d: {  	_ =	shalt  }
0x7e: {  	_ =	shalt  }
0x7f: {  	_ =	shalt  }
0x80: {  	_ =	shalt  }
0x81: {  	_ =	shalt  }
0x82: {  	_ =	shalt  }
0x83: {  	_ =	shalt  }
0x84: {  	_ =	shalt  }
0x85: {  	_ =	shalt  }
0x86: {  	_ =	shalt  }
0x87: {  	_ =	shalt  }
.Lfunc_end0:
.L_simem_size_0:
called_computation_lowered:
.L_overlay_start_0:
0x88: {  	s2 =	sld [smem:$0x3FD9]  }
0x89: {  	s3 =	sld [smem:$0x3FFE];
	_ =	sdelay $0x1  }
0x8a: {  	s1 =	srdreg.scid  }
0x8b: {  	s0 =	sand.u32 $0x1, s1  }
0x8c: {  	s17 =	sshll.u32 s0, $0xA;
	s2 =	sadd.s32 s3, s2  }
0x8d: {  	s2 =	sadd.s32 s2, s17  }
0x8e: {  	[smem:$0x3FBF] =	sst s2  }
0x8f: {  	_ = 	snop  }
0x90: {  	s2 =	sld [smem:$0x3FD0];
	(tm) =	ssettm $0x1  }
0x91: {  	s18 =	sld [smem:$0x3FFB];
	_ =	sdelay $0x3  }
0x92: {  	_ =	strace s18  }
0x93: {  	s3 =	sld [smem:$0x3FFC];
	_ =	sdelay $0x3  }
0x94: {  	_ =	strace s3  }
0x95: {  	s3 =	sld [smem:$0x3FFD];
	_ =	sdelay $0x3  }
0x96: {  	_ =	strace s3  }
0x97: {  	_ =	strace $0x8FFFFFFF  }
0x98: {  	s19 =	sld [smem:$0x3FDB];
	_ =	sdelay $0x1  }
0x99: {  	s4 =	simm.s32 $_scs_section_size  }
0x9a: {  	s5 =	simm.s32 $_size__tile_overlayer_lowered;
	s6 =	simm.s32 $_tile_overlayer_lowered  }
0x9b: {  	s22 =	simm.s32 $0x1BFF;
	s21 =	sshll.u32 s6, $0x1;
	s3 =	sadd.s32 s4, s19  }
0x9c: {  	s7 =	simm.s32 $0x0;
	s20 =	sshll.u32 s5, $0x1;
	s5 =	sadd.s32 s21, s3  }
0x9d: {  	[timem:s7], [sflag:s22] =	dma.local [hbm:s5], s20  }
0x9e: {  	_ =	swait.ge [sflag:s22], s20  }
0x9f: {  	s4 =	ssub.s32 $0x0, s20;
	[sflag:s22] =	ssyncset.done $0x0  }
0xa0: {  	[sflag:s22] =	ssyncadd.s32 s4;
	_ =	sdelay $0x1  }
0xa1: {  	s23 =	simm.s32 $0x1B8B  }
0xa2: {  	_ =	swait.ge [sflag:s23], $0x1  }
0xa3: {  	[sflag:s23] =	ssyncset.done $0x0  }
0xa4: {  	s25 =	simm.s32 $0x1B8E;
	s24 =	sld [smem:$0x3FFE];
	[sflag:s23] =	ssyncadd.s32 $0xFFFFFFFF  }
0xa5: {  	s26 =	simm.s32 $execute0_lowered;
	[smem:$0x3FD2] =	sst s25  }
0xa6: {  	s5 =	sshll.u32 s26, $0x1;
	_ =	strace $0x80000046;
	[dreg:$0x1] =	wrdreg $0xFFFFFFFF  }
0xa7: {  	s28 =	simm.s32 $_size_execute0_lowered;
	s3 =	sadd.s32 s3, s5;
	[dreg:$0x0] =	wrdreg $0x0  }
0xa8: {  	s5 =	sshll.u32 s28, $0x1;
	[dreg:$0x2] =	wrdreg s3  }
0xa9: {  	[dreg:$0x3] =	wrdreg s5  }
0xaa: {  	[dreg:$0x4] =	wrdreg $0xC0  }
0xab: {  	_ =	task [dreg:s7], $0x5FFFF  }
0xac: {  	[dreg:$0x1] =	wrdreg $0xFFFFFFFF  }
0xad: {  	[dreg:$0x0] =	wrdreg $0x60  }
0xae: {  	[dreg:$0x2] =	wrdreg s24  }
0xaf: {  	[dreg:$0x3] =	wrdreg s2  }
0xb0: {  	[dreg:$0x4] =	wrdreg $0xFCA00  }
0xb1: {  	[dreg:$0x5] =	wrdreg $0x127200  }
0xb2: {  	[dreg:$0x6] =	wrdreg $0x124A00  }
0xb3: {  	[dreg:$0x7] =	wrdreg $0x9  }
0xb4: {  	_ =	task.clear_ibuf [dreg:s7], $0x8FFFF;
	_ =	strace $0x90000046  }
0xb5: {  	s29 =	simm.s32 $0x9;
	_ =	strace $0x80000048  }
0xb6: {  	_ =	swait.ge [sflag:s29], $0x1  }
0xb7: {  	[sflag:s29] =	ssyncadd.s32 $0xFFFFFFFF  }
0xb8: {  	_ =	strace $0x90000048  }
0xb9: {  	_ =	sfence  }
0xba: {  	s30 =	sld [smem:$0x0];
	_ =	sdelay $0x2  }
0xbb: {  	s31 =	sshll.u32 s1, $0xD;
	s1 =	sshrl.u32 s1, $0x2  }
0xbc: {  	s3 =	sand.u32 $0x4000, s31;
	s1 =	sadd.s32 s1, s30  }
0xbd: {  	s0 =	sor.u32 s3, s0;
	s1 =	sshll.u32 s1, $0x11  }
0xbe: {  	s0 =	sor.u32 s1, s0  }
0xbf: {  	s0 =	sadd.s32 $0x8F2B, s0  }
0xc0: {  	[sflag:s0] =	ssyncadd.remote.s32 $0x1  }
0xc1: {  	_ =	sfence.sel $0xFFFF  }
0xc2: {  	[dreg:$0x0] =	wrdreg $0xFFFFFFFF;
	(pc) =	sbr.abs _section_cstart, $3  }
0xc3: {  	[dreg:$0x1] =	wrdreg $0xFFFFFFFF  }
0xc4: {  	_ =	task.clear_ibuf [dreg:s7], $0x2FFFF;
	_ =	strace $0x9FFFFFFF  }
0xc5: {  	(tm) =	ssettm $0x7FFFFFFF  }
tec
execute0_lowered:
.L_overlay_start_1:
0x0: {  	(tag) =	ssettag $0x1  }
0x1: {  	s0 =	rddreg [dreg:$0x0]  }
0x2: {  	s3 =	rddreg [dreg:$0x2]  }
0x3: {  	s4 =	rddreg [dreg:$0x3]  }
0x4: {  	s5 =	rddreg [dreg:$0x4];
	s13 =	stileid.u32  }
0x5: {  	s1 =	srdreg.scid;
	s6 =	simm.s32 $0x0;
	s18 =	simm.s32 $0x3  }
0x6: {  	s28 =	simm.s32 $0x2;
	s29 =	simm.s32 $0x310;
	s31 =	simm.s32 $0x8E20  }
0x7: {  	s30 =	simm.s32 $0x0;
	s1 =	sand.u32 $0x1, s1;
	s7 =	smul.u32 $0x2710, s13  }
0x8: {  	s2 =	sshll.u32 s13, $0x1;
	[smem:$0x7FF] =	sst s6;
	s8 =	smul.u32 $0x2800, s13  }
0x9: {  	s20 =	sadd.s32 $0x1B400, s0;
	s21 =	sadd.s32 $0x1BA00, s0;
	s12 =	smul.u32 $0xA00, s13  }
0xa: {  	s24 =	sshll.u32 s13, $0x6;
	_ =	strace $0x80000047;
	[dreg:$0x6] =	wrdreg s20  }
0xb: {  	s2 =	sor.u32 s1, s2;
	s10 =	smul.u32 $0x28000, s1;
	[dreg:$0x7] =	wrdreg s21  }
0xc: {  	s1 =	ssub.s32 $0x2, s1;
	s21 =	simm.s32 $0xCE20;
	s2 =	smul.u32 $0x2710, s2  }
0xd: {  	s9 =	sshrl.u32 s7, $0x3;
	s23 =	sshrl.u32 s1, $0x1;
	s25 =	sshrl.u32 s12, $0x2  }
0xe: {  	s7 =	sadd.s32 s7, s4;
	s12 =	simm.s32 $0x4E20;
	s11 =	sadd.s32 s9, s0  }
0xf: {  	s22 =	sadd.s32 s8, s10;
	s1 =	ssub.s32 s1, s23;
	s8 =	sadd.s32 s8, s3  }
0x10: {  	s19 =	sshrl.u32 s7, $0x3;
	s23 =	simm.s32 $0x400;
	s2 =	sshrl.u32 s2, $0x3  }
0x11: {  	s9 =	sshrl.u32 s22, $0x3;
	s11 =	sadd.s32 $0x16400, s11;
	s16 =	smax.u32 s1, $0x1  }
0x12: {  	s17 =	sshrl.u32 s8, $0x3;
	s22 =	simm.s32 $0x4B10;
	s1 =	simm.s32 $0xD220  }
0x13: {  	s2 =	sadd.s32 s2, s0;
	s0 =	sadd.s32 s9, s0;
	s9 =	sor.u32 $0x1C03, s24  }
0x14: {  	[dreg:$0x8] =	wrdreg s11;
	s11 =	sadd.s32 s25, s5;
	s25 =	simm.s32 $0x1  }
0x15: {  	s26 =	sadd.s32 $0x2A00, s2;
	s2 =	sadd.s32 $0xC640, s2;
	s14 =	sadd.s32 $0x1BC00, s0  }
0x16: {  	v0 =	vimm.s32 $0x0;
	vm0 =	vcmask $0x300;
	s15 =	sadd.s32 $0x25C00, s0;
	s20 =	sshrl.u32 s11, $0x3;
	[dreg:$0x9] =	wrdreg s26  }
0x17: {  	v0 =	vsel vm0, $0x3, v0;
	s0 =	simm.s32 $0x4710;
	[dreg:$0xa] =	wrdreg s2;
	s26 =	simm.s32 $0x80  }
.LBB2_1:
0x18: {  	s2 =	rddreg [dreg:$0x6]  }
0x19: {  	[spmem:s17], [sflag:s9] =	dma.local [hbm:s2], $0x500  }
0x1a: {  	_ =	swait.ge [sflag:s18], $0x500  }
0x1b: {  	[sflag:s18] =	ssyncset.done $0x0  }
0x1c: {  	s10 =	rddreg [dreg:$0x8];
	[sflag:s18] =	ssyncadd.s32 $0xFFFFFB00  }
0x1d: {  	[spmem:s19], [sflag:s9] =	dma.local [hbm:s10], $0x4E2  }
0x1e: {  	_ =	swait.ge [sflag:s18], $0x4E2  }
0x1f: {  	[sflag:s18] =	ssyncset.done $0x0  }
0x20: {  	[sflag:s18] =	ssyncadd.s32 $0xFFFFFB1E  }
0x21: {  	s13 =	rddreg [dreg:$0x1]  }
0x22: {  	[spmem:s20], [sflag:s9] =	dma.local [hbm:s13], $0x50  }
0x23: {  	_ =	swait.ge [sflag:s18], $0x50  }
0x24: {  	[sflag:s18] =	ssyncset.done $0x0  }
0x25: {  	s24 =	rddreg [dreg:$0x7];
	[sflag:s18] =	ssyncadd.s32 $0xFFFFFFB0  }
0x26: {  	[tilespmem:s21], [sflag:$0x3] =	stream.linear.gather [hbm4b:s24+s6], $0x400, $0x38;
	[tilespmem:$0x14E30] =	vst v63  }
0x27: {  	_ =	swait.ge [sflag:s18], $0x400  }
0x28: {  	[sflag:s18] =	ssyncset.done $0x0  }
0x29: {  	s7 =	rddreg [dreg:$0x9];
	[sflag:s18] =	ssyncadd.s32 $0xFFFFFC00  }
0x2a: {  	[tilespmem:s6], [sflag:$0x3] =	stream.linear.gather [hbm4b:s7+s6], $0x2710, $0x38;
	[tilespmem:$0x14E30] =	vst v63  }
0x2b: {  	_ =	swait.ge [sflag:s18], $0x2710  }
0x2c: {  	[sflag:s18] =	ssyncset.done $0x0  }
0x2d: {  	s7 =	simm.s32 $0x2710;
	s8 =	rddreg [dreg:$0xa];
	[sflag:s18] =	ssyncadd.s32 $0xFFFFD8F0  }
0x2e: {  	[tilespmem:s7], [sflag:$0x3] =	stream.linear.gather [hbm4b:s8+s6], $0x2710, $0x38;
	[tilespmem:$0x14E30] =	vst v63  }
0x2f: {  	_ =	swait.ge [sflag:s18], $0x2710  }
0x30: {  	[sflag:s18] =	ssyncset.done $0x0  }
0x31: {  	[sflag:s18] =	ssyncadd.s32 $0xFFFFD8F0  }
0x32: {  	[bflag:$0x0] =	sbarrier.arrive $0xFFFF  }
0x33: {  	[tilespmem:s12], [sflag:$0x1] =	stream.indirect.gather [spmem:s4], $0x10, s6, s23, $0xb8;
	[tilespmem:$0x14E30] =	vst v63  }
0x34: {  	s10 =	simm.s32 $0x0;
	_ =	swait.ge [sflag:s25], $0x4000  }
0x35: {  	s2 =	sand.u32 $0x4000, s10;
	[sflag:s25] =	ssyncset.done $0x0  }
0x36: {  	s8 =	simm.s32 $0x400;
	s12 =	ssub.s32 $0x8E20, s2;
	[sflag:s25] =	ssyncadd.s32 $0xFFFFC000  }
0x37: {  	[tilespmem:s12], [sflag:$0x1] =	stream.indirect.gather [spmem:s4], $0x10, s8, s23, $0xb8;
	[tilespmem:$0x14E30] =	vst v63  }
0x38: {  	s13 =	sadd.s32 $0x4E20, s2;
	s8 =	simm.s32 $0x2710  }
0x39: {  	[spmem:s3] =	stream.indirect.scatter.add.f32 [tilespmem:s13], [sflag:$0x2], $0x10, s8, s26, $0xb8;
	[tilespmem:$0x14E30] =	vst v63  }
0x3a: {  	s10 =	simm.s32 $0x2790;
	s24 =	sadd.s32 $0x5620, s2  }
0x3b: {  	[spmem:s3] =	stream.indirect.scatter.add.f32 [tilespmem:s24], [sflag:$0x2], $0x10, s10, s26, $0xb8;
	[tilespmem:$0x14E30] =	vst v63  }
0x3c: {  	s12 =	simm.s32 $0x2810;
	s10 =	sadd.s32 $0x5E20, s2  }
0x3d: {  	[spmem:s3] =	stream.indirect.scatter.add.f32 [tilespmem:s10], [sflag:$0x2], $0x10, s12, s26, $0xb8;
	[tilespmem:$0x14E30] =	vst v63  }
0x3e: {  	s13 =	sadd.s32 $0x6620, s2;
	s24 =	simm.s32 $0x2890  }
0x3f: {  	[spmem:s3] =	stream.indirect.scatter.add.f32 [tilespmem:s13], [sflag:$0x2], $0x10, s24, s26, $0xb8;
	[tilespmem:$0x14E30] =	vst v63  }
0x40: {  	s10 =	sadd.s32 $0x6E20, s2;
	s12 =	simm.s32 $0x2910  }
0x41: {  	[spmem:s3] =	stream.indirect.scatter.add.f32 [tilespmem:s10], [sflag:$0x2], $0x10, s12, s26, $0xb8;
	[tilespmem:$0x14E30] =	vst v63  }
0x42: {  	s13 =	sadd.s32 $0x7620, s2;
	s24 =	simm.s32 $0x2990  }
0x43: {  	[spmem:s3] =	stream.indirect.scatter.add.f32 [tilespmem:s13], [sflag:$0x2], $0x10, s24, s26, $0xb8;
	[tilespmem:$0x14E30] =	vst v63  }
0x44: {  	s12 =	sadd.s32 $0x7E20, s2;
	s13 =	simm.s32 $0x2A10  }
0x45: {  	[spmem:s3] =	stream.indirect.scatter.add.f32 [tilespmem:s12], [sflag:$0x2], $0x10, s13, s26, $0xb8;
	[tilespmem:$0x14E30] =	vst v63  }
0x46: {  	s2 =	sor.u32 $0x8620, s2;
	s24 =	simm.s32 $0x2A90  }
0x47: {  	[spmem:s3] =	stream.indirect.scatter.add.f32 [tilespmem:s2], [sflag:$0x2], $0x10, s24, s26, $0xb8;
	[tilespmem:$0x14E30] =	vst v63  }
0x48: {  	_ = 	snop  }
0x49: {  	[spmem:s5] =	stream.indirect.scatter.add.f32 [tilespmem:s21], [sflag:$0x2], $0x1, s8, s23, $0xb8;
	[tilespmem:$0x14E30] =	vst v63  }
0x4a: {  	_ =	swait.ge [sflag:s28], $0x800  }
0x4b: {  	[sflag:s28] =	ssyncset.done $0x0  }
0x4c: {  	[sflag:s28] =	ssyncadd.s32 $0xFFFFF800  }
0x4d: {  	_ =	swait.ge [sflag:s28], $0x800  }
0x4e: {  	[sflag:s28] =	ssyncset.done $0x0  }
0x4f: {  	[sflag:s28] =	ssyncadd.s32 $0xFFFFF800  }
0x50: {  	_ =	swait.ge [sflag:s28], $0x800  }
0x51: {  	[sflag:s28] =	ssyncset.done $0x0  }
0x52: {  	[sflag:s28] =	ssyncadd.s32 $0xFFFFF800  }
0x53: {  	_ =	swait.ge [sflag:s28], $0x800  }
0x54: {  	[sflag:s28] =	ssyncset.done $0x0  }
0x55: {  	[sflag:s28] =	ssyncadd.s32 $0xFFFFF800  }
0x56: {  	_ =	swait.ge [sflag:s28], $0x800  }
0x57: {  	[sflag:s28] =	ssyncset.done $0x0  }
0x58: {  	[sflag:s28] =	ssyncadd.s32 $0xFFFFF800  }
0x59: {  	_ =	swait.ge [sflag:s28], $0x800  }
0x5a: {  	[sflag:s28] =	ssyncset.done $0x0  }
0x5b: {  	[sflag:s28] =	ssyncadd.s32 $0xFFFFF800  }
0x5c: {  	_ =	swait.ge [sflag:s28], $0x800  }
0x5d: {  	[sflag:s28] =	ssyncset.done $0x0  }
0x5e: {  	[sflag:s28] =	ssyncadd.s32 $0xFFFFF800  }
0x5f: {  	_ =	swait.ge [sflag:s28], $0x800  }
0x60: {  	[sflag:s28] =	ssyncset.done $0x0  }
0x61: {  	[sflag:s28] =	ssyncadd.s32 $0xFFFFF800  }
0x62: {  	_ =	swait.ge [sflag:s28], $0x400  }
0x63: {  	s7 =	simm.s32 $0x0;
	s2 =	simm.s32 $0x1000;
	[sflag:s28] =	ssyncset.done $0x0  }
.LBB2_2:
0x64: {  	p0 =	sne.s32 s2, $0x7000  }
0x65: {  	s7 =	sadd.s32 $0x1, s7;
	[sflag:s28] =	ssyncadd.s32 $0xFFFFFC00;
	s8 =	smov.u32 s2  }
0x66: {  	s2 =	sadd.s32 $0x1000, s2;
	_ =	swait.ge [sflag:s25], $0x4000;
	s10 =	sshll.u32 s7, $0xE  }
0x67: {  	s8 =	sshra.s32 s8, $0x2;
	[sflag:s25] =	ssyncset.done $0x0;
	s10 =	sand.u32 $0x4000, s10  }
0x68: {  	s12 =	sadd.s32 $0x400, s8;
	[sflag:s25] =	ssyncadd.s32 $0xFFFFC000;
	s24 =	ssub.s32 $0x8E20, s10  }
0x69: {  	[tilespmem:s24], [sflag:$0x1] =	stream.indirect.gather [spmem:s4], $0x10, s12, s23, $0xb8;
	[tilespmem:$0x14E30] =	vst v63  }
0x6a: {  	s12 =	sadd.s32 $0x4E20, s10;
	s24 =	sadd.s32 $0x2710, s8  }
0x6b: {  	[spmem:s3] =	stream.indirect.scatter.add.f32 [tilespmem:s12], [sflag:$0x2], $0x10, s24, s26, $0xb8;
	[tilespmem:$0x14E30] =	vst v63  }
0x6c: {  	s13 =	sadd.s32 $0x2790, s8;
	s12 =	sadd.s32 $0x5620, s10  }
0x6d: {  	[spmem:s3] =	stream.indirect.scatter.add.f32 [tilespmem:s12], [sflag:$0x2], $0x10, s13, s26, $0xb8;
	[tilespmem:$0x14E30] =	vst v63  }
0x6e: {  	s12 =	sadd.s32 $0x5E20, s10;
	s13 =	sadd.s32 $0x2810, s8  }
0x6f: {  	[spmem:s3] =	stream.indirect.scatter.add.f32 [tilespmem:s12], [sflag:$0x2], $0x10, s13, s26, $0xb8;
	[tilespmem:$0x14E30] =	vst v63  }
0x70: {  	s12 =	sadd.s32 $0x6620, s10;
	s13 =	sadd.s32 $0x2890, s8  }
0x71: {  	[spmem:s3] =	stream.indirect.scatter.add.f32 [tilespmem:s12], [sflag:$0x2], $0x10, s13, s26, $0xb8;
	[tilespmem:$0x14E30] =	vst v63  }
0x72: {  	s12 =	sadd.s32 $0x6E20, s10;
	s13 =	sadd.s32 $0x2910, s8  }
0x73: {  	[spmem:s3] =	stream.indirect.scatter.add.f32 [tilespmem:s12], [sflag:$0x2], $0x10, s13, s26, $0xb8;
	[tilespmem:$0x14E30] =	vst v63  }
0x74: {  	s12 =	sadd.s32 $0x7620, s10;
	s13 =	sadd.s32 $0x2990, s8  }
0x75: {  	[spmem:s3] =	stream.indirect.scatter.add.f32 [tilespmem:s12], [sflag:$0x2], $0x10, s13, s26, $0xb8;
	[tilespmem:$0x14E30] =	vst v63  }
0x76: {  	s12 =	sadd.s32 $0x7E20, s10;
	s13 =	sadd.s32 $0x2A10, s8  }
0x77: {  	[spmem:s3] =	stream.indirect.scatter.add.f32 [tilespmem:s12], [sflag:$0x2], $0x10, s13, s26, $0xb8;
	[tilespmem:$0x14E30] =	vst v63  }
0x78: {  	s10 =	sor.u32 $0x8620, s10;
	s8 =	sadd.s32 $0x2A90, s8  }
0x79: {  	[spmem:s3] =	stream.indirect.scatter.add.f32 [tilespmem:s10], [sflag:$0x2], $0x10, s8, s26, $0xb8;
	[tilespmem:$0x14E30] =	vst v63  }
0x7a: {  	_ = 	snop  }
0x7b: {  	[spmem:s5] =	stream.indirect.scatter.add.f32 [tilespmem:s21], [sflag:$0x2], $0x1, s24, s23, $0xb8;
	[tilespmem:$0x14E30] =	vst v63  }
0x7c: {  	_ =	swait.ge [sflag:s28], $0x800  }
0x7d: {  	[sflag:s28] =	ssyncset.done $0x0  }
0x7e: {  	[sflag:s28] =	ssyncadd.s32 $0xFFFFF800  }
0x7f: {  	_ =	swait.ge [sflag:s28], $0x800  }
0x80: {  	[sflag:s28] =	ssyncset.done $0x0  }
0x81: {  	[sflag:s28] =	ssyncadd.s32 $0xFFFFF800  }
0x82: {  	_ =	swait.ge [sflag:s28], $0x800  }
0x83: {  	[sflag:s28] =	ssyncset.done $0x0  }
0x84: {  	[sflag:s28] =	ssyncadd.s32 $0xFFFFF800  }
0x85: {  	_ =	swait.ge [sflag:s28], $0x800  }
0x86: {  	[sflag:s28] =	ssyncset.done $0x0  }
0x87: {  	[sflag:s28] =	ssyncadd.s32 $0xFFFFF800  }
0x88: {  	_ =	swait.ge [sflag:s28], $0x800  }
0x89: {  	[sflag:s28] =	ssyncset.done $0x0  }
0x8a: {  	[sflag:s28] =	ssyncadd.s32 $0xFFFFF800  }
0x8b: {  	_ =	swait.ge [sflag:s28], $0x800  }
0x8c: {  	[sflag:s28] =	ssyncset.done $0x0  }
0x8d: {  	[sflag:s28] =	ssyncadd.s32 $0xFFFFF800  }
0x8e: {  	_ =	swait.ge [sflag:s28], $0x800  }
0x8f: {  	[sflag:s28] =	ssyncset.done $0x0  }
0x90: {  	[sflag:s28] =	ssyncadd.s32 $0xFFFFF800  }
.Ltmp0:
0x91: {  	_ =	swait.ge [sflag:s28], $0x800;
	(pc) =	sbr.rel @p0 .LBB2_2-.Ltmp0, $4  }
0x92: {  	[sflag:s28] =	ssyncset.done $0x0  }
0x93: {  	[sflag:s28] =	ssyncadd.s32 $0xFFFFF800  }
0x94: {  	_ =	swait.ge [sflag:s28], $0x400  }
0x95: {  	[sflag:s28] =	ssyncset.done $0x0  }
0x96: {  	[sflag:s28] =	ssyncadd.s32 $0xFFFFFC00  }
0x97: {  	_ =	swait.ge [sflag:s25], $0x4000  }
0x98: {  	[sflag:s25] =	ssyncset.done $0x0  }
0x99: {  	s2 =	simm.s32 $0x2400;
	[sflag:s25] =	ssyncadd.s32 $0xFFFFC000  }
0x9a: {  	[tilespmem:s31], [sflag:$0x1] =	stream.indirect.gather [spmem:s4], $0x10, s2, s29, $0xb8;
	[tilespmem:$0x14E30] =	vst v63  }
0x9b: {  	s12 =	simm.s32 $0x4E20  }
0x9c: {  	[spmem:s3] =	stream.indirect.scatter.add.f32 [tilespmem:s12], [sflag:$0x2], $0x10, s0, s26, $0xb8;
	[tilespmem:$0x14E30] =	vst v63  }
0x9d: {  	s24 =	simm.s32 $0x4790;
	s7 =	simm.s32 $0x5620  }
0x9e: {  	[spmem:s3] =	stream.indirect.scatter.add.f32 [tilespmem:s7], [sflag:$0x2], $0x10, s24, s26, $0xb8;
	[tilespmem:$0x14E30] =	vst v63  }
0x9f: {  	s8 =	simm.s32 $0x4810;
	s10 =	simm.s32 $0x5E20  }
0xa0: {  	[spmem:s3] =	stream.indirect.scatter.add.f32 [tilespmem:s10], [sflag:$0x2], $0x10, s8, s26, $0xb8;
	[tilespmem:$0x14E30] =	vst v63  }
0xa1: {  	s13 =	simm.s32 $0x4890;
	s24 =	simm.s32 $0x6620  }
0xa2: {  	[spmem:s3] =	stream.indirect.scatter.add.f32 [tilespmem:s24], [sflag:$0x2], $0x10, s13, s26, $0xb8;
	[tilespmem:$0x14E30] =	vst v63  }
0xa3: {  	s8 =	simm.s32 $0x4910;
	s10 =	simm.s32 $0x6E20  }
0xa4: {  	[spmem:s3] =	stream.indirect.scatter.add.f32 [tilespmem:s10], [sflag:$0x2], $0x10, s8, s26, $0xb8;
	[tilespmem:$0x14E30] =	vst v63  }
0xa5: {  	s13 =	simm.s32 $0x4990;
	s24 =	simm.s32 $0x7620  }
0xa6: {  	[spmem:s3] =	stream.indirect.scatter.add.f32 [tilespmem:s24], [sflag:$0x2], $0x10, s13, s26, $0xb8;
	[tilespmem:$0x14E30] =	vst v63  }
0xa7: {  	s8 =	simm.s32 $0x4A10;
	s10 =	simm.s32 $0x7E20  }
0xa8: {  	[spmem:s3] =	stream.indirect.scatter.add.f32 [tilespmem:s10], [sflag:$0x2], $0x10, s8, s26, $0xb8;
	[tilespmem:$0x14E30] =	vst v63  }
0xa9: {  	s13 =	simm.s32 $0x4A90;
	s24 =	simm.s32 $0x8620  }
0xaa: {  	[spmem:s3] =	stream.indirect.scatter.add.f32 [tilespmem:s24], [sflag:$0x2], $0x10, s13, s26, $0xb8;
	[tilespmem:$0x14E30] =	vst v63  }
0xab: {  	_ = 	snop  }
0xac: {  	[spmem:s5] =	stream.indirect.scatter.add.f32 [tilespmem:s21], [sflag:$0x2], $0x1, s0, s23, $0xb8;
	[tilespmem:$0x14E30] =	vst v63  }
0xad: {  	_ =	swait.ge [sflag:s28], $0x800  }
0xae: {  	[sflag:s28] =	ssyncset.done $0x0  }
0xaf: {  	[sflag:s28] =	ssyncadd.s32 $0xFFFFF800  }
0xb0: {  	_ =	swait.ge [sflag:s28], $0x800  }
0xb1: {  	[sflag:s28] =	ssyncset.done $0x0  }
0xb2: {  	[sflag:s28] =	ssyncadd.s32 $0xFFFFF800  }
0xb3: {  	_ =	swait.ge [sflag:s28], $0x800  }
0xb4: {  	[sflag:s28] =	ssyncset.done $0x0  }
0xb5: {  	[sflag:s28] =	ssyncadd.s32 $0xFFFFF800  }
0xb6: {  	_ =	swait.ge [sflag:s28], $0x800  }
0xb7: {  	[sflag:s28] =	ssyncset.done $0x0  }
0xb8: {  	[sflag:s28] =	ssyncadd.s32 $0xFFFFF800  }
0xb9: {  	_ =	swait.ge [sflag:s28], $0x800  }
0xba: {  	[sflag:s28] =	ssyncset.done $0x0  }
0xbb: {  	[sflag:s28] =	ssyncadd.s32 $0xFFFFF800  }
0xbc: {  	_ =	swait.ge [sflag:s28], $0x800  }
0xbd: {  	[sflag:s28] =	ssyncset.done $0x0  }
0xbe: {  	[sflag:s28] =	ssyncadd.s32 $0xFFFFF800  }
0xbf: {  	_ =	swait.ge [sflag:s28], $0x800  }
0xc0: {  	[sflag:s28] =	ssyncset.done $0x0  }
0xc1: {  	[sflag:s28] =	ssyncadd.s32 $0xFFFFF800  }
0xc2: {  	_ =	swait.ge [sflag:s28], $0x800  }
0xc3: {  	[sflag:s28] =	ssyncset.done $0x0  }
0xc4: {  	[sflag:s28] =	ssyncadd.s32 $0xFFFFF800  }
0xc5: {  	_ =	swait.ge [sflag:s28], $0x400  }
0xc6: {  	[sflag:s28] =	ssyncset.done $0x0  }
0xc7: {  	[sflag:s28] =	ssyncadd.s32 $0xFFFFFC00  }
0xc8: {  	_ =	swait.ge [sflag:s25], $0x3100  }
0xc9: {  	[sflag:s25] =	ssyncset.done $0x0  }
0xca: {  	[sflag:s25] =	ssyncadd.s32 $0xFFFFCF00  }
0xcb: {  	[spmem:s3] =	stream.indirect.scatter.add.f32 [tilespmem:s31], [sflag:$0x2], $0x10, s22, s26, $0xb8;
	[tilespmem:$0x14E30] =	vst v63  }
0xcc: {  	s8 =	simm.s32 $0x4B90;
	s10 =	simm.s32 $0x9620  }
0xcd: {  	[spmem:s3] =	stream.indirect.scatter.add.f32 [tilespmem:s10], [sflag:$0x2], $0x10, s8, s26, $0xb8;
	[tilespmem:$0x14E30] =	vst v63  }
0xce: {  	s13 =	simm.s32 $0x4C10;
	s24 =	simm.s32 $0x9E20  }
0xcf: {  	[spmem:s3] =	stream.indirect.scatter.add.f32 [tilespmem:s24], [sflag:$0x2], $0x10, s13, s26, $0xb8;
	[tilespmem:$0x14E30] =	vst v63  }
0xd0: {  	s8 =	simm.s32 $0x4C90;
	s10 =	simm.s32 $0xA620  }
0xd1: {  	[spmem:s3] =	stream.indirect.scatter.add.f32 [tilespmem:s10], [sflag:$0x2], $0x10, s8, s26, $0xb8;
	[tilespmem:$0x14E30] =	vst v63  }
0xd2: {  	s13 =	simm.s32 $0x4D10;
	s24 =	simm.s32 $0xAE20  }
0xd3: {  	[spmem:s3] =	stream.indirect.scatter.add.f32 [tilespmem:s24], [sflag:$0x2], $0x10, s13, s26, $0xb8;
	[tilespmem:$0x14E30] =	vst v63  }
0xd4: {  	s8 =	simm.s32 $0x4D90;
	s10 =	simm.s32 $0xB620  }
0xd5: {  	[spmem:s3] =	stream.indirect.scatter.add.f32 [tilespmem:s10], [sflag:$0x2], $0x10, s8, s26, $0xb8;
	[tilespmem:$0x14E30] =	vst v63  }
0xd6: {  	s13 =	simm.s32 $0x10;
	s24 =	simm.s32 $0x4E10;
	s8 =	simm.s32 $0xBE20  }
0xd7: {  	[spmem:s3] =	stream.indirect.scatter.add.f32 [tilespmem:s8], [sflag:$0x2], $0x10, s24, s13, $0xb8;
	[tilespmem:$0x14E30] =	vst v63  }
0xd8: {  	_ = 	snop  }
0xd9: {  	[spmem:s5] =	stream.indirect.scatter.add.f32 [tilespmem:s21], [sflag:$0x2], $0x1, s22, s29, $0xb8;
	[tilespmem:$0x14E30] =	vst v63  }
0xda: {  	_ =	swait.ge [sflag:s28], $0x800  }
0xdb: {  	[sflag:s28] =	ssyncset.done $0x0  }
0xdc: {  	[sflag:s28] =	ssyncadd.s32 $0xFFFFF800  }
0xdd: {  	_ =	swait.ge [sflag:s28], $0x800  }
0xde: {  	[sflag:s28] =	ssyncset.done $0x0  }
0xdf: {  	[sflag:s28] =	ssyncadd.s32 $0xFFFFF800  }
0xe0: {  	_ =	swait.ge [sflag:s28], $0x800  }
0xe1: {  	[sflag:s28] =	ssyncset.done $0x0  }
0xe2: {  	[sflag:s28] =	ssyncadd.s32 $0xFFFFF800  }
0xe3: {  	_ =	swait.ge [sflag:s28], $0x800  }
0xe4: {  	[sflag:s28] =	ssyncset.done $0x0  }
0xe5: {  	[sflag:s28] =	ssyncadd.s32 $0xFFFFF800  }
0xe6: {  	_ =	swait.ge [sflag:s28], $0x800  }
0xe7: {  	[sflag:s28] =	ssyncset.done $0x0  }
0xe8: {  	[sflag:s28] =	ssyncadd.s32 $0xFFFFF800  }
0xe9: {  	_ =	swait.ge [sflag:s28], $0x800  }
0xea: {  	[sflag:s28] =	ssyncset.done $0x0  }
0xeb: {  	[sflag:s28] =	ssyncadd.s32 $0xFFFFF800  }
0xec: {  	_ =	swait.ge [sflag:s28], $0x100  }
0xed: {  	[sflag:s28] =	ssyncset.done $0x0  }
0xee: {  	[sflag:s28] =	ssyncadd.s32 $0xFFFFFF00  }
0xef: {  	_ =	swait.ge [sflag:s28], $0x310  }
0xf0: {  	[sflag:s28] =	ssyncset.done $0x0  }
0xf1: {  	s8 =	simm.s32 $0x0;
	[sflag:s28] =	ssyncadd.s32 $0xFFFFFCF0  }
0xf2: {  	v1 =	vmov s8;
	[bflag:$0x0] =	sbarrier.arrive $0xFFFF  }
0xf3: {  	v1 =	vshrl.u32 v1, $0x3;
	[hbm:s14], [sflag:s9] =	dma.local [spmem:s17], $0x500  }
0xf4: {  	v1 =	vshll.u32 v1, v0;
	_ =	swait.ge [sflag:s18], $0x500  }
0xf5: {  	v1 =	vbroadcast v1, $0x0;
	[sflag:s18] =	ssyncset.done $0x0  }
0xf6: {  	s10 =	simm.s32 $0x1;
	[sflag:s18] =	ssyncadd.s32 $0xFFFFFB00  }
0xf7: {  	v2 =	vmov s10;
	[tilespmem:s1], [sflag:$0x3] =	stream.linear.gather [spmem:s11], $0x280, $0x38;
	[tilespmem:$0x14E30] =	vst v63  }
0xf8: {  	v2 =	vshrl.u32 v2, $0x3;
	_ =	swait.ge [sflag:s18], $0x280  }
0xf9: {  	v2 =	vshll.u32 v2, v0;
	[sflag:s18] =	ssyncset.done $0x0  }
0xfa: {  	v2 =	vadd.s32 $0x1, v2;
	[sflag:s18] =	ssyncadd.s32 $0xFFFFFD80  }
0xfb: {  	v2 =	vbroadcast v2, $0x0;
	v1 =	vld.idx.msk [tilespmem:v1+s1+$0x0], $0xffff  }
0xfc: {  	s13 =	simm.s32 $0x2  }
0xfd: {  	v3 =	vmov s13  }
0xfe: {  	v3 =	vshrl.u32 v3, $0x3  }
0xff: {  	s2 =	simm.s32 $0xD520;
	v3 =	vshll.u32 v3, v0  }
0x100: {  	[tilespmem:s2+$0xFFFFFF80] =	vst v1;
	v1 =	vadd.s32 $0x2, v3  }
0x101: {  	v2 =	vld.idx.msk [tilespmem:v2+s1+$0x0], $0xffff;
	v1 =	vbroadcast v1, $0x0  }
0x102: {  	s24 =	simm.s32 $0x3  }
0x103: {  	v3 =	vmov s24  }
0x104: {  	v3 =	vshrl.u32 v3, $0x3  }
0x105: {  	v3 =	vshll.u32 v3, v0  }
0x106: {  	[tilespmem:s2+$0xFFFFFF90] =	vst v2;
	v2 =	vadd.s32 $0x3, v3  }
0x107: {  	v1 =	vld.idx.msk [tilespmem:v1+s1+$0x0], $0xffff;
	v2 =	vbroadcast v2, $0x0  }
0x108: {  	s8 =	simm.s32 $0x4  }
0x109: {  	v3 =	vmov s8  }
0x10a: {  	v3 =	vshrl.u32 v3, $0x3  }
0x10b: {  	v3 =	vshll.u32 v3, v0  }
0x10c: {  	[tilespmem:s2+$0xFFFFFFA0] =	vst v1;
	v1 =	vadd.s32 $0x4, v3  }
0x10d: {  	v2 =	vld.idx.msk [tilespmem:v2+s1+$0x0], $0xffff;
	v1 =	vbroadcast v1, $0x0  }
0x10e: {  	s10 =	simm.s32 $0x5  }
0x10f: {  	v3 =	vmov s10  }
0x110: {  	v3 =	vshrl.u32 v3, $0x3  }
0x111: {  	v3 =	vshll.u32 v3, v0  }
0x112: {  	[tilespmem:s2+$0xFFFFFFB0] =	vst v2;
	v2 =	vadd.s32 $0x5, v3  }
0x113: {  	v1 =	vld.idx.msk [tilespmem:v1+s1+$0x0], $0xffff;
	v2 =	vbroadcast v2, $0x0  }
0x114: {  	s13 =	simm.s32 $0x6  }
0x115: {  	v3 =	vmov s13  }
0x116: {  	v3 =	vshrl.u32 v3, $0x3  }
0x117: {  	v3 =	vshll.u32 v3, v0  }
0x118: {  	[tilespmem:s2+$0xFFFFFFC0] =	vst v1;
	v1 =	vadd.s32 $0x6, v3  }
0x119: {  	v2 =	vld.idx.msk [tilespmem:v2+s1+$0x0], $0xffff;
	v1 =	vbroadcast v1, $0x0  }
0x11a: {  	s24 =	simm.s32 $0x7  }
0x11b: {  	v3 =	vmov s24  }
0x11c: {  	v3 =	vshrl.u32 v3, $0x3  }
0x11d: {  	v3 =	vshll.u32 v3, v0  }
0x11e: {  	[tilespmem:s2+$0xFFFFFFD0] =	vst v2;
	v2 =	vadd.s32 $0x7, v3  }
0x11f: {  	v1 =	vld.idx.msk [tilespmem:v1+s1+$0x0], $0xffff;
	v2 =	vbroadcast v2, $0x0;
	_ =	sdelay $0x1  }
0x120: {  	s8 =	simm.s32 $0x8  }
0x121: {  	v3 =	vmov s8  }
0x122: {  	v3 =	vshrl.u32 v3, $0x3  }
0x123: {  	[tilespmem:s2+$0xFFFFFFE0] =	vst v1;
	v1 =	vshll.u32 v3, v0  }
0x124: {  	v2 =	vld.idx.msk [tilespmem:v2+s1+$0x0], $0xffff;
	v1 =	vbroadcast v1, $0x0  }
0x125: {  	s10 =	simm.s32 $0x9  }
0x126: {  	v3 =	vmov s10  }
0x127: {  	v3 =	vshrl.u32 v3, $0x3  }
0x128: {  	v3 =	vshll.u32 v3, v0  }
0x129: {  	[tilespmem:s2+$0xFFFFFFF0] =	vst v2;
	v2 =	vadd.s32 $0x1, v3  }
0x12a: {  	v1 =	vld.idx.msk [tilespmem:v1+s1+$0x0], $0xffff;
	v2 =	vbroadcast v2, $0x0  }
0x12b: {  	s13 =	simm.s32 $0xA  }
0x12c: {  	v3 =	vmov s13  }
0x12d: {  	v3 =	vshrl.u32 v3, $0x3  }
0x12e: {  	v3 =	vshll.u32 v3, v0  }
0x12f: {  	[tilespmem:s2+$0x0] =	vst v1;
	v1 =	vadd.s32 $0x2, v3  }
0x130: {  	v2 =	vld.idx.msk [tilespmem:v2+s1+$0x0], $0xffff;
	v1 =	vbroadcast v1, $0x0  }
0x131: {  	s24 =	simm.s32 $0xB  }
0x132: {  	v3 =	vmov s24  }
0x133: {  	v3 =	vshrl.u32 v3, $0x3  }
0x134: {  	v3 =	vshll.u32 v3, v0  }
0x135: {  	[tilespmem:s2+$0x10] =	vst v2;
	v2 =	vadd.s32 $0x3, v3  }
0x136: {  	v1 =	vld.idx.msk [tilespmem:v1+s1+$0x0], $0xffff;
	v2 =	vbroadcast v2, $0x0  }
0x137: {  	s8 =	simm.s32 $0xC  }
0x138: {  	v3 =	vmov s8  }
0x139: {  	v3 =	vshrl.u32 v3, $0x3  }
0x13a: {  	v3 =	vshll.u32 v3, v0  }
0x13b: {  	[tilespmem:s2+$0x20] =	vst v1;
	v1 =	vadd.s32 $0x4, v3  }
0x13c: {  	v2 =	vld.idx.msk [tilespmem:v2+s1+$0x0], $0xffff;
	v1 =	vbroadcast v1, $0x0  }
0x13d: {  	s10 =	simm.s32 $0xD  }
0x13e: {  	v3 =	vmov s10  }
0x13f: {  	v3 =	vshrl.u32 v3, $0x3  }
0x140: {  	v3 =	vshll.u32 v3, v0  }
0x141: {  	[tilespmem:s2+$0x30] =	vst v2;
	v2 =	vadd.s32 $0x5, v3  }
0x142: {  	v1 =	vld.idx.msk [tilespmem:v1+s1+$0x0], $0xffff;
	v2 =	vbroadcast v2, $0x0  }
0x143: {  	s13 =	simm.s32 $0xE  }
0x144: {  	v3 =	vmov s13  }
0x145: {  	v3 =	vshrl.u32 v3, $0x3  }
0x146: {  	v3 =	vshll.u32 v3, v0  }
0x147: {  	[tilespmem:s2+$0x40] =	vst v1;
	v1 =	vadd.s32 $0x6, v3  }
0x148: {  	v2 =	vld.idx.msk [tilespmem:v2+s1+$0x0], $0xffff;
	v1 =	vbroadcast v1, $0x0  }
0x149: {  	s24 =	simm.s32 $0xF  }
0x14a: {  	v3 =	vmov s24  }
0x14b: {  	v3 =	vshrl.u32 v3, $0x3  }
0x14c: {  	v3 =	vshll.u32 v3, v0  }
0x14d: {  	v3 =	vadd.s32 $0x7, v3;
	[tilespmem:s2+$0x50] =	vst v2  }
0x14e: {  	v2 =	vld.idx.msk [tilespmem:v1+s1+$0x0], $0xffff;
	v1 =	vbroadcast v3, $0x0;
	_ =	sdelay $0x2  }
0x14f: {  	s7 =	simm.s32 $0x1F;
	s8 =	simm.s32 $0x2F;
	s10 =	simm.s32 $0x10  }
.LBB2_4:
0x150: {  	p0 =	sne.s32 s8, $0x27F;
	v3 =	vmov s10  }
0x151: {  	v3 =	vshrl.u32 v3, $0x3;
	[tilespmem:s2+$0x60] =	vst v2  }
0x152: {  	v2 =	vshll.u32 v3, v0;
	v1 =	vld.idx.msk [tilespmem:v1+s1+$0x0], $0xffff  }
0x153: {  	v2 =	vbroadcast v2, $0x0;
	_ =	sdelay $0x1  }
0x154: {  	s10 =	sadd.s32 $0xFFFFFFF2, s7  }
0x155: {  	v3 =	vmov s10  }
0x156: {  	v3 =	vshrl.u32 v3, $0x3  }
0x157: {  	v3 =	vshll.u32 v3, v0;
	[tilespmem:s2+$0x70] =	vst v1  }
0x158: {  	v1 =	vld.idx.msk [tilespmem:v2+s1+$0x0], $0xffff;
	v2 =	vadd.s32 $0x1, v3  }
0x159: {  	v2 =	vbroadcast v2, $0x0;
	_ =	sdelay $0x1  }
0x15a: {  	s10 =	sadd.s32 $0xFFFFFFF3, s7  }
0x15b: {  	v3 =	vmov s10  }
0x15c: {  	s2 =	sadd.s32 $0x100, s2;
	v3 =	vshrl.u32 v3, $0x3  }
0x15d: {  	[tilespmem:s2+$0xFFFFFF80] =	vst v1;
	v1 =	vshll.u32 v3, v0  }
0x15e: {  	v2 =	vld.idx.msk [tilespmem:v2+s1+$0x0], $0xffff;
	v1 =	vadd.s32 $0x2, v1  }
0x15f: {  	v1 =	vbroadcast v1, $0x0;
	_ =	sdelay $0x1  }
0x160: {  	s10 =	sadd.s32 $0xFFFFFFF4, s7  }
0x161: {  	v3 =	vmov s10  }
0x162: {  	v3 =	vshrl.u32 v3, $0x3  }
0x163: {  	[tilespmem:s2+$0xFFFFFF90] =	vst v2;
	v2 =	vshll.u32 v3, v0  }
0x164: {  	v1 =	vld.idx.msk [tilespmem:v1+s1+$0x0], $0xffff;
	v2 =	vadd.s32 $0x3, v2  }
0x165: {  	v2 =	vbroadcast v2, $0x0;
	_ =	sdelay $0x1  }
0x166: {  	s10 =	sadd.s32 $0xFFFFFFF5, s7  }
0x167: {  	v3 =	vmov s10  }
0x168: {  	v3 =	vshrl.u32 v3, $0x3  }
0x169: {  	[tilespmem:s2+$0xFFFFFFA0] =	vst v1;
	v1 =	vshll.u32 v3, v0  }
0x16a: {  	v2 =	vld.idx.msk [tilespmem:v2+s1+$0x0], $0xffff;
	v1 =	vadd.s32 $0x4, v1  }
0x16b: {  	v1 =	vbroadcast v1, $0x0;
	_ =	sdelay $0x1  }
0x16c: {  	s10 =	sadd.s32 $0xFFFFFFF6, s7  }
0x16d: {  	v3 =	vmov s10  }
0x16e: {  	v3 =	vshrl.u32 v3, $0x3  }
0x16f: {  	[tilespmem:s2+$0xFFFFFFB0] =	vst v2;
	v2 =	vshll.u32 v3, v0  }
0x170: {  	v1 =	vld.idx.msk [tilespmem:v1+s1+$0x0], $0xffff;
	v2 =	vadd.s32 $0x5, v2  }
0x171: {  	v2 =	vbroadcast v2, $0x0;
	_ =	sdelay $0x1  }
0x172: {  	s10 =	sadd.s32 $0xFFFFFFF7, s7  }
0x173: {  	v3 =	vmov s10  }
0x174: {  	v3 =	vshrl.u32 v3, $0x3  }
0x175: {  	[tilespmem:s2+$0xFFFFFFC0] =	vst v1;
	v1 =	vshll.u32 v3, v0  }
0x176: {  	v2 =	vld.idx.msk [tilespmem:v2+s1+$0x0], $0xffff;
	v1 =	vadd.s32 $0x6, v1  }
0x177: {  	v1 =	vbroadcast v1, $0x0;
	_ =	sdelay $0x1  }
0x178: {  	s10 =	sadd.s32 $0xFFFFFFF8, s7  }
0x179: {  	v3 =	vmov s10  }
0x17a: {  	v3 =	vshrl.u32 v3, $0x3  }
0x17b: {  	[tilespmem:s2+$0xFFFFFFD0] =	vst v2;
	v2 =	vshll.u32 v3, v0  }
0x17c: {  	v1 =	vld.idx.msk [tilespmem:v1+s1+$0x0], $0xffff;
	v2 =	vadd.s32 $0x7, v2  }
0x17d: {  	v2 =	vbroadcast v2, $0x0;
	_ =	sdelay $0x2  }
0x17e: {  	s10 =	sadd.s32 $0xFFFFFFF9, s7  }
0x17f: {  	v3 =	vmov s10  }
0x180: {  	[tilespmem:s2+$0xFFFFFFE0] =	vst v1;
	v1 =	vshrl.u32 v3, $0x3  }
0x181: {  	v2 =	vld.idx.msk [tilespmem:v2+s1+$0x0], $0xffff;
	v1 =	vshll.u32 v1, v0  }
0x182: {  	v1 =	vbroadcast v1, $0x0;
	_ =	sdelay $0x1  }
0x183: {  	s10 =	sadd.s32 $0xFFFFFFFA, s7  }
0x184: {  	v3 =	vmov s10  }
0x185: {  	v3 =	vshrl.u32 v3, $0x3  }
0x186: {  	[tilespmem:s2+$0xFFFFFFF0] =	vst v2;
	v2 =	vshll.u32 v3, v0  }
0x187: {  	v1 =	vld.idx.msk [tilespmem:v1+s1+$0x0], $0xffff;
	v2 =	vadd.s32 $0x1, v2  }
0x188: {  	v2 =	vbroadcast v2, $0x0;
	_ =	sdelay $0x1  }
0x189: {  	s10 =	sadd.s32 $0xFFFFFFFB, s7  }
0x18a: {  	v3 =	vmov s10  }
0x18b: {  	v3 =	vshrl.u32 v3, $0x3  }
0x18c: {  	[tilespmem:s2+$0x0] =	vst v1;
	v1 =	vshll.u32 v3, v0  }
0x18d: {  	v2 =	vld.idx.msk [tilespmem:v2+s1+$0x0], $0xffff;
	v1 =	vadd.s32 $0x2, v1  }
0x18e: {  	v1 =	vbroadcast v1, $0x0;
	_ =	sdelay $0x1  }
0x18f: {  	s10 =	sadd.s32 $0xFFFFFFFC, s7  }
0x190: {  	v3 =	vmov s10  }
0x191: {  	v3 =	vshrl.u32 v3, $0x3  }
0x192: {  	[tilespmem:s2+$0x10] =	vst v2;
	v2 =	vshll.u32 v3, v0  }
0x193: {  	v1 =	vld.idx.msk [tilespmem:v1+s1+$0x0], $0xffff;
	v2 =	vadd.s32 $0x3, v2  }
0x194: {  	v2 =	vbroadcast v2, $0x0;
	_ =	sdelay $0x1  }
0x195: {  	s10 =	sadd.s32 $0xFFFFFFFD, s7  }
0x196: {  	v3 =	vmov s10  }
0x197: {  	v3 =	vshrl.u32 v3, $0x3  }
0x198: {  	[tilespmem:s2+$0x20] =	vst v1;
	v1 =	vshll.u32 v3, v0  }
0x199: {  	v2 =	vld.idx.msk [tilespmem:v2+s1+$0x0], $0xffff;
	v1 =	vadd.s32 $0x4, v1  }
0x19a: {  	v1 =	vbroadcast v1, $0x0;
	_ =	sdelay $0x1  }
0x19b: {  	s10 =	sadd.s32 $0xFFFFFFFE, s7  }
0x19c: {  	v3 =	vmov s10  }
0x19d: {  	v3 =	vshrl.u32 v3, $0x3  }
0x19e: {  	[tilespmem:s2+$0x30] =	vst v2;
	v2 =	vshll.u32 v3, v0  }
0x19f: {  	v1 =	vld.idx.msk [tilespmem:v1+s1+$0x0], $0xffff;
	v2 =	vadd.s32 $0x5, v2  }
0x1a0: {  	v2 =	vbroadcast v2, $0x0;
	_ =	sdelay $0x1  }
0x1a1: {  	s10 =	sadd.s32 $0xFFFFFFFF, s7  }
0x1a2: {  	v3 =	vmov s10  }
0x1a3: {  	v3 =	vshrl.u32 v3, $0x3  }
0x1a4: {  	[tilespmem:s2+$0x40] =	vst v1;
	v1 =	vshll.u32 v3, v0  }
0x1a5: {  	v2 =	vld.idx.msk [tilespmem:v2+s1+$0x0], $0xffff;
	v1 =	vadd.s32 $0x6, v1  }
0x1a6: {  	v1 =	vbroadcast v1, $0x0;
	_ =	sdelay $0x2  }
0x1a7: {  	v3 =	vmov s7;
	s7 =	smov.u32 s8  }
0x1a8: {  	v3 =	vshrl.u32 v3, $0x3  }
0x1a9: {  	v3 =	vshll.u32 v3, v0;
	[tilespmem:s2+$0x50] =	vst v2  }
.Ltmp1:
0x1aa: {  	v2 =	vld.idx.msk [tilespmem:v1+s1+$0x0], $0xffff;
	v1 =	vadd.s32 $0x7, v3;
	(pc) =	sbr.rel @p0 .LBB2_4-.Ltmp1, $2  }
0x1ab: {  	v1 =	vbroadcast v1, $0x0;
	_ =	sdelay $0x2  }
0x1ac: {  	s8 =	sadd.s32 $0x10, s8;
	s10 =	sadd.s32 $0xFFFFFFF1, s7  }
0x1ad: {  	_ = 	snop  }
0x1ae: {  	v3 =	vmov s10  }
0x1af: {  	v3 =	vshrl.u32 v3, $0x3  }
0x1b0: {  	[tilespmem:s2+$0x60] =	vst v2;
	v2 =	vshll.u32 v3, v0  }
0x1b1: {  	v1 =	vld.idx.msk [tilespmem:v1+s1+$0x0], $0xffff;
	v2 =	vbroadcast v2, $0x0  }
0x1b2: {  	s8 =	sadd.s32 $0xFFFFFFF2, s7  }
0x1b3: {  	v3 =	vmov s8  }
0x1b4: {  	v3 =	vshrl.u32 v3, $0x3  }
0x1b5: {  	v3 =	vshll.u32 v3, v0  }
0x1b6: {  	[tilespmem:s2+$0x70] =	vst v1;
	v1 =	vadd.s32 $0x1, v3  }
0x1b7: {  	v1 =	vbroadcast v1, $0x0;
	v2 =	vld.idx.msk [tilespmem:v2+s1+$0x0], $0xffff  }
0x1b8: {  	s13 =	sadd.s32 $0xFFFFFFF3, s7  }
0x1b9: {  	v3 =	vmov s13  }
0x1ba: {  	v3 =	vshrl.u32 v3, $0x3  }
0x1bb: {  	s2 =	sadd.s32 $0x100, s2;
	v3 =	vshll.u32 v3, v0  }
0x1bc: {  	[tilespmem:s2+$0xFFFFFF80] =	vst v2;
	v2 =	vadd.s32 $0x2, v3  }
0x1bd: {  	v1 =	vld.idx.msk [tilespmem:v1+s1+$0x0], $0xffff;
	v2 =	vbroadcast v2, $0x0  }
0x1be: {  	s24 =	sadd.s32 $0xFFFFFFF4, s7  }
0x1bf: {  	v3 =	vmov s24  }
0x1c0: {  	v3 =	vshrl.u32 v3, $0x3  }
0x1c1: {  	v3 =	vshll.u32 v3, v0  }
0x1c2: {  	[tilespmem:s2+$0xFFFFFF90] =	vst v1;
	v1 =	vadd.s32 $0x3, v3  }
0x1c3: {  	v2 =	vld.idx.msk [tilespmem:v2+s1+$0x0], $0xffff;
	v1 =	vbroadcast v1, $0x0  }
0x1c4: {  	s10 =	sadd.s32 $0xFFFFFFF5, s7  }
0x1c5: {  	v3 =	vmov s10  }
0x1c6: {  	v3 =	vshrl.u32 v3, $0x3  }
0x1c7: {  	v3 =	vshll.u32 v3, v0  }
0x1c8: {  	[tilespmem:s2+$0xFFFFFFA0] =	vst v2;
	v2 =	vadd.s32 $0x4, v3  }
0x1c9: {  	v1 =	vld.idx.msk [tilespmem:v1+s1+$0x0], $0xffff;
	v2 =	vbroadcast v2, $0x0  }
0x1ca: {  	s13 =	sadd.s32 $0xFFFFFFF6, s7  }
0x1cb: {  	v3 =	vmov s13  }
0x1cc: {  	v3 =	vshrl.u32 v3, $0x3  }
0x1cd: {  	v3 =	vshll.u32 v3, v0  }
0x1ce: {  	[tilespmem:s2+$0xFFFFFFB0] =	vst v1;
	v1 =	vadd.s32 $0x5, v3  }
0x1cf: {  	v2 =	vld.idx.msk [tilespmem:v2+s1+$0x0], $0xffff;
	v1 =	vbroadcast v1, $0x0  }
0x1d0: {  	s24 =	sadd.s32 $0xFFFFFFF7, s7  }
0x1d1: {  	v3 =	vmov s24  }
0x1d2: {  	v3 =	vshrl.u32 v3, $0x3  }
0x1d3: {  	v3 =	vshll.u32 v3, v0  }
0x1d4: {  	[tilespmem:s2+$0xFFFFFFC0] =	vst v2;
	v2 =	vadd.s32 $0x6, v3  }
0x1d5: {  	v1 =	vld.idx.msk [tilespmem:v1+s1+$0x0], $0xffff;
	v2 =	vbroadcast v2, $0x0  }
0x1d6: {  	s10 =	sadd.s32 $0xFFFFFFF8, s7  }
0x1d7: {  	v3 =	vmov s10  }
0x1d8: {  	v3 =	vshrl.u32 v3, $0x3  }
0x1d9: {  	v3 =	vshll.u32 v3, v0  }
0x1da: {  	[tilespmem:s2+$0xFFFFFFD0] =	vst v1;
	v1 =	vadd.s32 $0x7, v3  }
0x1db: {  	v2 =	vld.idx.msk [tilespmem:v2+s1+$0x0], $0xffff;
	v1 =	vbroadcast v1, $0x0;
	_ =	sdelay $0x1  }
0x1dc: {  	s13 =	sadd.s32 $0xFFFFFFF9, s7  }
0x1dd: {  	v3 =	vmov s13  }
0x1de: {  	v3 =	vshrl.u32 v3, $0x3  }
0x1df: {  	[tilespmem:s2+$0xFFFFFFE0] =	vst v2;
	v2 =	vshll.u32 v3, v0  }
0x1e0: {  	v1 =	vld.idx.msk [tilespmem:v1+s1+$0x0], $0xffff;
	v2 =	vbroadcast v2, $0x0  }
0x1e1: {  	s24 =	sadd.s32 $0xFFFFFFFA, s7  }
0x1e2: {  	v3 =	vmov s24  }
0x1e3: {  	v3 =	vshrl.u32 v3, $0x3  }
0x1e4: {  	v3 =	vshll.u32 v3, v0  }
0x1e5: {  	[tilespmem:s2+$0xFFFFFFF0] =	vst v1;
	v1 =	vadd.s32 $0x1, v3  }
0x1e6: {  	v2 =	vld.idx.msk [tilespmem:v2+s1+$0x0], $0xffff;
	v1 =	vbroadcast v1, $0x0  }
0x1e7: {  	s10 =	sadd.s32 $0xFFFFFFFB, s7  }
0x1e8: {  	v3 =	vmov s10  }
0x1e9: {  	v3 =	vshrl.u32 v3, $0x3  }
0x1ea: {  	v3 =	vshll.u32 v3, v0  }
0x1eb: {  	[tilespmem:s2+$0x0] =	vst v2;
	v2 =	vadd.s32 $0x2, v3  }
0x1ec: {  	v1 =	vld.idx.msk [tilespmem:v1+s1+$0x0], $0xffff;
	v2 =	vbroadcast v2, $0x0  }
0x1ed: {  	s13 =	sadd.s32 $0xFFFFFFFC, s7  }
0x1ee: {  	v3 =	vmov s13  }
0x1ef: {  	v3 =	vshrl.u32 v3, $0x3  }
0x1f0: {  	v3 =	vshll.u32 v3, v0  }
0x1f1: {  	[tilespmem:s2+$0x10] =	vst v1;
	v1 =	vadd.s32 $0x3, v3  }
0x1f2: {  	v2 =	vld.idx.msk [tilespmem:v2+s1+$0x0], $0xffff;
	v1 =	vbroadcast v1, $0x0  }
0x1f3: {  	s24 =	sadd.s32 $0xFFFFFFFD, s7  }
0x1f4: {  	v3 =	vmov s24  }
0x1f5: {  	v3 =	vshrl.u32 v3, $0x3  }
0x1f6: {  	v3 =	vshll.u32 v3, v0  }
0x1f7: {  	[tilespmem:s2+$0x20] =	vst v2;
	v2 =	vadd.s32 $0x4, v3  }
0x1f8: {  	v1 =	vld.idx.msk [tilespmem:v1+s1+$0x0], $0xffff;
	v2 =	vbroadcast v2, $0x0  }
0x1f9: {  	s10 =	sadd.s32 $0xFFFFFFFE, s7  }
0x1fa: {  	v3 =	vmov s10  }
0x1fb: {  	v3 =	vshrl.u32 v3, $0x3  }
0x1fc: {  	v3 =	vshll.u32 v3, v0  }
0x1fd: {  	[tilespmem:s2+$0x30] =	vst v1;
	v1 =	vadd.s32 $0x5, v3  }
0x1fe: {  	v2 =	vld.idx.msk [tilespmem:v2+s1+$0x0], $0xffff;
	v1 =	vbroadcast v1, $0x0  }
0x1ff: {  	s13 =	sadd.s32 $0xFFFFFFFF, s7  }
0x200: {  	v3 =	vmov s13  }
0x201: {  	v3 =	vshrl.u32 v3, $0x3  }
0x202: {  	v3 =	vshll.u32 v3, v0  }
0x203: {  	[tilespmem:s2+$0x40] =	vst v2;
	v2 =	vadd.s32 $0x6, v3  }
0x204: {  	v1 =	vld.idx.msk [tilespmem:v1+s1+$0x0], $0xffff;
	v2 =	vbroadcast v2, $0x0;
	_ =	sdelay $0x1  }
0x205: {  	v3 =	vmov s7  }
0x206: {  	v3 =	vshrl.u32 v3, $0x3  }
0x207: {  	v3 =	vshll.u32 v3, v0  }
0x208: {  	[tilespmem:s2+$0x50] =	vst v1;
	v1 =	vadd.s32 $0x7, v3  }
0x209: {  	v2 =	vld.idx.msk [tilespmem:v2+s1+$0x0], $0xffff;
	v1 =	vbroadcast v1, $0x0;
	_ =	sdelay $0x4  }
0x20a: {  	[tilespmem:s2+$0x60] =	vst v2  }
0x20b: {  	v1 =	vld.idx.msk [tilespmem:v1+s1+$0x0], $0xffff;
	_ =	sdelay $0x2  }
0x20c: {  	s30 =	sadd.s32 $0x1, s30  }
0x20d: {  	p0 =	sne.s32 s30, s16  }
.Ltmp2:
0x20e: {  	s24 =	simm.s32 $0xD4A0;
	[tilespmem:s2+$0x70] =	vst v1;
	(pc) =	sbr.rel @p0 .LBB2_1-.Ltmp2, $4  }
0x20f: {  	[hbm4b:s15+s6] =	stream.linear.scatter [tilespmem:s24], [sflag:$0x3], $0x2800, $0x38;
	[tilespmem:$0x14E30] =	vst v63  }
0x210: {  	_ =	swait.ge [sflag:s18], $0x2800  }
0x211: {  	[sflag:s18] =	ssyncset.done $0x0  }
0x212: {  	[sflag:s18] =	ssyncadd.s32 $0xFFFFD800  }
0x213: {  	_ =	sfence.sel $0x180000  }
0x214: {  	[bflag:$0x0] =	sbarrier.arrive $0xFFFF  }
0x215: {  	_ =	strace $0x90000047  }
0x216: {  	s0 =	stileid.u32;
	[bflag:$0x2] =	sbarrier.arrive $0xFFFF  }
0x217: {  	p0 =	sne.s32 s0, $0x0;
	s0 =	rddreg [dreg:$0x5]  }
0x218: {  	s0 =	sadd.s32 @!p0 $0x100000, s0  }
0x219: {  	[sflag:s0] =	ssyncadd.tile.s32 @!p0 $0x1;
	_ =	shalt  }
.Lfunc_end2:
_tile_overlayer_lowered:
.L_overlay_start_2:
0x21a: {  	(tag) =	ssettag $0x2  }
0x21b: {  	s0 =	rddreg [dreg:$0x0];
	s2 =	stileid.u32  }
0x21c: {  	s1 =	rddreg [dreg:$0x1];
	p0 =	sne.s32 s2, $0x0  }
0x21d: {  	s3 =	rddreg [dreg:$0x2];
	[bflag:$0x3] =	sbarrier.arrive $0xFFFF;
	s2 =	simm.s32 @!p0 $0x1C03  }
0x21e: {  	[timem:s3], [sflag:s2] =	dma.local @!p0 [hbm:s0], s1  }
0x21f: {  	s0 =	simm.s32 @!p0 $0x3  }
0x220: {  	_ =	swait.ge @!p0 [sflag:s0], s1  }
0x221: {  	s1 =	ssub.s32 @!p0 $0x0, s1;
	[sflag:s0] =	ssyncset.done @!p0 $0x0  }
0x222: {  	[sflag:s0] =	ssyncadd.s32 @!p0 s1  }
0x223: {  	[bflag:$0x3] =	sbarrier.arrive $0xFFFF  }
0x224: {  	_ =	shalt  }

</sc_bundles>
